<compile_context>
chip_gen: v7x
topology: tpu7x:2x2x1
jax: 0.10.2.dev20260603
libtpu: 0.0.44.dev20260713+nightly
codegen_flags: <defaults>
</compile_context>

<pallas_src>
import functools

import jax
import jax.numpy as jnp
from jax import lax
from jax.experimental import pallas as pl
from jax.experimental.pallas import tpu as pltpu
from jax.experimental.pallas import tpu_sc as plsc

N = 50000
E = 1600000
D_EDGE = 4
HID = 16
C_OUT = 24
W = 16
CNT_COL = 8

NC = 2
NS = 16
NW = NC * NS
EPW = E // NW
CHUNK = 800
TOTCH = E // CHUNK
CPT = -(-TOTCH // NW)
CPT2 = -(-CPT // 2)
GROUPS = CHUNK // 16

NPAD = 50176
RPT = NPAD // NS
ZROWS = 98
ZCOPIES = RPT // ZROWS

ER = E // 8
KR = 1600

_mesh = plsc.VectorSubcoreMesh(core_axis_name="c", subcore_axis_name="s")
_sc_params = pltpu.CompilerParams(
    needs_layout_passes=False, use_tc_tiling_on_sc=False
)


@functools.partial(
    pl.kernel,
    out_type=(
        jax.ShapeDtypeStruct((NC, NPAD, W), jnp.float32),
        jax.ShapeDtypeStruct((NC, NPAD, W), jnp.float32),
    ),
    mesh=_mesh,
    compiler_params=_sc_params,
    scratch_types=[
        pltpu.VMEM((N,), jnp.float32),
        pltpu.VMEM((CHUNK, W), jnp.float32),
        pltpu.VMEM((CHUNK, W), jnp.float32),
        pltpu.VMEM((CHUNK,), jnp.int32),
        pltpu.VMEM((CHUNK,), jnp.int32),
        pltpu.VMEM((CHUNK,), jnp.int32),
        pltpu.VMEM((CHUNK,), jnp.int32),
        pltpu.VMEM((ZROWS, W), jnp.float32),
        pltpu.VMEM_SHARED((NPAD, W), jnp.float32),
        pltpu.SemaphoreType.DMA,
        pltpu.SemaphoreType.DMA,
    ],
)
def _sc_scatter(x_hbm, lo_hbm, hi_hbm, ei_hbm,
                outlo_hbm, outhi_hbm,
                x_v, msg_v0, msg_v1, src_v0, src_v1, dst_v0, dst_v1,
                z_v, acc_sh, sem0, sem1):
    cid = lax.axis_index("c")
    sid = lax.axis_index("s")
    wid = sid * NC + cid
    base = wid * EPW

    pltpu.sync_copy(x_hbm, x_v)

    zeros16 = jnp.zeros((16,), jnp.float32)

    def zrow(r, c):
        z_v[r, pl.ds(0, 16)] = zeros16
        return c

    lax.fori_loop(0, ZROWS, zrow, 0)

    for phase, (msg_hbm, out_hbm) in enumerate(
        ((lo_hbm, outlo_hbm), (hi_hbm, outhi_hbm))
    ):
        def zcopy(j, c):
            pltpu.sync_copy(
                z_v, acc_sh.at[pl.ds(sid * RPT + j * ZROWS, ZROWS)]
            )
            return c

        lax.fori_loop(0, ZCOPIES, zcopy, 0)
        plsc.subcore_barrier()

        rows16 = lax.iota(jnp.int32, 16)
        slots = (
            (msg_v0, src_v0, dst_v0, sem0),
            (msg_v1, src_v1, dst_v1, sem1),
        )

        def chunk_slices(slot, gci):
            msg_b, src_b, dst_b, sem = slots[slot]
            off = gci * CHUNK
            iblk = off // BE
            rem = off % BE
            kgrp = rem // KR
            row0 = iblk * KR + rem % KR
            return (
                (ei_hbm.at[0, pl.ds(off, CHUNK)], src_b, sem),
                (ei_hbm.at[1, pl.ds(off, CHUNK)], dst_b, sem),
                (
                    msg_hbm.at[pl.ds(row0, CHUNK), pl.ds(kgrp * W, W)],
                    msg_b,
                    sem,
                ),
            )

        def issue_loads(slot, gci):
            for s, d, sem in chunk_slices(slot, gci):
                pltpu.async_copy(s, d, sem)

        def wait_loads(slot, gci):
            for s, d, sem in chunk_slices(slot, gci):
                pltpu.make_async_copy(s, d, sem).wait()

        for s0 in (0, 1):
            gci_p = wid + NW * s0

            @pl.when(gci_p < TOTCH)
            def _(s0=s0, gci_p=gci_p):
                issue_loads(s0, gci_p)

        def chunk_body(ci2, carry):
            for slot in (0, 1):
                gci = wid + NW * (2 * ci2 + slot)

                @pl.when(gci < TOTCH)
                def _(slot=slot, gci=gci):
                    wait_loads(slot, gci)
                    msg_b, src_b, dst_b, sem = slots[slot]

                    def grp(gi, c):
                        idx = src_b[pl.ds(gi * 16, 16)]
                        xs = plsc.load_gather(x_v, [idx])
                        for b in range(16):
                            sp = lax.gather(
                                xs,
                                jnp.full((16, 1), b, jnp.int32),
                                lax.GatherDimensionNumbers(
                                    offset_dims=(),
                                    collapsed_slice_dims=(0,),
                                    start_index_map=(0,),
                                ),
                                (1,),
                                mode=lax.GatherScatterMode.PROMISE_IN_BOUNDS,
                            )
                            if phase == 1:
                                sp = jnp.where(rows16 == CNT_COL, 1.0, sp)
                            row = gi * 16 + b
                            msg_b[row, pl.ds(0, 16)] = (
                                msg_b[row, pl.ds(0, 16)] * sp
                            )
                        return c

                    lax.fori_loop(0, GROUPS, grp, 0)
                    pltpu.sync_copy(msg_b, acc_sh.at[dst_b], add=True)
                    nxt = gci + 2 * NW

                    @pl.when(nxt < TOTCH)
                    def _():
                        issue_loads(slot, nxt)

            return carry

        lax.fori_loop(0, CPT2, chunk_body, 0)
        plsc.subcore_barrier()
        pltpu.sync_copy(
            acc_sh.at[pl.ds(sid * RPT, RPT)],
            out_hbm.at[cid, pl.ds(sid * RPT, RPT)],
        )


BE = 12800


def _tc_msg_body(ea_ref, w0b_ref, b0b_ref, w1lo_ref, b1lo_ref,
                 w1hi_ref, b1hi_ref, lo_ref, hi_ref):
    eab = jnp.concatenate(
        [ea_ref[KR * k:KR * (k + 1), :] for k in range(8)], axis=1
    )
    hbig = jnp.maximum(
        jnp.dot(eab, w0b_ref[...], preferred_element_type=jnp.float32)
        + b0b_ref[...],
        0.0,
    )
    lo_ref[...] = (
        jnp.dot(hbig, w1lo_ref[...], preferred_element_type=jnp.float32)
        + b1lo_ref[...]
    )
    hi_ref[...] = (
        jnp.dot(hbig, w1hi_ref[...], preferred_element_type=jnp.float32)
        + b1hi_ref[...]
    )


_tc_msg = pl.pallas_call(
    _tc_msg_body,
    grid=(E // BE,),
    in_specs=[
        pl.BlockSpec((BE, D_EDGE), lambda i: (i, 0)),
        pl.BlockSpec((8 * D_EDGE, 128), lambda i: (0, 0)),
        pl.BlockSpec((1, 128), lambda i: (0, 0)),
        pl.BlockSpec((128, 128), lambda i: (0, 0)),
        pl.BlockSpec((1, 128), lambda i: (0, 0)),
        pl.BlockSpec((128, 128), lambda i: (0, 0)),
        pl.BlockSpec((1, 128), lambda i: (0, 0)),
    ],
    out_specs=(
        pl.BlockSpec((BE // 8, 128), lambda i: (i, 0)),
        pl.BlockSpec((BE // 8, 128), lambda i: (i, 0)),
    ),
    out_shape=(
        jax.ShapeDtypeStruct((ER, 128), jnp.float32),
        jax.ShapeDtypeStruct((ER, 128), jnp.float32),
    ),
)


BN = 2000


def _tc_final_body(plo_ref, phi_ref, x_ref, root_ref, bias_ref, out_ref):
    lo = plo_ref[0] + plo_ref[1]
    hi = phi_ref[0] + phi_ref[1]
    s = jnp.concatenate([lo, hi[:, : C_OUT - W]], axis=1)
    cnt = hi[:, CNT_COL:CNT_COL + 1]
    mean = s / jnp.maximum(cnt, 1.0)
    out_ref[...] = mean + x_ref[...] * root_ref[...] + bias_ref[...]


_tc_final = pl.pallas_call(
    _tc_final_body,
    grid=(N // BN,),
    in_specs=[
        pl.BlockSpec((NC, BN, W), lambda i: (0, i, 0)),
        pl.BlockSpec((NC, BN, W), lambda i: (0, i, 0)),
        pl.BlockSpec((BN, 1), lambda i: (i, 0)),
        pl.BlockSpec((1, C_OUT), lambda i: (0, 0)),
        pl.BlockSpec((1, C_OUT), lambda i: (0, 0)),
    ],
    out_specs=pl.BlockSpec((BN, C_OUT), lambda i: (i, 0)),
    out_shape=jax.ShapeDtypeStruct((N, C_OUT), jnp.float32),
)


def kernel(x, edge_index, edge_attr, w0, b0, w1, b1, root, bias):
    eye8 = jnp.eye(8, dtype=jnp.float32)
    w0big = jnp.kron(eye8, w0)
    b0big = jnp.tile(b0, 8).reshape(1, 128)
    w1lo = jnp.kron(eye8, w1[:, :W])
    w1hi = jnp.kron(
        eye8,
        jnp.concatenate(
            [w1[:, W:], jnp.zeros((HID, 2 * W - C_OUT), jnp.float32)],
            axis=1,
        ),
    )
    b1lo = jnp.tile(b1[:W], 8).reshape(1, 128)
    b1hi = jnp.tile(
        jnp.concatenate(
            [
                b1[W:],
                jnp.ones((1,), jnp.float32),
                jnp.zeros((2 * W - C_OUT - 1,), jnp.float32),
            ]
        ),
        8,
    ).reshape(1, 128)
    theta_lo, theta_hi = _tc_msg(
        edge_attr, w0big, b0big, w1lo, b1lo, w1hi, b1hi
    )
    p_lo, p_hi = _sc_scatter(x.reshape(N), theta_lo, theta_hi, edge_index)
    out = _tc_final(
        p_lo,
        p_hi,
        x,
        root,
        bias.reshape(1, C_OUT),
    )
    return out

# --- scband reference (transcript-rebuilt; emitter-appended) ---
"""Pipeline reference for scband-ecc-472446403145 (READ-ONLY COPY).

The authoritative reference and input builder live on the scoring server;
editing this copy changes nothing except your own understanding.
"""

import jax, jax.numpy as jnp
import numpy as np

N = 50000
E = 1600000
D_EDGE = 4
HID = 16
C_IN = 1
C_OUT = 24


def setup_inputs(seed: int = 0) -> dict:
    key = jax.random.key(seed)
    ks = jax.random.split(key, 8)
    x = jax.random.normal(ks[0], (N, C_IN), dtype=jnp.float32)
    edge_index = jax.random.randint(ks[1], (2, E), 0, N, dtype=jnp.int32)
    edge_attr = jax.random.uniform(ks[2], (E, D_EDGE), dtype=jnp.float32)
    # fnet (edge-conditioned filter generating MLP): Linear(4->16), ReLU, Linear(16->in*out)
    w0 = jax.random.normal(ks[3], (D_EDGE, HID), dtype=jnp.float32) * 0.1
    b0 = jnp.zeros((HID,), dtype=jnp.float32)
    w1 = jax.random.normal(ks[4], (HID, C_IN * C_OUT), dtype=jnp.float32) * 0.1
    b1 = jnp.zeros((C_IN * C_OUT,), dtype=jnp.float32)
    # NNConv root weight and bias
    root = jax.random.normal(ks[5], (C_IN, C_OUT), dtype=jnp.float32) * 0.1
    bias = jnp.zeros((C_OUT,), dtype=jnp.float32)
    return {"x": x, "edge_index": edge_index, "edge_attr": edge_attr,
            "w0": w0, "b0": b0, "w1": w1, "b1": b1, "root": root, "bias": bias}


def reference(x, edge_index, edge_attr, w0, b0, w1, b1, root, bias):
    # Faithful NNConv (edge-conditioned convolution) with aggr='mean':
    # out_i = x_i @ root + mean_{j in N(i)} ( x_j @ Theta(e_ji) ) + bias
    src = edge_index[0]
    dst = edge_index[1]
    h = jnp.maximum(edge_attr @ w0 + b0, 0.0)              # fnet hidden + ReLU
    theta = (h @ w1 + b1).reshape(-1, C_IN, C_OUT)         # per-edge weight matrices
    x_j = jnp.take(x, src, axis=0)                          # gather source node features
    msg = jnp.einsum('ei,eio->eo', x_j, theta)              # per-edge message [E, C_OUT]
    n = x.shape[0]
    summed = jax.ops.segment_sum(msg, dst, num_segments=n)  # scatter-add to dst nodes
    cnt = jax.ops.segment_sum(jnp.ones((msg.shape[0],), dtype=msg.dtype), dst, num_segments=n)
    mean = summed / jnp.clip(cnt, 1.0)[:, None]             # mean aggregation
    return mean + x @ root + bias

if __name__ == "__main__":
    import jax
    _d = setup_inputs()
    print(jax.jit(kernel)(*tuple(_d.values())))

</pallas_src>

<mosaic_0001>
#map = affine_map<(d0, d1) -> (0)>
#map1 = affine_map<(d0, d1) -> (0, 0)>
#map2 = affine_map<(d0, d1) -> (0, 0, 0)>
module attributes {stable_mosaic.version = 14 : i64} {
  func.func @_sc_scatter(%arg0: i32, %arg1: i32, %arg2: memref<50000xf32, #tpu.memory_space<hbm>>, %arg3: memref<200000x128xf32, #tpu.memory_space<hbm>>, %arg4: memref<200000x128xf32, #tpu.memory_space<hbm>>, %arg5: memref<2x1600000xi32, #tpu.memory_space<hbm>>, %arg6: memref<2x50176x16xf32, #tpu.memory_space<hbm>>, %arg7: memref<2x50176x16xf32, #tpu.memory_space<hbm>>, %arg8: memref<50000xf32, #tpu.memory_space<vmem>>, %arg9: memref<800x16xf32, #tpu.memory_space<vmem>>, %arg10: memref<800x16xf32, #tpu.memory_space<vmem>>, %arg11: memref<800xi32, #tpu.memory_space<vmem>>, %arg12: memref<800xi32, #tpu.memory_space<vmem>>, %arg13: memref<800xi32, #tpu.memory_space<vmem>>, %arg14: memref<800xi32, #tpu.memory_space<vmem>>, %arg15: memref<98x16xf32, #tpu.memory_space<vmem>>, %arg16: memref<50176x16xf32, #tpu.memory_space<vmem_shared>>, %arg17: memref<!tpu.dma_semaphore, #tpu.memory_space<semaphore_mem>>, %arg18: memref<!tpu.dma_semaphore, #tpu.memory_space<semaphore_mem>>) attributes {dimension_semantics = [#tpu.dimension_semantics<core_parallel>, #tpu.dimension_semantics<subcore_parallel>], iteration_bounds = array<i64: 2, 16>, scalar_prefetch = 0 : i64, scratch_operands = 11 : i64, tpu.core_type = #tpu.core_type<sc_vector_subcore>, window_params = [{transform_indices = #map}, {transform_indices = #map1}, {transform_indices = #map1}, {transform_indices = #map1}, {transform_indices = #map2}, {transform_indices = #map2}]} {
    %mul3A = arith.constant 2 : i32
    %mul3A_0 = arith.muli %arg1, %mul3A : i32
    %add3A = arith.addi %mul3A_0, %arg0 : i32
    %mul3A_1 = arith.constant 50000 : i32
    %mul3A_2 = arith.muli %add3A, %mul3A_1 : i32
    "tpu.region"() ({
      %run_scoped3A = tpu.sem_alloc : memref<!tpu.dma_semaphore, #tpu.memory_space<semaphore_mem>>
      tpu.enqueue_dma source(%arg2 : memref<50000xf32, #tpu.memory_space<hbm>>) target(%arg8 : memref<50000xf32, #tpu.memory_space<vmem>>) target_semaphore(%run_scoped3A : memref<!tpu.dma_semaphore, #tpu.memory_space<semaphore_mem>>)
      tpu.wait_dma2 semaphore(%run_scoped3A : memref<!tpu.dma_semaphore, #tpu.memory_space<semaphore_mem>>) src(%arg2 : memref<50000xf32, #tpu.memory_space<hbm>>) dst(%arg8 : memref<50000xf32, #tpu.memory_space<vmem>>)
      tpu.yield
    }) : () -> ()
    %broadcast_in_dim3A = arith.constant 0.000000e+00 : f32
    %broadcast_in_dim3A_3 = vector.broadcast %broadcast_in_dim3A : f32 to vector<16xf32>
    %scan3A = arith.constant 0 : i32
    %scan3A_4 = arith.constant 0 : i32
    %scan3A_5 = arith.constant 98 : i32
    %scan3A_6 = arith.addi %scan3A_4, %scan3A_5 : i32
    %scan3A_7 = arith.constant 1 : i32
    scf.for %scan3A_70 = %scan3A_4 to %scan3A_6 step %scan3A_7  : i32 {
      %swap3A = arith.index_cast %scan3A_70 : i32 to index
      %swap3A_71 = arith.constant 0 : index
      %swap3A_72 = tpu.vector_load %arg15[%swap3A, %swap3A_71] {strides = array<i32>} : memref<98x16xf32, #tpu.memory_space<vmem>>, vector<16xf32>,
      tpu.vector_store %arg15[%swap3A, %swap3A_71], %broadcast_in_dim3A_3 {strides = array<i32>} : memref<98x16xf32, #tpu.memory_space<vmem>>, vector<16xf32>,
    }
    %scan3A_8 = arith.constant 98 : i32
    %scan3A_9 = arith.constant 0 : i32
    %scan3A_10 = arith.constant 0 : i32
    %scan3A_11 = arith.constant 32 : i32
    %scan3A_12 = arith.addi %scan3A_10, %scan3A_11 : i32
    %scan3A_13 = arith.constant 1 : i32
    scf.for %scan3A_70 = %scan3A_10 to %scan3A_12 step %scan3A_13  : i32 {
      %mul3A_71 = arith.constant 3136 : i32
      %mul3A_72 = arith.muli %arg1, %mul3A_71 : i32
      %mul3A_73 = arith.constant 98 : i32
      %mul3A_74 = arith.muli %scan3A_70, %mul3A_73 : i32
      %add3A_75 = arith.addi %mul3A_72, %mul3A_74 : i32
      "tpu.region"() ({
        %run_scoped3A = tpu.sem_alloc : memref<!tpu.dma_semaphore, #tpu.memory_space<semaphore_mem>>
        %dma_start3A = arith.constant 0 : i32
        %dma_start3A_76 = tpu.memref_slice %arg16[%add3A_75, %dma_start3A] : memref<50176x16xf32, #tpu.memory_space<vmem_shared>> -> memref<98x16xf32, #tpu.memory_space<vmem_shared>>
        %dma_start3A_77 = arith.constant 0 : i32
        %dma_start3A_78 = tpu.memref_slice %arg16[%add3A_75, %dma_start3A_77] : memref<50176x16xf32, #tpu.memory_space<vmem_shared>> -> memref<98x16xf32, #tpu.memory_space<vmem_shared>>
        tpu.enqueue_dma source(%arg15 : memref<98x16xf32, #tpu.memory_space<vmem>>) target(%dma_start3A_78 : memref<98x16xf32, #tpu.memory_space<vmem_shared>>) target_semaphore(%run_scoped3A : memref<!tpu.dma_semaphore, #tpu.memory_space<semaphore_mem>>)
        %dma_wait3A = arith.constant 0 : i32
        %dma_wait3A_79 = tpu.memref_slice %arg16[%add3A_75, %dma_wait3A] : memref<50176x16xf32, #tpu.memory_space<vmem_shared>> -> memref<98x16xf32, #tpu.memory_space<vmem_shared>>
        %dma_wait3A_80 = arith.constant 0 : i32
        %dma_wait3A_81 = tpu.memref_slice %arg16[%add3A_75, %dma_wait3A_80] : memref<50176x16xf32, #tpu.memory_space<vmem_shared>> -> memref<98x16xf32, #tpu.memory_space<vmem_shared>>
        tpu.wait_dma2 semaphore(%run_scoped3A : memref<!tpu.dma_semaphore, #tpu.memory_space<semaphore_mem>>) src(%arg15 : memref<98x16xf32, #tpu.memory_space<vmem>>) dst(%dma_wait3A_81 : memref<98x16xf32, #tpu.memory_space<vmem_shared>>)
        tpu.yield
      }) : () -> ()
    }
    %scan3A_14 = arith.constant 32 : i32
    %barrier3A = arith.constant 0 : index
    tpu.barrier barrier_id(%barrier3A)
    %iota3A = tpu.iota {dimensions = array<i32: 0>} : vector<16xi32>
    %add3A_15 = arith.constant 0 : i32
    %add3A_16 = arith.addi %add3A, %add3A_15 : i32
    %lt3A = arith.constant 2000 : i32
    %lt3A_17 = arith.cmpi slt, %add3A_16, %lt3A : i32
    %convert_element_type3A = arith.extui %lt3A_17 : i1 to i32
    %cond3A = arith.constant 0 : i32
    %cond3A_18 = arith.cmpi ne, %convert_element_type3A, %cond3A : i32
    scf.if %cond3A_18 {
      %mul3A_70 = arith.constant 800 : i32
      %mul3A_71 = arith.muli %add3A_16, %mul3A_70 : i32
      %jit3A = arith.constant 12800 : i32
      %div3A = arith.divsi %mul3A_71, %jit3A : i32
      %sign3A = arith.constant 0 : i32
      %sign3A_72 = arith.cmpi sgt, %mul3A_71, %sign3A : i32
      %sign3A_73 = arith.extui %sign3A_72 : i1 to i32
      %sign3A_74 = arith.constant 0 : i32
      %sign3A_75 = arith.cmpi slt, %mul3A_71, %sign3A_74 : i32
      %sign3A_76 = arith.extui %sign3A_75 : i1 to i32
      %sign3A_77 = arith.subi %sign3A_73, %sign3A_76 : i32
      %sign3A_78 = arith.constant 0 : i32
      %sign3A_79 = arith.cmpi sgt, %jit3A, %sign3A_78 : i32
      %sign3A_80 = arith.extui %sign3A_79 : i1 to i32
      %sign3A_81 = arith.constant 0 : i32
      %sign3A_82 = arith.cmpi slt, %jit3A, %sign3A_81 : i32
      %sign3A_83 = arith.extui %sign3A_82 : i1 to i32
      %sign3A_84 = arith.subi %sign3A_80, %sign3A_83 : i32
      %ne3A = arith.cmpi ne, %sign3A_77, %sign3A_84 : i32
      %rem3A = arith.remsi %mul3A_71, %jit3A : i32
      %ne3A_85 = arith.constant 0 : i32
      %ne3A_86 = arith.cmpi ne, %rem3A, %ne3A_85 : i32
      %and3A = arith.andi %ne3A, %ne3A_86 : i1
      %sub3A = arith.constant 1 : i32
      %sub3A_87 = arith.subi %div3A, %sub3A : i32
      %select_n3A = arith.select %and3A, %sub3A_87, %div3A : i32
      %jit3A_88 = arith.constant 12800 : i32
      %eq3A = arith.constant 0 : i32
      %eq3A_89 = arith.cmpi eq, %jit3A_88, %eq3A : i32
      %jit3A_90 = arith.constant 1 : i32
      %select_n3A_91 = arith.select %eq3A_89, %jit3A_90, %jit3A_88 : i32
      %rem3A_92 = arith.remsi %mul3A_71, %select_n3A_91 : i32
      %ne3A_93 = arith.constant 0 : i32
      %ne3A_94 = arith.cmpi ne, %rem3A_92, %ne3A_93 : i32
      %lt3A_95 = arith.constant 0 : i32
      %lt3A_96 = arith.cmpi slt, %rem3A_92, %lt3A_95 : i32
      %lt3A_97 = arith.constant 0 : i32
      %lt3A_98 = arith.cmpi slt, %select_n3A_91, %lt3A_97 : i32
      %ne3A_99 = arith.xori %lt3A_96, %lt3A_98 : i1
      %and3A_100 = arith.andi %ne3A_99, %ne3A_94 : i1
      %add3A_101 = arith.addi %rem3A_92, %select_n3A_91 : i32
      %select_n3A_102 = arith.select %and3A_100, %add3A_101, %rem3A_92 : i32
      %jit3A_103 = arith.constant 1600 : i32
      %div3A_104 = arith.divsi %select_n3A_102, %jit3A_103 : i32
      %sign3A_105 = arith.constant 0 : i32
      %sign3A_106 = arith.cmpi sgt, %select_n3A_102, %sign3A_105 : i32
      %sign3A_107 = arith.extui %sign3A_106 : i1 to i32
      %sign3A_108 = arith.constant 0 : i32
      %sign3A_109 = arith.cmpi slt, %select_n3A_102, %sign3A_108 : i32
      %sign3A_110 = arith.extui %sign3A_109 : i1 to i32
      %sign3A_111 = arith.subi %sign3A_107, %sign3A_110 : i32
      %sign3A_112 = arith.constant 0 : i32
      %sign3A_113 = arith.cmpi sgt, %jit3A_103, %sign3A_112 : i32
      %sign3A_114 = arith.extui %sign3A_113 : i1 to i32
      %sign3A_115 = arith.constant 0 : i32
      %sign3A_116 = arith.cmpi slt, %jit3A_103, %sign3A_115 : i32
      %sign3A_117 = arith.extui %sign3A_116 : i1 to i32
      %sign3A_118 = arith.subi %sign3A_114, %sign3A_117 : i32
      %ne3A_119 = arith.cmpi ne, %sign3A_111, %sign3A_118 : i32
      %rem3A_120 = arith.remsi %select_n3A_102, %jit3A_103 : i32
      %ne3A_121 = arith.constant 0 : i32
      %ne3A_122 = arith.cmpi ne, %rem3A_120, %ne3A_121 : i32
      %and3A_123 = arith.andi %ne3A_119, %ne3A_122 : i1
      %sub3A_124 = arith.constant 1 : i32
      %sub3A_125 = arith.subi %div3A_104, %sub3A_124 : i32
      %select_n3A_126 = arith.select %and3A_123, %sub3A_125, %div3A_104 : i32
      %mul3A_127 = arith.constant 1600 : i32
      %mul3A_128 = arith.muli %select_n3A, %mul3A_127 : i32
      %jit3A_129 = arith.constant 1600 : i32
      %eq3A_130 = arith.constant 0 : i32
      %eq3A_131 = arith.cmpi eq, %jit3A_129, %eq3A_130 : i32
      %jit3A_132 = arith.constant 1 : i32
      %select_n3A_133 = arith.select %eq3A_131, %jit3A_132, %jit3A_129 : i32
      %rem3A_134 = arith.remsi %select_n3A_102, %select_n3A_133 : i32
      %ne3A_135 = arith.constant 0 : i32
      %ne3A_136 = arith.cmpi ne, %rem3A_134, %ne3A_135 : i32
      %lt3A_137 = arith.constant 0 : i32
      %lt3A_138 = arith.cmpi slt, %rem3A_134, %lt3A_137 : i32
      %lt3A_139 = arith.constant 0 : i32
      %lt3A_140 = arith.cmpi slt, %select_n3A_133, %lt3A_139 : i32
      %ne3A_141 = arith.xori %lt3A_138, %lt3A_140 : i1
      %and3A_142 = arith.andi %ne3A_141, %ne3A_136 : i1
      %add3A_143 = arith.addi %rem3A_134, %select_n3A_133 : i32
      %select_n3A_144 = arith.select %and3A_142, %add3A_143, %rem3A_134 : i32
      %add3A_145 = arith.addi %mul3A_128, %select_n3A_144 : i32
      %mul3A_146 = arith.constant 16 : i32
      %mul3A_147 = arith.muli %select_n3A_126, %mul3A_146 : i32
      %dma_start3A = arith.constant 0 : i32
      %dma_start3A_148 = tpu.memref_slice %arg5[%dma_start3A, %mul3A_71] : memref<2x1600000xi32, #tpu.memory_space<hbm>> -> memref<1x800xi32, #tpu.memory_space<hbm>>
      %dma_start3A_149 = tpu.memref_squeeze %dma_start3A_148 : memref<1x800xi32, #tpu.memory_space<hbm>> -> memref<800xi32, #tpu.memory_space<hbm>>
      %dma_start3A_150 = tpu.memref_slice %arg5[%dma_start3A, %mul3A_71] : memref<2x1600000xi32, #tpu.memory_space<hbm>> -> memref<1x800xi32, #tpu.memory_space<hbm>>
      %dma_start3A_151 = tpu.memref_squeeze %dma_start3A_150 : memref<1x800xi32, #tpu.memory_space<hbm>> -> memref<800xi32, #tpu.memory_space<hbm>>
      tpu.enqueue_dma source(%dma_start3A_151 : memref<800xi32, #tpu.memory_space<hbm>>) target(%arg11 : memref<800xi32, #tpu.memory_space<vmem>>) target_semaphore(%arg17 : memref<!tpu.dma_semaphore, #tpu.memory_space<semaphore_mem>>)
      %dma_start3A_152 = arith.constant 1 : i32
      %dma_start3A_153 = tpu.memref_slice %arg5[%dma_start3A_152, %mul3A_71] : memref<2x1600000xi32, #tpu.memory_space<hbm>> -> memref<1x800xi32, #tpu.memory_space<hbm>>
      %dma_start3A_154 = tpu.memref_squeeze %dma_start3A_153 : memref<1x800xi32, #tpu.memory_space<hbm>> -> memref<800xi32, #tpu.memory_space<hbm>>
      %dma_start3A_155 = tpu.memref_slice %arg5[%dma_start3A_152, %mul3A_71] : memref<2x1600000xi32, #tpu.memory_space<hbm>> -> memref<1x800xi32, #tpu.memory_space<hbm>>
      %dma_start3A_156 = tpu.memref_squeeze %dma_start3A_155 : memref<1x800xi32, #tpu.memory_space<hbm>> -> memref<800xi32, #tpu.memory_space<hbm>>
      tpu.enqueue_dma source(%dma_start3A_156 : memref<800xi32, #tpu.memory_space<hbm>>) target(%arg13 : memref<800xi32, #tpu.memory_space<vmem>>) target_semaphore(%arg17 : memref<!tpu.dma_semaphore, #tpu.memory_space<semaphore_mem>>)
      %dma_start3A_157 = tpu.memref_slice %arg3[%add3A_145, %mul3A_147] : memref<200000x128xf32, #tpu.memory_space<hbm>> -> memref<800x16xf32, #tpu.memory_space<hbm>>
      %dma_start3A_158 = tpu.memref_slice %arg3[%add3A_145, %mul3A_147] : memref<200000x128xf32, #tpu.memory_space<hbm>> -> memref<800x16xf32, #tpu.memory_space<hbm>>
      tpu.enqueue_dma source(%dma_start3A_158 : memref<800x16xf32, #tpu.memory_space<hbm>>) target(%arg9 : memref<800x16xf32, #tpu.memory_space<vmem>>) target_semaphore(%arg17 : memref<!tpu.dma_semaphore, #tpu.memory_space<semaphore_mem>>)
    } else {
    }
    %add3A_19 = arith.constant 32 : i32
    %add3A_20 = arith.addi %add3A, %add3A_19 : i32
    %lt3A_21 = arith.constant 2000 : i32
    %lt3A_22 = arith.cmpi slt, %add3A_20, %lt3A_21 : i32
    %convert_element_type3A_23 = arith.extui %lt3A_22 : i1 to i32
    %cond3A_24 = arith.constant 0 : i32
    %cond3A_25 = arith.cmpi ne, %convert_element_type3A_23, %cond3A_24 : i32
    scf.if %cond3A_25 {
      %mul3A_70 = arith.constant 800 : i32
      %mul3A_71 = arith.muli %add3A_20, %mul3A_70 : i32
      %jit3A = arith.constant 12800 : i32
      %div3A = arith.divsi %mul3A_71, %jit3A : i32
      %sign3A = arith.constant 0 : i32
      %sign3A_72 = arith.cmpi sgt, %mul3A_71, %sign3A : i32
      %sign3A_73 = arith.extui %sign3A_72 : i1 to i32
      %sign3A_74 = arith.constant 0 : i32
      %sign3A_75 = arith.cmpi slt, %mul3A_71, %sign3A_74 : i32
      %sign3A_76 = arith.extui %sign3A_75 : i1 to i32
      %sign3A_77 = arith.subi %sign3A_73, %sign3A_76 : i32
      %sign3A_78 = arith.constant 0 : i32
      %sign3A_79 = arith.cmpi sgt, %jit3A, %sign3A_78 : i32
      %sign3A_80 = arith.extui %sign3A_79 : i1 to i32
      %sign3A_81 = arith.constant 0 : i32
      %sign3A_82 = arith.cmpi slt, %jit3A, %sign3A_81 : i32
      %sign3A_83 = arith.extui %sign3A_82 : i1 to i32
      %sign3A_84 = arith.subi %sign3A_80, %sign3A_83 : i32
      %ne3A = arith.cmpi ne, %sign3A_77, %sign3A_84 : i32
      %rem3A = arith.remsi %mul3A_71, %jit3A : i32
      %ne3A_85 = arith.constant 0 : i32
      %ne3A_86 = arith.cmpi ne, %rem3A, %ne3A_85 : i32
      %and3A = arith.andi %ne3A, %ne3A_86 : i1
      %sub3A = arith.constant 1 : i32
      %sub3A_87 = arith.subi %div3A, %sub3A : i32
      %select_n3A = arith.select %and3A, %sub3A_87, %div3A : i32
      %jit3A_88 = arith.constant 12800 : i32
      %eq3A = arith.constant 0 : i32
      %eq3A_89 = arith.cmpi eq, %jit3A_88, %eq3A : i32
      %jit3A_90 = arith.constant 1 : i32
      %select_n3A_91 = arith.select %eq3A_89, %jit3A_90, %jit3A_88 : i32
      %rem3A_92 = arith.remsi %mul3A_71, %select_n3A_91 : i32
      %ne3A_93 = arith.constant 0 : i32
      %ne3A_94 = arith.cmpi ne, %rem3A_92, %ne3A_93 : i32
      %lt3A_95 = arith.constant 0 : i32
      %lt3A_96 = arith.cmpi slt, %rem3A_92, %lt3A_95 : i32
      %lt3A_97 = arith.constant 0 : i32
      %lt3A_98 = arith.cmpi slt, %select_n3A_91, %lt3A_97 : i32
      %ne3A_99 = arith.xori %lt3A_96, %lt3A_98 : i1
      %and3A_100 = arith.andi %ne3A_99, %ne3A_94 : i1
      %add3A_101 = arith.addi %rem3A_92, %select_n3A_91 : i32
      %select_n3A_102 = arith.select %and3A_100, %add3A_101, %rem3A_92 : i32
      %jit3A_103 = arith.constant 1600 : i32
      %div3A_104 = arith.divsi %select_n3A_102, %jit3A_103 : i32
      %sign3A_105 = arith.constant 0 : i32
      %sign3A_106 = arith.cmpi sgt, %select_n3A_102, %sign3A_105 : i32
      %sign3A_107 = arith.extui %sign3A_106 : i1 to i32
      %sign3A_108 = arith.constant 0 : i32
      %sign3A_109 = arith.cmpi slt, %select_n3A_102, %sign3A_108 : i32
      %sign3A_110 = arith.extui %sign3A_109 : i1 to i32
      %sign3A_111 = arith.subi %sign3A_107, %sign3A_110 : i32
      %sign3A_112 = arith.constant 0 : i32
      %sign3A_113 = arith.cmpi sgt, %jit3A_103, %sign3A_112 : i32
      %sign3A_114 = arith.extui %sign3A_113 : i1 to i32
      %sign3A_115 = arith.constant 0 : i32
      %sign3A_116 = arith.cmpi slt, %jit3A_103, %sign3A_115 : i32
      %sign3A_117 = arith.extui %sign3A_116 : i1 to i32
      %sign3A_118 = arith.subi %sign3A_114, %sign3A_117 : i32
      %ne3A_119 = arith.cmpi ne, %sign3A_111, %sign3A_118 : i32
      %rem3A_120 = arith.remsi %select_n3A_102, %jit3A_103 : i32
      %ne3A_121 = arith.constant 0 : i32
      %ne3A_122 = arith.cmpi ne, %rem3A_120, %ne3A_121 : i32
      %and3A_123 = arith.andi %ne3A_119, %ne3A_122 : i1
      %sub3A_124 = arith.constant 1 : i32
      %sub3A_125 = arith.subi %div3A_104, %sub3A_124 : i32
      %select_n3A_126 = arith.select %and3A_123, %sub3A_125, %div3A_104 : i32
      %mul3A_127 = arith.constant 1600 : i32
      %mul3A_128 = arith.muli %select_n3A, %mul3A_127 : i32
      %jit3A_129 = arith.constant 1600 : i32
      %eq3A_130 = arith.constant 0 : i32
      %eq3A_131 = arith.cmpi eq, %jit3A_129, %eq3A_130 : i32
      %jit3A_132 = arith.constant 1 : i32
      %select_n3A_133 = arith.select %eq3A_131, %jit3A_132, %jit3A_129 : i32
      %rem3A_134 = arith.remsi %select_n3A_102, %select_n3A_133 : i32
      %ne3A_135 = arith.constant 0 : i32
      %ne3A_136 = arith.cmpi ne, %rem3A_134, %ne3A_135 : i32
      %lt3A_137 = arith.constant 0 : i32
      %lt3A_138 = arith.cmpi slt, %rem3A_134, %lt3A_137 : i32
      %lt3A_139 = arith.constant 0 : i32
      %lt3A_140 = arith.cmpi slt, %select_n3A_133, %lt3A_139 : i32
      %ne3A_141 = arith.xori %lt3A_138, %lt3A_140 : i1
      %and3A_142 = arith.andi %ne3A_141, %ne3A_136 : i1
      %add3A_143 = arith.addi %rem3A_134, %select_n3A_133 : i32
      %select_n3A_144 = arith.select %and3A_142, %add3A_143, %rem3A_134 : i32
      %add3A_145 = arith.addi %mul3A_128, %select_n3A_144 : i32
      %mul3A_146 = arith.constant 16 : i32
      %mul3A_147 = arith.muli %select_n3A_126, %mul3A_146 : i32
      %dma_start3A = arith.constant 0 : i32
      %dma_start3A_148 = tpu.memref_slice %arg5[%dma_start3A, %mul3A_71] : memref<2x1600000xi32, #tpu.memory_space<hbm>> -> memref<1x800xi32, #tpu.memory_space<hbm>>
      %dma_start3A_149 = tpu.memref_squeeze %dma_start3A_148 : memref<1x800xi32, #tpu.memory_space<hbm>> -> memref<800xi32, #tpu.memory_space<hbm>>
      %dma_start3A_150 = tpu.memref_slice %arg5[%dma_start3A, %mul3A_71] : memref<2x1600000xi32, #tpu.memory_space<hbm>> -> memref<1x800xi32, #tpu.memory_space<hbm>>
      %dma_start3A_151 = tpu.memref_squeeze %dma_start3A_150 : memref<1x800xi32, #tpu.memory_space<hbm>> -> memref<800xi32, #tpu.memory_space<hbm>>
      tpu.enqueue_dma source(%dma_start3A_151 : memref<800xi32, #tpu.memory_space<hbm>>) target(%arg12 : memref<800xi32, #tpu.memory_space<vmem>>) target_semaphore(%arg18 : memref<!tpu.dma_semaphore, #tpu.memory_space<semaphore_mem>>)
      %dma_start3A_152 = arith.constant 1 : i32
      %dma_start3A_153 = tpu.memref_slice %arg5[%dma_start3A_152, %mul3A_71] : memref<2x1600000xi32, #tpu.memory_space<hbm>> -> memref<1x800xi32, #tpu.memory_space<hbm>>
      %dma_start3A_154 = tpu.memref_squeeze %dma_start3A_153 : memref<1x800xi32, #tpu.memory_space<hbm>> -> memref<800xi32, #tpu.memory_space<hbm>>
      %dma_start3A_155 = tpu.memref_slice %arg5[%dma_start3A_152, %mul3A_71] : memref<2x1600000xi32, #tpu.memory_space<hbm>> -> memref<1x800xi32, #tpu.memory_space<hbm>>
      %dma_start3A_156 = tpu.memref_squeeze %dma_start3A_155 : memref<1x800xi32, #tpu.memory_space<hbm>> -> memref<800xi32, #tpu.memory_space<hbm>>
      tpu.enqueue_dma source(%dma_start3A_156 : memref<800xi32, #tpu.memory_space<hbm>>) target(%arg14 : memref<800xi32, #tpu.memory_space<vmem>>) target_semaphore(%arg18 : memref<!tpu.dma_semaphore, #tpu.memory_space<semaphore_mem>>)
      %dma_start3A_157 = tpu.memref_slice %arg3[%add3A_145, %mul3A_147] : memref<200000x128xf32, #tpu.memory_space<hbm>> -> memref<800x16xf32, #tpu.memory_space<hbm>>
      %dma_start3A_158 = tpu.memref_slice %arg3[%add3A_145, %mul3A_147] : memref<200000x128xf32, #tpu.memory_space<hbm>> -> memref<800x16xf32, #tpu.memory_space<hbm>>
      tpu.enqueue_dma source(%dma_start3A_158 : memref<800x16xf32, #tpu.memory_space<hbm>>) target(%arg10 : memref<800x16xf32, #tpu.memory_space<vmem>>) target_semaphore(%arg18 : memref<!tpu.dma_semaphore, #tpu.memory_space<semaphore_mem>>)
    } else {
    }
    %scan3A_26 = arith.constant 0 : i32
    %scan3A_27 = arith.constant 0 : i32
    %scan3A_28 = arith.constant 32 : i32
    %scan3A_29 = arith.addi %scan3A_27, %scan3A_28 : i32
    %scan3A_30 = arith.constant 1 : i32
    scf.for %scan3A_70 = %scan3A_27 to %scan3A_29 step %scan3A_30  : i32 {
      %mul3A_71 = arith.constant 2 : i32
      %mul3A_72 = arith.muli %mul3A_71, %scan3A_70 : i32
      %add3A_73 = arith.constant 0 : i32
      %add3A_74 = arith.addi %mul3A_72, %add3A_73 : i32
      %mul3A_75 = arith.constant 32 : i32
      %mul3A_76 = arith.muli %mul3A_75, %add3A_74 : i32
      %add3A_77 = arith.addi %add3A, %mul3A_76 : i32
      %lt3A_78 = arith.constant 2000 : i32
      %lt3A_79 = arith.cmpi slt, %add3A_77, %lt3A_78 : i32
      %convert_element_type3A_80 = arith.extui %lt3A_79 : i1 to i32
      %cond3A_81 = arith.constant 0 : i32
      %cond3A_82 = arith.cmpi ne, %convert_element_type3A_80, %cond3A_81 : i32
      scf.if %cond3A_82 {
        %mul3A_95 = arith.constant 800 : i32
        %mul3A_96 = arith.muli %add3A_77, %mul3A_95 : i32
        %jit3A = arith.constant 12800 : i32
        %div3A = arith.divsi %mul3A_96, %jit3A : i32
        %sign3A = arith.constant 0 : i32
        %sign3A_97 = arith.cmpi sgt, %mul3A_96, %sign3A : i32
        %sign3A_98 = arith.extui %sign3A_97 : i1 to i32
        %sign3A_99 = arith.constant 0 : i32
        %sign3A_100 = arith.cmpi slt, %mul3A_96, %sign3A_99 : i32
        %sign3A_101 = arith.extui %sign3A_100 : i1 to i32
        %sign3A_102 = arith.subi %sign3A_98, %sign3A_101 : i32
        %sign3A_103 = arith.constant 0 : i32
        %sign3A_104 = arith.cmpi sgt, %jit3A, %sign3A_103 : i32
        %sign3A_105 = arith.extui %sign3A_104 : i1 to i32
        %sign3A_106 = arith.constant 0 : i32
        %sign3A_107 = arith.cmpi slt, %jit3A, %sign3A_106 : i32
        %sign3A_108 = arith.extui %sign3A_107 : i1 to i32
        %sign3A_109 = arith.subi %sign3A_105, %sign3A_108 : i32
        %ne3A = arith.cmpi ne, %sign3A_102, %sign3A_109 : i32
        %rem3A = arith.remsi %mul3A_96, %jit3A : i32
        %ne3A_110 = arith.constant 0 : i32
        %ne3A_111 = arith.cmpi ne, %rem3A, %ne3A_110 : i32
        %and3A = arith.andi %ne3A, %ne3A_111 : i1
        %sub3A = arith.constant 1 : i32
        %sub3A_112 = arith.subi %div3A, %sub3A : i32
        %select_n3A = arith.select %and3A, %sub3A_112, %div3A : i32
        %jit3A_113 = arith.constant 12800 : i32
        %eq3A = arith.constant 0 : i32
        %eq3A_114 = arith.cmpi eq, %jit3A_113, %eq3A : i32
        %jit3A_115 = arith.constant 1 : i32
        %select_n3A_116 = arith.select %eq3A_114, %jit3A_115, %jit3A_113 : i32
        %rem3A_117 = arith.remsi %mul3A_96, %select_n3A_116 : i32
        %ne3A_118 = arith.constant 0 : i32
        %ne3A_119 = arith.cmpi ne, %rem3A_117, %ne3A_118 : i32
        %lt3A_120 = arith.constant 0 : i32
        %lt3A_121 = arith.cmpi slt, %rem3A_117, %lt3A_120 : i32
        %lt3A_122 = arith.constant 0 : i32
        %lt3A_123 = arith.cmpi slt, %select_n3A_116, %lt3A_122 : i32
        %ne3A_124 = arith.xori %lt3A_121, %lt3A_123 : i1
        %and3A_125 = arith.andi %ne3A_124, %ne3A_119 : i1
        %add3A_126 = arith.addi %rem3A_117, %select_n3A_116 : i32
        %select_n3A_127 = arith.select %and3A_125, %add3A_126, %rem3A_117 : i32
        %jit3A_128 = arith.constant 1600 : i32
        %div3A_129 = arith.divsi %select_n3A_127, %jit3A_128 : i32
        %sign3A_130 = arith.constant 0 : i32
        %sign3A_131 = arith.cmpi sgt, %select_n3A_127, %sign3A_130 : i32
        %sign3A_132 = arith.extui %sign3A_131 : i1 to i32
        %sign3A_133 = arith.constant 0 : i32
        %sign3A_134 = arith.cmpi slt, %select_n3A_127, %sign3A_133 : i32
        %sign3A_135 = arith.extui %sign3A_134 : i1 to i32
        %sign3A_136 = arith.subi %sign3A_132, %sign3A_135 : i32
        %sign3A_137 = arith.constant 0 : i32
        %sign3A_138 = arith.cmpi sgt, %jit3A_128, %sign3A_137 : i32
        %sign3A_139 = arith.extui %sign3A_138 : i1 to i32
        %sign3A_140 = arith.constant 0 : i32
        %sign3A_141 = arith.cmpi slt, %jit3A_128, %sign3A_140 : i32
        %sign3A_142 = arith.extui %sign3A_141 : i1 to i32
        %sign3A_143 = arith.subi %sign3A_139, %sign3A_142 : i32
        %ne3A_144 = arith.cmpi ne, %sign3A_136, %sign3A_143 : i32
        %rem3A_145 = arith.remsi %select_n3A_127, %jit3A_128 : i32
        %ne3A_146 = arith.constant 0 : i32
        %ne3A_147 = arith.cmpi ne, %rem3A_145, %ne3A_146 : i32
        %and3A_148 = arith.andi %ne3A_144, %ne3A_147 : i1
        %sub3A_149 = arith.constant 1 : i32
        %sub3A_150 = arith.subi %div3A_129, %sub3A_149 : i32
        %select_n3A_151 = arith.select %and3A_148, %sub3A_150, %div3A_129 : i32
        %mul3A_152 = arith.constant 1600 : i32
        %mul3A_153 = arith.muli %select_n3A, %mul3A_152 : i32
        %jit3A_154 = arith.constant 1600 : i32
        %eq3A_155 = arith.constant 0 : i32
        %eq3A_156 = arith.cmpi eq, %jit3A_154, %eq3A_155 : i32
        %jit3A_157 = arith.constant 1 : i32
        %select_n3A_158 = arith.select %eq3A_156, %jit3A_157, %jit3A_154 : i32
        %rem3A_159 = arith.remsi %select_n3A_127, %select_n3A_158 : i32
        %ne3A_160 = arith.constant 0 : i32
        %ne3A_161 = arith.cmpi ne, %rem3A_159, %ne3A_160 : i32
        %lt3A_162 = arith.constant 0 : i32
        %lt3A_163 = arith.cmpi slt, %rem3A_159, %lt3A_162 : i32
        %lt3A_164 = arith.constant 0 : i32
        %lt3A_165 = arith.cmpi slt, %select_n3A_158, %lt3A_164 : i32
        %ne3A_166 = arith.xori %lt3A_163, %lt3A_165 : i1
        %and3A_167 = arith.andi %ne3A_166, %ne3A_161 : i1
        %add3A_168 = arith.addi %rem3A_159, %select_n3A_158 : i32
        %select_n3A_169 = arith.select %and3A_167, %add3A_168, %rem3A_159 : i32
        %add3A_170 = arith.addi %mul3A_153, %select_n3A_169 : i32
        %mul3A_171 = arith.constant 16 : i32
        %mul3A_172 = arith.muli %select_n3A_151, %mul3A_171 : i32
        %dma_wait3A = arith.constant 0 : i32
        %dma_wait3A_173 = tpu.memref_slice %arg5[%dma_wait3A, %mul3A_96] : memref<2x1600000xi32, #tpu.memory_space<hbm>> -> memref<1x800xi32, #tpu.memory_space<hbm>>
        %dma_wait3A_174 = tpu.memref_squeeze %dma_wait3A_173 : memref<1x800xi32, #tpu.memory_space<hbm>> -> memref<800xi32, #tpu.memory_space<hbm>>
        %dma_wait3A_175 = tpu.memref_slice %arg5[%dma_wait3A, %mul3A_96] : memref<2x1600000xi32, #tpu.memory_space<hbm>> -> memref<1x800xi32, #tpu.memory_space<hbm>>
        %dma_wait3A_176 = tpu.memref_squeeze %dma_wait3A_175 : memref<1x800xi32, #tpu.memory_space<hbm>> -> memref<800xi32, #tpu.memory_space<hbm>>
        tpu.wait_dma2 semaphore(%arg17 : memref<!tpu.dma_semaphore, #tpu.memory_space<semaphore_mem>>) src(%dma_wait3A_176 : memref<800xi32, #tpu.memory_space<hbm>>) dst(%arg11 : memref<800xi32, #tpu.memory_space<vmem>>)
        %dma_wait3A_177 = arith.constant 1 : i32
        %dma_wait3A_178 = tpu.memref_slice %arg5[%dma_wait3A_177, %mul3A_96] : memref<2x1600000xi32, #tpu.memory_space<hbm>> -> memref<1x800xi32, #tpu.memory_space<hbm>>
        %dma_wait3A_179 = tpu.memref_squeeze %dma_wait3A_178 : memref<1x800xi32, #tpu.memory_space<hbm>> -> memref<800xi32, #tpu.memory_space<hbm>>
        %dma_wait3A_180 = tpu.memref_slice %arg5[%dma_wait3A_177, %mul3A_96] : memref<2x1600000xi32, #tpu.memory_space<hbm>> -> memref<1x800xi32, #tpu.memory_space<hbm>>
        %dma_wait3A_181 = tpu.memref_squeeze %dma_wait3A_180 : memref<1x800xi32, #tpu.memory_space<hbm>> -> memref<800xi32, #tpu.memory_space<hbm>>
        tpu.wait_dma2 semaphore(%arg17 : memref<!tpu.dma_semaphore, #tpu.memory_space<semaphore_mem>>) src(%dma_wait3A_181 : memref<800xi32, #tpu.memory_space<hbm>>) dst(%arg13 : memref<800xi32, #tpu.memory_space<vmem>>)
        %dma_wait3A_182 = tpu.memref_slice %arg3[%add3A_170, %mul3A_172] : memref<200000x128xf32, #tpu.memory_space<hbm>> -> memref<800x16xf32, #tpu.memory_space<hbm>>
        %dma_wait3A_183 = tpu.memref_slice %arg3[%add3A_170, %mul3A_172] : memref<200000x128xf32, #tpu.memory_space<hbm>> -> memref<800x16xf32, #tpu.memory_space<hbm>>
        tpu.wait_dma2 semaphore(%arg17 : memref<!tpu.dma_semaphore, #tpu.memory_space<semaphore_mem>>) src(%dma_wait3A_183 : memref<800x16xf32, #tpu.memory_space<hbm>>) dst(%arg9 : memref<800x16xf32, #tpu.memory_space<vmem>>)
        %scan3A_184 = arith.constant 0 : i32
        %scan3A_185 = arith.constant 0 : i32
        %scan3A_186 = arith.constant 50 : i32
        %scan3A_187 = arith.addi %scan3A_185, %scan3A_186 : i32
        %scan3A_188 = arith.constant 1 : i32
        scf.for %scan3A_197 = %scan3A_185 to %scan3A_187 step %scan3A_188  : i32 {
          %mul3A_198 = arith.constant 16 : i32
          %mul3A_199 = arith.muli %scan3A_197, %mul3A_198 : i32
          %get3A = arith.index_cast %mul3A_199 : i32 to index
          %get3A_200 = tpu.vector_load %arg11[%get3A] {strides = array<i32>} : memref<800xi32, #tpu.memory_space<vmem>>, vector<16xi32>,
          %gather3A = tpu.vector_load_idx %arg8[%get3A_200] : memref<50000xf32, #tpu.memory_space<vmem>>[vector<16xi32>], vector<16xf32>,
          %broadcast_in_dim3A_201 = arith.constant 0 : i32
          %broadcast_in_dim3A_202 = vector.broadcast %broadcast_in_dim3A_201 : i32 to vector<16x1xi32>
          %gather3A_203 = vector.shape_cast %broadcast_in_dim3A_202 : vector<16x1xi32> to vector<16xi32>
          %gather3A_204 = tpu.dynamic_gather %gather3A[%gather3A_203] in [0] : vector<16xf32>, vector<16xi32> -> vector<16xf32>
          %mul3A_205 = arith.constant 16 : i32
          %mul3A_206 = arith.muli %scan3A_197, %mul3A_205 : i32
          %add3A_207 = arith.constant 0 : i32
          %add3A_208 = arith.addi %mul3A_206, %add3A_207 : i32
          %get3A_209 = arith.index_cast %add3A_208 : i32 to index
          %get3A_210 = arith.constant 0 : index
          %get3A_211 = tpu.vector_load %arg9[%get3A_209, %get3A_210] {strides = array<i32>} : memref<800x16xf32, #tpu.memory_space<vmem>>, vector<16xf32>,
          %mul3A_212 = arith.mulf %get3A_211, %gather3A_204 : vector<16xf32>
          %swap3A = arith.index_cast %add3A_208 : i32 to index
          %swap3A_213 = arith.constant 0 : index
          %swap3A_214 = tpu.vector_load %arg9[%swap3A, %swap3A_213] {strides = array<i32>} : memref<800x16xf32, #tpu.memory_space<vmem>>, vector<16xf32>,
          tpu.vector_store %arg9[%swap3A, %swap3A_213], %mul3A_212 {strides = array<i32>} : memref<800x16xf32, #tpu.memory_space<vmem>>, vector<16xf32>,
          %broadcast_in_dim3A_215 = arith.constant 1 : i32
          %broadcast_in_dim3A_216 = vector.broadcast %broadcast_in_dim3A_215 : i32 to vector<16x1xi32>
          %gather3A_217 = vector.shape_cast %broadcast_in_dim3A_216 : vector<16x1xi32> to vector<16xi32>
          %gather3A_218 = tpu.dynamic_gather %gather3A[%gather3A_217] in [0] : vector<16xf32>, vector<16xi32> -> vector<16xf32>
          %mul3A_219 = arith.constant 16 : i32
          %mul3A_220 = arith.muli %scan3A_197, %mul3A_219 : i32
          %add3A_221 = arith.constant 1 : i32
          %add3A_222 = arith.addi %mul3A_220, %add3A_221 : i32
          %get3A_223 = arith.index_cast %add3A_222 : i32 to index
          %get3A_224 = arith.constant 0 : index
          %get3A_225 = tpu.vector_load %arg9[%get3A_223, %get3A_224] {strides = array<i32>} : memref<800x16xf32, #tpu.memory_space<vmem>>, vector<16xf32>,
          %mul3A_226 = arith.mulf %get3A_225, %gather3A_218 : vector<16xf32>
          %swap3A_227 = arith.index_cast %add3A_222 : i32 to index
          %swap3A_228 = arith.constant 0 : index
          %swap3A_229 = tpu.vector_load %arg9[%swap3A_227, %swap3A_228] {strides = array<i32>} : memref<800x16xf32, #tpu.memory_space<vmem>>, vector<16xf32>,
          tpu.vector_store %arg9[%swap3A_227, %swap3A_228], %mul3A_226 {strides = array<i32>} : memref<800x16xf32, #tpu.memory_space<vmem>>, vector<16xf32>,
          %broadcast_in_dim3A_230 = arith.constant 2 : i32
          %broadcast_in_dim3A_231 = vector.broadcast %broadcast_in_dim3A_230 : i32 to vector<16x1xi32>
          %gather3A_232 = vector.shape_cast %broadcast_in_dim3A_231 : vector<16x1xi32> to vector<16xi32>
          %gather3A_233 = tpu.dynamic_gather %gather3A[%gather3A_232] in [0] : vector<16xf32>, vector<16xi32> -> vector<16xf32>
          %mul3A_234 = arith.constant 16 : i32
          %mul3A_235 = arith.muli %scan3A_197, %mul3A_234 : i32
          %add3A_236 = arith.constant 2 : i32
          %add3A_237 = arith.addi %mul3A_235, %add3A_236 : i32
          %get3A_238 = arith.index_cast %add3A_237 : i32 to index
          %get3A_239 = arith.constant 0 : index
          %get3A_240 = tpu.vector_load %arg9[%get3A_238, %get3A_239] {strides = array<i32>} : memref<800x16xf32, #tpu.memory_space<vmem>>, vector<16xf32>,
          %mul3A_241 = arith.mulf %get3A_240, %gather3A_233 : vector<16xf32>
          %swap3A_242 = arith.index_cast %add3A_237 : i32 to index
          %swap3A_243 = arith.constant 0 : index
          %swap3A_244 = tpu.vector_load %arg9[%swap3A_242, %swap3A_243] {strides = array<i32>} : memref<800x16xf32, #tpu.memory_space<vmem>>, vector<16xf32>,
          tpu.vector_store %arg9[%swap3A_242, %swap3A_243], %mul3A_241 {strides = array<i32>} : memref<800x16xf32, #tpu.memory_space<vmem>>, vector<16xf32>,
          %broadcast_in_dim3A_245 = arith.constant 3 : i32
          %broadcast_in_dim3A_246 = vector.broadcast %broadcast_in_dim3A_245 : i32 to vector<16x1xi32>
          %gather3A_247 = vector.shape_cast %broadcast_in_dim3A_246 : vector<16x1xi32> to vector<16xi32>
          %gather3A_248 = tpu.dynamic_gather %gather3A[%gather3A_247] in [0] : vector<16xf32>, vector<16xi32> -> vector<16xf32>
          %mul3A_249 = arith.constant 16 : i32
          %mul3A_250 = arith.muli %scan3A_197, %mul3A_249 : i32
          %add3A_251 = arith.constant 3 : i32
          %add3A_252 = arith.addi %mul3A_250, %add3A_251 : i32
          %get3A_253 = arith.index_cast %add3A_252 : i32 to index
          %get3A_254 = arith.constant 0 : index
          %get3A_255 = tpu.vector_load %arg9[%get3A_253, %get3A_254] {strides = array<i32>} : memref<800x16xf32, #tpu.memory_space<vmem>>, vector<16xf32>,
          %mul3A_256 = arith.mulf %get3A_255, %gather3A_248 : vector<16xf32>
          %swap3A_257 = arith.index_cast %add3A_252 : i32 to index
          %swap3A_258 = arith.constant 0 : index
          %swap3A_259 = tpu.vector_load %arg9[%swap3A_257, %swap3A_258] {strides = array<i32>} : memref<800x16xf32, #tpu.memory_space<vmem>>, vector<16xf32>,
          tpu.vector_store %arg9[%swap3A_257, %swap3A_258], %mul3A_256 {strides = array<i32>} : memref<800x16xf32, #tpu.memory_space<vmem>>, vector<16xf32>,
          %broadcast_in_dim3A_260 = arith.constant 4 : i32
          %broadcast_in_dim3A_261 = vector.broadcast %broadcast_in_dim3A_260 : i32 to vector<16x1xi32>
          %gather3A_262 = vector.shape_cast %broadcast_in_dim3A_261 : vector<16x1xi32> to vector<16xi32>
          %gather3A_263 = tpu.dynamic_gather %gather3A[%gather3A_262] in [0] : vector<16xf32>, vector<16xi32> -> vector<16xf32>
          %mul3A_264 = arith.constant 16 : i32
          %mul3A_265 = arith.muli %scan3A_197, %mul3A_264 : i32
          %add3A_266 = arith.constant 4 : i32
          %add3A_267 = arith.addi %mul3A_265, %add3A_266 : i32
          %get3A_268 = arith.index_cast %add3A_267 : i32 to index
          %get3A_269 = arith.constant 0 : index
          %get3A_270 = tpu.vector_load %arg9[%get3A_268, %get3A_269] {strides = array<i32>} : memref<800x16xf32, #tpu.memory_space<vmem>>, vector<16xf32>,
          %mul3A_271 = arith.mulf %get3A_270, %gather3A_263 : vector<16xf32>
          %swap3A_272 = arith.index_cast %add3A_267 : i32 to index
          %swap3A_273 = arith.constant 0 : index
          %swap3A_274 = tpu.vector_load %arg9[%swap3A_272, %swap3A_273] {strides = array<i32>} : memref<800x16xf32, #tpu.memory_space<vmem>>, vector<16xf32>,
          tpu.vector_store %arg9[%swap3A_272, %swap3A_273], %mul3A_271 {strides = array<i32>} : memref<800x16xf32, #tpu.memory_space<vmem>>, vector<16xf32>,
          %broadcast_in_dim3A_275 = arith.constant 5 : i32
          %broadcast_in_dim3A_276 = vector.broadcast %broadcast_in_dim3A_275 : i32 to vector<16x1xi32>
          %gather3A_277 = vector.shape_cast %broadcast_in_dim3A_276 : vector<16x1xi32> to vector<16xi32>
          %gather3A_278 = tpu.dynamic_gather %gather3A[%gather3A_277] in [0] : vector<16xf32>, vector<16xi32> -> vector<16xf32>
          %mul3A_279 = arith.constant 16 : i32
          %mul3A_280 = arith.muli %scan3A_197, %mul3A_279 : i32
          %add3A_281 = arith.constant 5 : i32
          %add3A_282 = arith.addi %mul3A_280, %add3A_281 : i32
          %get3A_283 = arith.index_cast %add3A_282 : i32 to index
          %get3A_284 = arith.constant 0 : index
          %get3A_285 = tpu.vector_load %arg9[%get3A_283, %get3A_284] {strides = array<i32>} : memref<800x16xf32, #tpu.memory_space<vmem>>, vector<16xf32>,
          %mul3A_286 = arith.mulf %get3A_285, %gather3A_278 : vector<16xf32>
          %swap3A_287 = arith.index_cast %add3A_282 : i32 to index
          %swap3A_288 = arith.constant 0 : index
          %swap3A_289 = tpu.vector_load %arg9[%swap3A_287, %swap3A_288] {strides = array<i32>} : memref<800x16xf32, #tpu.memory_space<vmem>>, vector<16xf32>,
          tpu.vector_store %arg9[%swap3A_287, %swap3A_288], %mul3A_286 {strides = array<i32>} : memref<800x16xf32, #tpu.memory_space<vmem>>, vector<16xf32>,
          %broadcast_in_dim3A_290 = arith.constant 6 : i32
          %broadcast_in_dim3A_291 = vector.broadcast %broadcast_in_dim3A_290 : i32 to vector<16x1xi32>
          %gather3A_292 = vector.shape_cast %broadcast_in_dim3A_291 : vector<16x1xi32> to vector<16xi32>
          %gather3A_293 = tpu.dynamic_gather %gather3A[%gather3A_292] in [0] : vector<16xf32>, vector<16xi32> -> vector<16xf32>
          %mul3A_294 = arith.constant 16 : i32
          %mul3A_295 = arith.muli %scan3A_197, %mul3A_294 : i32
          %add3A_296 = arith.constant 6 : i32
          %add3A_297 = arith.addi %mul3A_295, %add3A_296 : i32
          %get3A_298 = arith.index_cast %add3A_297 : i32 to index
          %get3A_299 = arith.constant 0 : index
          %get3A_300 = tpu.vector_load %arg9[%get3A_298, %get3A_299] {strides = array<i32>} : memref<800x16xf32, #tpu.memory_space<vmem>>, vector<16xf32>,
          %mul3A_301 = arith.mulf %get3A_300, %gather3A_293 : vector<16xf32>
          %swap3A_302 = arith.index_cast %add3A_297 : i32 to index
          %swap3A_303 = arith.constant 0 : index
          %swap3A_304 = tpu.vector_load %arg9[%swap3A_302, %swap3A_303] {strides = array<i32>} : memref<800x16xf32, #tpu.memory_space<vmem>>, vector<16xf32>,
          tpu.vector_store %arg9[%swap3A_302, %swap3A_303], %mul3A_301 {strides = array<i32>} : memref<800x16xf32, #tpu.memory_space<vmem>>, vector<16xf32>,
          %broadcast_in_dim3A_305 = arith.constant 7 : i32
          %broadcast_in_dim3A_306 = vector.broadcast %broadcast_in_dim3A_305 : i32 to vector<16x1xi32>
          %gather3A_307 = vector.shape_cast %broadcast_in_dim3A_306 : vector<16x1xi32> to vector<16xi32>
          %gather3A_308 = tpu.dynamic_gather %gather3A[%gather3A_307] in [0] : vector<16xf32>, vector<16xi32> -> vector<16xf32>
          %mul3A_309 = arith.constant 16 : i32
          %mul3A_310 = arith.muli %scan3A_197, %mul3A_309 : i32
          %add3A_311 = arith.constant 7 : i32
          %add3A_312 = arith.addi %mul3A_310, %add3A_311 : i32
          %get3A_313 = arith.index_cast %add3A_312 : i32 to index
          %get3A_314 = arith.constant 0 : index
          %get3A_315 = tpu.vector_load %arg9[%get3A_313, %get3A_314] {strides = array<i32>} : memref<800x16xf32, #tpu.memory_space<vmem>>, vector<16xf32>,
          %mul3A_316 = arith.mulf %get3A_315, %gather3A_308 : vector<16xf32>
          %swap3A_317 = arith.index_cast %add3A_312 : i32 to index
          %swap3A_318 = arith.constant 0 : index
          %swap3A_319 = tpu.vector_load %arg9[%swap3A_317, %swap3A_318] {strides = array<i32>} : memref<800x16xf32, #tpu.memory_space<vmem>>, vector<16xf32>,
          tpu.vector_store %arg9[%swap3A_317, %swap3A_318], %mul3A_316 {strides = array<i32>} : memref<800x16xf32, #tpu.memory_space<vmem>>, vector<16xf32>,
          %broadcast_in_dim3A_320 = arith.constant 8 : i32
          %broadcast_in_dim3A_321 = vector.broadcast %broadcast_in_dim3A_320 : i32 to vector<16x1xi32>
          %gather3A_322 = vector.shape_cast %broadcast_in_dim3A_321 : vector<16x1xi32> to vector<16xi32>
          %gather3A_323 = tpu.dynamic_gather %gather3A[%gather3A_322] in [0] : vector<16xf32>, vector<16xi32> -> vector<16xf32>
          %mul3A_324 = arith.constant 16 : i32
          %mul3A_325 = arith.muli %scan3A_197, %mul3A_324 : i32
          %add3A_326 = arith.constant 8 : i32
          %add3A_327 = arith.addi %mul3A_325, %add3A_326 : i32
          %get3A_328 = arith.index_cast %add3A_327 : i32 to index
          %get3A_329 = arith.constant 0 : index
          %get3A_330 = tpu.vector_load %arg9[%get3A_328, %get3A_329] {strides = array<i32>} : memref<800x16xf32, #tpu.memory_space<vmem>>, vector<16xf32>,
          %mul3A_331 = arith.mulf %get3A_330, %gather3A_323 : vector<16xf32>
          %swap3A_332 = arith.index_cast %add3A_327 : i32 to index
          %swap3A_333 = arith.constant 0 : index
          %swap3A_334 = tpu.vector_load %arg9[%swap3A_332, %swap3A_333] {strides = array<i32>} : memref<800x16xf32, #tpu.memory_space<vmem>>, vector<16xf32>,
          tpu.vector_store %arg9[%swap3A_332, %swap3A_333], %mul3A_331 {strides = array<i32>} : memref<800x16xf32, #tpu.memory_space<vmem>>, vector<16xf32>,
          %broadcast_in_dim3A_335 = arith.constant 9 : i32
          %broadcast_in_dim3A_336 = vector.broadcast %broadcast_in_dim3A_335 : i32 to vector<16x1xi32>
          %gather3A_337 = vector.shape_cast %broadcast_in_dim3A_336 : vector<16x1xi32> to vector<16xi32>
          %gather3A_338 = tpu.dynamic_gather %gather3A[%gather3A_337] in [0] : vector<16xf32>, vector<16xi32> -> vector<16xf32>
          %mul3A_339 = arith.constant 16 : i32
          %mul3A_340 = arith.muli %scan3A_197, %mul3A_339 : i32
          %add3A_341 = arith.constant 9 : i32
          %add3A_342 = arith.addi %mul3A_340, %add3A_341 : i32
          %get3A_343 = arith.index_cast %add3A_342 : i32 to index
          %get3A_344 = arith.constant 0 : index
          %get3A_345 = tpu.vector_load %arg9[%get3A_343, %get3A_344] {strides = array<i32>} : memref<800x16xf32, #tpu.memory_space<vmem>>, vector<16xf32>,
          %mul3A_346 = arith.mulf %get3A_345, %gather3A_338 : vector<16xf32>
          %swap3A_347 = arith.index_cast %add3A_342 : i32 to index
          %swap3A_348 = arith.constant 0 : index
          %swap3A_349 = tpu.vector_load %arg9[%swap3A_347, %swap3A_348] {strides = array<i32>} : memref<800x16xf32, #tpu.memory_space<vmem>>, vector<16xf32>,
          tpu.vector_store %arg9[%swap3A_347, %swap3A_348], %mul3A_346 {strides = array<i32>} : memref<800x16xf32, #tpu.memory_space<vmem>>, vector<16xf32>,
          %broadcast_in_dim3A_350 = arith.constant 10 : i32
          %broadcast_in_dim3A_351 = vector.broadcast %broadcast_in_dim3A_350 : i32 to vector<16x1xi32>
          %gather3A_352 = vector.shape_cast %broadcast_in_dim3A_351 : vector<16x1xi32> to vector<16xi32>
          %gather3A_353 = tpu.dynamic_gather %gather3A[%gather3A_352] in [0] : vector<16xf32>, vector<16xi32> -> vector<16xf32>
          %mul3A_354 = arith.constant 16 : i32
          %mul3A_355 = arith.muli %scan3A_197, %mul3A_354 : i32
          %add3A_356 = arith.constant 10 : i32
          %add3A_357 = arith.addi %mul3A_355, %add3A_356 : i32
          %get3A_358 = arith.index_cast %add3A_357 : i32 to index
          %get3A_359 = arith.constant 0 : index
          %get3A_360 = tpu.vector_load %arg9[%get3A_358, %get3A_359] {strides = array<i32>} : memref<800x16xf32, #tpu.memory_space<vmem>>, vector<16xf32>,
          %mul3A_361 = arith.mulf %get3A_360, %gather3A_353 : vector<16xf32>
          %swap3A_362 = arith.index_cast %add3A_357 : i32 to index
          %swap3A_363 = arith.constant 0 : index
          %swap3A_364 = tpu.vector_load %arg9[%swap3A_362, %swap3A_363] {strides = array<i32>} : memref<800x16xf32, #tpu.memory_space<vmem>>, vector<16xf32>,
          tpu.vector_store %arg9[%swap3A_362, %swap3A_363], %mul3A_361 {strides = array<i32>} : memref<800x16xf32, #tpu.memory_space<vmem>>, vector<16xf32>,
          %broadcast_in_dim3A_365 = arith.constant 11 : i32
          %broadcast_in_dim3A_366 = vector.broadcast %broadcast_in_dim3A_365 : i32 to vector<16x1xi32>
          %gather3A_367 = vector.shape_cast %broadcast_in_dim3A_366 : vector<16x1xi32> to vector<16xi32>
          %gather3A_368 = tpu.dynamic_gather %gather3A[%gather3A_367] in [0] : vector<16xf32>, vector<16xi32> -> vector<16xf32>
          %mul3A_369 = arith.constant 16 : i32
          %mul3A_370 = arith.muli %scan3A_197, %mul3A_369 : i32
          %add3A_371 = arith.constant 11 : i32
          %add3A_372 = arith.addi %mul3A_370, %add3A_371 : i32
          %get3A_373 = arith.index_cast %add3A_372 : i32 to index
          %get3A_374 = arith.constant 0 : index
          %get3A_375 = tpu.vector_load %arg9[%get3A_373, %get3A_374] {strides = array<i32>} : memref<800x16xf32, #tpu.memory_space<vmem>>, vector<16xf32>,
          %mul3A_376 = arith.mulf %get3A_375, %gather3A_368 : vector<16xf32>
          %swap3A_377 = arith.index_cast %add3A_372 : i32 to index
          %swap3A_378 = arith.constant 0 : index
          %swap3A_379 = tpu.vector_load %arg9[%swap3A_377, %swap3A_378] {strides = array<i32>} : memref<800x16xf32, #tpu.memory_space<vmem>>, vector<16xf32>,
          tpu.vector_store %arg9[%swap3A_377, %swap3A_378], %mul3A_376 {strides = array<i32>} : memref<800x16xf32, #tpu.memory_space<vmem>>, vector<16xf32>,
          %broadcast_in_dim3A_380 = arith.constant 12 : i32
          %broadcast_in_dim3A_381 = vector.broadcast %broadcast_in_dim3A_380 : i32 to vector<16x1xi32>
          %gather3A_382 = vector.shape_cast %broadcast_in_dim3A_381 : vector<16x1xi32> to vector<16xi32>
          %gather3A_383 = tpu.dynamic_gather %gather3A[%gather3A_382] in [0] : vector<16xf32>, vector<16xi32> -> vector<16xf32>
          %mul3A_384 = arith.constant 16 : i32
          %mul3A_385 = arith.muli %scan3A_197, %mul3A_384 : i32
          %add3A_386 = arith.constant 12 : i32
          %add3A_387 = arith.addi %mul3A_385, %add3A_386 : i32
          %get3A_388 = arith.index_cast %add3A_387 : i32 to index
          %get3A_389 = arith.constant 0 : index
          %get3A_390 = tpu.vector_load %arg9[%get3A_388, %get3A_389] {strides = array<i32>} : memref<800x16xf32, #tpu.memory_space<vmem>>, vector<16xf32>,
          %mul3A_391 = arith.mulf %get3A_390, %gather3A_383 : vector<16xf32>
          %swap3A_392 = arith.index_cast %add3A_387 : i32 to index
          %swap3A_393 = arith.constant 0 : index
          %swap3A_394 = tpu.vector_load %arg9[%swap3A_392, %swap3A_393] {strides = array<i32>} : memref<800x16xf32, #tpu.memory_space<vmem>>, vector<16xf32>,
          tpu.vector_store %arg9[%swap3A_392, %swap3A_393], %mul3A_391 {strides = array<i32>} : memref<800x16xf32, #tpu.memory_space<vmem>>, vector<16xf32>,
          %broadcast_in_dim3A_395 = arith.constant 13 : i32
          %broadcast_in_dim3A_396 = vector.broadcast %broadcast_in_dim3A_395 : i32 to vector<16x1xi32>
          %gather3A_397 = vector.shape_cast %broadcast_in_dim3A_396 : vector<16x1xi32> to vector<16xi32>
          %gather3A_398 = tpu.dynamic_gather %gather3A[%gather3A_397] in [0] : vector<16xf32>, vector<16xi32> -> vector<16xf32>
          %mul3A_399 = arith.constant 16 : i32
          %mul3A_400 = arith.muli %scan3A_197, %mul3A_399 : i32
          %add3A_401 = arith.constant 13 : i32
          %add3A_402 = arith.addi %mul3A_400, %add3A_401 : i32
          %get3A_403 = arith.index_cast %add3A_402 : i32 to index
          %get3A_404 = arith.constant 0 : index
          %get3A_405 = tpu.vector_load %arg9[%get3A_403, %get3A_404] {strides = array<i32>} : memref<800x16xf32, #tpu.memory_space<vmem>>, vector<16xf32>,
          %mul3A_406 = arith.mulf %get3A_405, %gather3A_398 : vector<16xf32>
          %swap3A_407 = arith.index_cast %add3A_402 : i32 to index
          %swap3A_408 = arith.constant 0 : index
          %swap3A_409 = tpu.vector_load %arg9[%swap3A_407, %swap3A_408] {strides = array<i32>} : memref<800x16xf32, #tpu.memory_space<vmem>>, vector<16xf32>,
          tpu.vector_store %arg9[%swap3A_407, %swap3A_408], %mul3A_406 {strides = array<i32>} : memref<800x16xf32, #tpu.memory_space<vmem>>, vector<16xf32>,
          %broadcast_in_dim3A_410 = arith.constant 14 : i32
          %broadcast_in_dim3A_411 = vector.broadcast %broadcast_in_dim3A_410 : i32 to vector<16x1xi32>
          %gather3A_412 = vector.shape_cast %broadcast_in_dim3A_411 : vector<16x1xi32> to vector<16xi32>
          %gather3A_413 = tpu.dynamic_gather %gather3A[%gather3A_412] in [0] : vector<16xf32>, vector<16xi32> -> vector<16xf32>
          %mul3A_414 = arith.constant 16 : i32
          %mul3A_415 = arith.muli %scan3A_197, %mul3A_414 : i32
          %add3A_416 = arith.constant 14 : i32
          %add3A_417 = arith.addi %mul3A_415, %add3A_416 : i32
          %get3A_418 = arith.index_cast %add3A_417 : i32 to index
          %get3A_419 = arith.constant 0 : index
          %get3A_420 = tpu.vector_load %arg9[%get3A_418, %get3A_419] {strides = array<i32>} : memref<800x16xf32, #tpu.memory_space<vmem>>, vector<16xf32>,
          %mul3A_421 = arith.mulf %get3A_420, %gather3A_413 : vector<16xf32>
          %swap3A_422 = arith.index_cast %add3A_417 : i32 to index
          %swap3A_423 = arith.constant 0 : index
          %swap3A_424 = tpu.vector_load %arg9[%swap3A_422, %swap3A_423] {strides = array<i32>} : memref<800x16xf32, #tpu.memory_space<vmem>>, vector<16xf32>,
          tpu.vector_store %arg9[%swap3A_422, %swap3A_423], %mul3A_421 {strides = array<i32>} : memref<800x16xf32, #tpu.memory_space<vmem>>, vector<16xf32>,
          %broadcast_in_dim3A_425 = arith.constant 15 : i32
          %broadcast_in_dim3A_426 = vector.broadcast %broadcast_in_dim3A_425 : i32 to vector<16x1xi32>
          %gather3A_427 = vector.shape_cast %broadcast_in_dim3A_426 : vector<16x1xi32> to vector<16xi32>
          %gather3A_428 = tpu.dynamic_gather %gather3A[%gather3A_427] in [0] : vector<16xf32>, vector<16xi32> -> vector<16xf32>
          %mul3A_429 = arith.constant 16 : i32
          %mul3A_430 = arith.muli %scan3A_197, %mul3A_429 : i32
          %add3A_431 = arith.constant 15 : i32
          %add3A_432 = arith.addi %mul3A_430, %add3A_431 : i32
          %get3A_433 = arith.index_cast %add3A_432 : i32 to index
          %get3A_434 = arith.constant 0 : index
          %get3A_435 = tpu.vector_load %arg9[%get3A_433, %get3A_434] {strides = array<i32>} : memref<800x16xf32, #tpu.memory_space<vmem>>, vector<16xf32>,
          %mul3A_436 = arith.mulf %get3A_435, %gather3A_428 : vector<16xf32>
          %swap3A_437 = arith.index_cast %add3A_432 : i32 to index
          %swap3A_438 = arith.constant 0 : index
          %swap3A_439 = tpu.vector_load %arg9[%swap3A_437, %swap3A_438] {strides = array<i32>} : memref<800x16xf32, #tpu.memory_space<vmem>>, vector<16xf32>,
          tpu.vector_store %arg9[%swap3A_437, %swap3A_438], %mul3A_436 {strides = array<i32>} : memref<800x16xf32, #tpu.memory_space<vmem>>, vector<16xf32>,
        }
        %scan3A_189 = arith.constant 50 : i32
        "tpu.region"() ({
          %run_scoped3A = tpu.sem_alloc : memref<!tpu.dma_semaphore, #tpu.memory_space<semaphore_mem>>
          %dma_start3A = arith.constant 0 : i32
          %dma_start3A_197 = arith.constant 0 : i32
          %dma_start3A_198 = tpu.memref_slice %arg16[%dma_start3A, %dma_start3A_197] : memref<50176x16xf32, #tpu.memory_space<vmem_shared>> -> memref<50176x16xf32, #tpu.memory_space<vmem_shared>>
          tpu.enqueue_indirect_dma source(%arg9 : memref<800x16xf32, #tpu.memory_space<vmem>>) target(%dma_start3A_198 : memref<50176x16xf32, #tpu.memory_space<vmem_shared>>) offsets(%arg13 : memref<800xi32, #tpu.memory_space<vmem>>) semaphore(%run_scoped3A : memref<!tpu.dma_semaphore, #tpu.memory_space<semaphore_mem>>) {add = true}
          %dma_wait3A_199 = arith.constant 0 : i32
          %dma_wait3A_200 = arith.constant 0 : i32
          %dma_wait3A_201 = tpu.memref_slice %arg16[%dma_wait3A_199, %dma_wait3A_200] : memref<50176x16xf32, #tpu.memory_space<vmem_shared>> -> memref<50176x16xf32, #tpu.memory_space<vmem_shared>>
          tpu.wait_indirect_dma semaphore(%run_scoped3A : memref<!tpu.dma_semaphore, #tpu.memory_space<semaphore_mem>>) src(%arg9 : memref<800x16xf32, #tpu.memory_space<vmem>>) dst(%dma_wait3A_201 : memref<50176x16xf32, #tpu.memory_space<vmem_shared>>)
          tpu.yield
        }) : () -> ()
        %add3A_190 = arith.constant 64 : i32
        %add3A_191 = arith.addi %add3A_77, %add3A_190 : i32
        %lt3A_192 = arith.constant 2000 : i32
        %lt3A_193 = arith.cmpi slt, %add3A_191, %lt3A_192 : i32
        %convert_element_type3A_194 = arith.extui %lt3A_193 : i1 to i32
        %cond3A_195 = arith.constant 0 : i32
        %cond3A_196 = arith.cmpi ne, %convert_element_type3A_194, %cond3A_195 : i32
        scf.if %cond3A_196 {
          %mul3A_197 = arith.constant 800 : i32
          %mul3A_198 = arith.muli %add3A_191, %mul3A_197 : i32
          %jit3A_199 = arith.constant 12800 : i32
          %div3A_200 = arith.divsi %mul3A_198, %jit3A_199 : i32
          %sign3A_201 = arith.constant 0 : i32
          %sign3A_202 = arith.cmpi sgt, %mul3A_198, %sign3A_201 : i32
          %sign3A_203 = arith.extui %sign3A_202 : i1 to i32
          %sign3A_204 = arith.constant 0 : i32
          %sign3A_205 = arith.cmpi slt, %mul3A_198, %sign3A_204 : i32
          %sign3A_206 = arith.extui %sign3A_205 : i1 to i32
          %sign3A_207 = arith.subi %sign3A_203, %sign3A_206 : i32
          %sign3A_208 = arith.constant 0 : i32
          %sign3A_209 = arith.cmpi sgt, %jit3A_199, %sign3A_208 : i32
          %sign3A_210 = arith.extui %sign3A_209 : i1 to i32
          %sign3A_211 = arith.constant 0 : i32
          %sign3A_212 = arith.cmpi slt, %jit3A_199, %sign3A_211 : i32
          %sign3A_213 = arith.extui %sign3A_212 : i1 to i32
          %sign3A_214 = arith.subi %sign3A_210, %sign3A_213 : i32
          %ne3A_215 = arith.cmpi ne, %sign3A_207, %sign3A_214 : i32
          %rem3A_216 = arith.remsi %mul3A_198, %jit3A_199 : i32
          %ne3A_217 = arith.constant 0 : i32
          %ne3A_218 = arith.cmpi ne, %rem3A_216, %ne3A_217 : i32
          %and3A_219 = arith.andi %ne3A_215, %ne3A_218 : i1
          %sub3A_220 = arith.constant 1 : i32
          %sub3A_221 = arith.subi %div3A_200, %sub3A_220 : i32
          %select_n3A_222 = arith.select %and3A_219, %sub3A_221, %div3A_200 : i32
          %jit3A_223 = arith.constant 12800 : i32
          %eq3A_224 = arith.constant 0 : i32
          %eq3A_225 = arith.cmpi eq, %jit3A_223, %eq3A_224 : i32
          %jit3A_226 = arith.constant 1 : i32
          %select_n3A_227 = arith.select %eq3A_225, %jit3A_226, %jit3A_223 : i32
          %rem3A_228 = arith.remsi %mul3A_198, %select_n3A_227 : i32
          %ne3A_229 = arith.constant 0 : i32
          %ne3A_230 = arith.cmpi ne, %rem3A_228, %ne3A_229 : i32
          %lt3A_231 = arith.constant 0 : i32
          %lt3A_232 = arith.cmpi slt, %rem3A_228, %lt3A_231 : i32
          %lt3A_233 = arith.constant 0 : i32
          %lt3A_234 = arith.cmpi slt, %select_n3A_227, %lt3A_233 : i32
          %ne3A_235 = arith.xori %lt3A_232, %lt3A_234 : i1
          %and3A_236 = arith.andi %ne3A_235, %ne3A_230 : i1
          %add3A_237 = arith.addi %rem3A_228, %select_n3A_227 : i32
          %select_n3A_238 = arith.select %and3A_236, %add3A_237, %rem3A_228 : i32
          %jit3A_239 = arith.constant 1600 : i32
          %div3A_240 = arith.divsi %select_n3A_238, %jit3A_239 : i32
          %sign3A_241 = arith.constant 0 : i32
          %sign3A_242 = arith.cmpi sgt, %select_n3A_238, %sign3A_241 : i32
          %sign3A_243 = arith.extui %sign3A_242 : i1 to i32
          %sign3A_244 = arith.constant 0 : i32
          %sign3A_245 = arith.cmpi slt, %select_n3A_238, %sign3A_244 : i32
          %sign3A_246 = arith.extui %sign3A_245 : i1 to i32
          %sign3A_247 = arith.subi %sign3A_243, %sign3A_246 : i32
          %sign3A_248 = arith.constant 0 : i32
          %sign3A_249 = arith.cmpi sgt, %jit3A_239, %sign3A_248 : i32
          %sign3A_250 = arith.extui %sign3A_249 : i1 to i32
          %sign3A_251 = arith.constant 0 : i32
          %sign3A_252 = arith.cmpi slt, %jit3A_239, %sign3A_251 : i32
          %sign3A_253 = arith.extui %sign3A_252 : i1 to i32
          %sign3A_254 = arith.subi %sign3A_250, %sign3A_253 : i32
          %ne3A_255 = arith.cmpi ne, %sign3A_247, %sign3A_254 : i32
          %rem3A_256 = arith.remsi %select_n3A_238, %jit3A_239 : i32
          %ne3A_257 = arith.constant 0 : i32
          %ne3A_258 = arith.cmpi ne, %rem3A_256, %ne3A_257 : i32
          %and3A_259 = arith.andi %ne3A_255, %ne3A_258 : i1
          %sub3A_260 = arith.constant 1 : i32
          %sub3A_261 = arith.subi %div3A_240, %sub3A_260 : i32
          %select_n3A_262 = arith.select %and3A_259, %sub3A_261, %div3A_240 : i32
          %mul3A_263 = arith.constant 1600 : i32
          %mul3A_264 = arith.muli %select_n3A_222, %mul3A_263 : i32
          %jit3A_265 = arith.constant 1600 : i32
          %eq3A_266 = arith.constant 0 : i32
          %eq3A_267 = arith.cmpi eq, %jit3A_265, %eq3A_266 : i32
          %jit3A_268 = arith.constant 1 : i32
          %select_n3A_269 = arith.select %eq3A_267, %jit3A_268, %jit3A_265 : i32
          %rem3A_270 = arith.remsi %select_n3A_238, %select_n3A_269 : i32
          %ne3A_271 = arith.constant 0 : i32
          %ne3A_272 = arith.cmpi ne, %rem3A_270, %ne3A_271 : i32
          %lt3A_273 = arith.constant 0 : i32
          %lt3A_274 = arith.cmpi slt, %rem3A_270, %lt3A_273 : i32
          %lt3A_275 = arith.constant 0 : i32
          %lt3A_276 = arith.cmpi slt, %select_n3A_269, %lt3A_275 : i32
          %ne3A_277 = arith.xori %lt3A_274, %lt3A_276 : i1
          %and3A_278 = arith.andi %ne3A_277, %ne3A_272 : i1
          %add3A_279 = arith.addi %rem3A_270, %select_n3A_269 : i32
          %select_n3A_280 = arith.select %and3A_278, %add3A_279, %rem3A_270 : i32
          %add3A_281 = arith.addi %mul3A_264, %select_n3A_280 : i32
          %mul3A_282 = arith.constant 16 : i32
          %mul3A_283 = arith.muli %select_n3A_262, %mul3A_282 : i32
          %dma_start3A = arith.constant 0 : i32
          %dma_start3A_284 = tpu.memref_slice %arg5[%dma_start3A, %mul3A_198] : memref<2x1600000xi32, #tpu.memory_space<hbm>> -> memref<1x800xi32, #tpu.memory_space<hbm>>
          %dma_start3A_285 = tpu.memref_squeeze %dma_start3A_284 : memref<1x800xi32, #tpu.memory_space<hbm>> -> memref<800xi32, #tpu.memory_space<hbm>>
          %dma_start3A_286 = tpu.memref_slice %arg5[%dma_start3A, %mul3A_198] : memref<2x1600000xi32, #tpu.memory_space<hbm>> -> memref<1x800xi32, #tpu.memory_space<hbm>>
          %dma_start3A_287 = tpu.memref_squeeze %dma_start3A_286 : memref<1x800xi32, #tpu.memory_space<hbm>> -> memref<800xi32, #tpu.memory_space<hbm>>
          tpu.enqueue_dma source(%dma_start3A_287 : memref<800xi32, #tpu.memory_space<hbm>>) target(%arg11 : memref<800xi32, #tpu.memory_space<vmem>>) target_semaphore(%arg17 : memref<!tpu.dma_semaphore, #tpu.memory_space<semaphore_mem>>)
          %dma_start3A_288 = arith.constant 1 : i32
          %dma_start3A_289 = tpu.memref_slice %arg5[%dma_start3A_288, %mul3A_198] : memref<2x1600000xi32, #tpu.memory_space<hbm>> -> memref<1x800xi32, #tpu.memory_space<hbm>>
          %dma_start3A_290 = tpu.memref_squeeze %dma_start3A_289 : memref<1x800xi32, #tpu.memory_space<hbm>> -> memref<800xi32, #tpu.memory_space<hbm>>
          %dma_start3A_291 = tpu.memref_slice %arg5[%dma_start3A_288, %mul3A_198] : memref<2x1600000xi32, #tpu.memory_space<hbm>> -> memref<1x800xi32, #tpu.memory_space<hbm>>
          %dma_start3A_292 = tpu.memref_squeeze %dma_start3A_291 : memref<1x800xi32, #tpu.memory_space<hbm>> -> memref<800xi32, #tpu.memory_space<hbm>>
          tpu.enqueue_dma source(%dma_start3A_292 : memref<800xi32, #tpu.memory_space<hbm>>) target(%arg13 : memref<800xi32, #tpu.memory_space<vmem>>) target_semaphore(%arg17 : memref<!tpu.dma_semaphore, #tpu.memory_space<semaphore_mem>>)
          %dma_start3A_293 = tpu.memref_slice %arg3[%add3A_281, %mul3A_283] : memref<200000x128xf32, #tpu.memory_space<hbm>> -> memref<800x16xf32, #tpu.memory_space<hbm>>
          %dma_start3A_294 = tpu.memref_slice %arg3[%add3A_281, %mul3A_283] : memref<200000x128xf32, #tpu.memory_space<hbm>> -> memref<800x16xf32, #tpu.memory_space<hbm>>
          tpu.enqueue_dma source(%dma_start3A_294 : memref<800x16xf32, #tpu.memory_space<hbm>>) target(%arg9 : memref<800x16xf32, #tpu.memory_space<vmem>>) target_semaphore(%arg17 : memref<!tpu.dma_semaphore, #tpu.memory_space<semaphore_mem>>)
        } else {
        }
      } else {
      }
      %mul3A_83 = arith.constant 2 : i32
      %mul3A_84 = arith.muli %mul3A_83, %scan3A_70 : i32
      %add3A_85 = arith.constant 1 : i32
      %add3A_86 = arith.addi %mul3A_84, %add3A_85 : i32
      %mul3A_87 = arith.constant 32 : i32
      %mul3A_88 = arith.muli %mul3A_87, %add3A_86 : i32
      %add3A_89 = arith.addi %add3A, %mul3A_88 : i32
      %lt3A_90 = arith.constant 2000 : i32
      %lt3A_91 = arith.cmpi slt, %add3A_89, %lt3A_90 : i32
      %convert_element_type3A_92 = arith.extui %lt3A_91 : i1 to i32
      %cond3A_93 = arith.constant 0 : i32
      %cond3A_94 = arith.cmpi ne, %convert_element_type3A_92, %cond3A_93 : i32
      scf.if %cond3A_94 {
        %mul3A_95 = arith.constant 800 : i32
        %mul3A_96 = arith.muli %add3A_89, %mul3A_95 : i32
        %jit3A = arith.constant 12800 : i32
        %div3A = arith.divsi %mul3A_96, %jit3A : i32
        %sign3A = arith.constant 0 : i32
        %sign3A_97 = arith.cmpi sgt, %mul3A_96, %sign3A : i32
        %sign3A_98 = arith.extui %sign3A_97 : i1 to i32
        %sign3A_99 = arith.constant 0 : i32
        %sign3A_100 = arith.cmpi slt, %mul3A_96, %sign3A_99 : i32
        %sign3A_101 = arith.extui %sign3A_100 : i1 to i32
        %sign3A_102 = arith.subi %sign3A_98, %sign3A_101 : i32
        %sign3A_103 = arith.constant 0 : i32
        %sign3A_104 = arith.cmpi sgt, %jit3A, %sign3A_103 : i32
        %sign3A_105 = arith.extui %sign3A_104 : i1 to i32
        %sign3A_106 = arith.constant 0 : i32
        %sign3A_107 = arith.cmpi slt, %jit3A, %sign3A_106 : i32
        %sign3A_108 = arith.extui %sign3A_107 : i1 to i32
        %sign3A_109 = arith.subi %sign3A_105, %sign3A_108 : i32
        %ne3A = arith.cmpi ne, %sign3A_102, %sign3A_109 : i32
        %rem3A = arith.remsi %mul3A_96, %jit3A : i32
        %ne3A_110 = arith.constant 0 : i32
        %ne3A_111 = arith.cmpi ne, %rem3A, %ne3A_110 : i32
        %and3A = arith.andi %ne3A, %ne3A_111 : i1
        %sub3A = arith.constant 1 : i32
        %sub3A_112 = arith.subi %div3A, %sub3A : i32
        %select_n3A = arith.select %and3A, %sub3A_112, %div3A : i32
        %jit3A_113 = arith.constant 12800 : i32
        %eq3A = arith.constant 0 : i32
        %eq3A_114 = arith.cmpi eq, %jit3A_113, %eq3A : i32
        %jit3A_115 = arith.constant 1 : i32
        %select_n3A_116 = arith.select %eq3A_114, %jit3A_115, %jit3A_113 : i32
        %rem3A_117 = arith.remsi %mul3A_96, %select_n3A_116 : i32
        %ne3A_118 = arith.constant 0 : i32
        %ne3A_119 = arith.cmpi ne, %rem3A_117, %ne3A_118 : i32
        %lt3A_120 = arith.constant 0 : i32
        %lt3A_121 = arith.cmpi slt, %rem3A_117, %lt3A_120 : i32
        %lt3A_122 = arith.constant 0 : i32
        %lt3A_123 = arith.cmpi slt, %select_n3A_116, %lt3A_122 : i32
        %ne3A_124 = arith.xori %lt3A_121, %lt3A_123 : i1
        %and3A_125 = arith.andi %ne3A_124, %ne3A_119 : i1
        %add3A_126 = arith.addi %rem3A_117, %select_n3A_116 : i32
        %select_n3A_127 = arith.select %and3A_125, %add3A_126, %rem3A_117 : i32
        %jit3A_128 = arith.constant 1600 : i32
        %div3A_129 = arith.divsi %select_n3A_127, %jit3A_128 : i32
        %sign3A_130 = arith.constant 0 : i32
        %sign3A_131 = arith.cmpi sgt, %select_n3A_127, %sign3A_130 : i32
        %sign3A_132 = arith.extui %sign3A_131 : i1 to i32
        %sign3A_133 = arith.constant 0 : i32
        %sign3A_134 = arith.cmpi slt, %select_n3A_127, %sign3A_133 : i32
        %sign3A_135 = arith.extui %sign3A_134 : i1 to i32
        %sign3A_136 = arith.subi %sign3A_132, %sign3A_135 : i32
        %sign3A_137 = arith.constant 0 : i32
        %sign3A_138 = arith.cmpi sgt, %jit3A_128, %sign3A_137 : i32
        %sign3A_139 = arith.extui %sign3A_138 : i1 to i32
        %sign3A_140 = arith.constant 0 : i32
        %sign3A_141 = arith.cmpi slt, %jit3A_128, %sign3A_140 : i32
        %sign3A_142 = arith.extui %sign3A_141 : i1 to i32
        %sign3A_143 = arith.subi %sign3A_139, %sign3A_142 : i32
        %ne3A_144 = arith.cmpi ne, %sign3A_136, %sign3A_143 : i32
        %rem3A_145 = arith.remsi %select_n3A_127, %jit3A_128 : i32
        %ne3A_146 = arith.constant 0 : i32
        %ne3A_147 = arith.cmpi ne, %rem3A_145, %ne3A_146 : i32
        %and3A_148 = arith.andi %ne3A_144, %ne3A_147 : i1
        %sub3A_149 = arith.constant 1 : i32
        %sub3A_150 = arith.subi %div3A_129, %sub3A_149 : i32
        %select_n3A_151 = arith.select %and3A_148, %sub3A_150, %div3A_129 : i32
        %mul3A_152 = arith.constant 1600 : i32
        %mul3A_153 = arith.muli %select_n3A, %mul3A_152 : i32
        %jit3A_154 = arith.constant 1600 : i32
        %eq3A_155 = arith.constant 0 : i32
        %eq3A_156 = arith.cmpi eq, %jit3A_154, %eq3A_155 : i32
        %jit3A_157 = arith.constant 1 : i32
        %select_n3A_158 = arith.select %eq3A_156, %jit3A_157, %jit3A_154 : i32
        %rem3A_159 = arith.remsi %select_n3A_127, %select_n3A_158 : i32
        %ne3A_160 = arith.constant 0 : i32
        %ne3A_161 = arith.cmpi ne, %rem3A_159, %ne3A_160 : i32
        %lt3A_162 = arith.constant 0 : i32
        %lt3A_163 = arith.cmpi slt, %rem3A_159, %lt3A_162 : i32
        %lt3A_164 = arith.constant 0 : i32
        %lt3A_165 = arith.cmpi slt, %select_n3A_158, %lt3A_164 : i32
        %ne3A_166 = arith.xori %lt3A_163, %lt3A_165 : i1
        %and3A_167 = arith.andi %ne3A_166, %ne3A_161 : i1
        %add3A_168 = arith.addi %rem3A_159, %select_n3A_158 : i32
        %select_n3A_169 = arith.select %and3A_167, %add3A_168, %rem3A_159 : i32
        %add3A_170 = arith.addi %mul3A_153, %select_n3A_169 : i32
        %mul3A_171 = arith.constant 16 : i32
        %mul3A_172 = arith.muli %select_n3A_151, %mul3A_171 : i32
        %dma_wait3A = arith.constant 0 : i32
        %dma_wait3A_173 = tpu.memref_slice %arg5[%dma_wait3A, %mul3A_96] : memref<2x1600000xi32, #tpu.memory_space<hbm>> -> memref<1x800xi32, #tpu.memory_space<hbm>>
        %dma_wait3A_174 = tpu.memref_squeeze %dma_wait3A_173 : memref<1x800xi32, #tpu.memory_space<hbm>> -> memref<800xi32, #tpu.memory_space<hbm>>
        %dma_wait3A_175 = tpu.memref_slice %arg5[%dma_wait3A, %mul3A_96] : memref<2x1600000xi32, #tpu.memory_space<hbm>> -> memref<1x800xi32, #tpu.memory_space<hbm>>
        %dma_wait3A_176 = tpu.memref_squeeze %dma_wait3A_175 : memref<1x800xi32, #tpu.memory_space<hbm>> -> memref<800xi32, #tpu.memory_space<hbm>>
        tpu.wait_dma2 semaphore(%arg18 : memref<!tpu.dma_semaphore, #tpu.memory_space<semaphore_mem>>) src(%dma_wait3A_176 : memref<800xi32, #tpu.memory_space<hbm>>) dst(%arg12 : memref<800xi32, #tpu.memory_space<vmem>>)
        %dma_wait3A_177 = arith.constant 1 : i32
        %dma_wait3A_178 = tpu.memref_slice %arg5[%dma_wait3A_177, %mul3A_96] : memref<2x1600000xi32, #tpu.memory_space<hbm>> -> memref<1x800xi32, #tpu.memory_space<hbm>>
        %dma_wait3A_179 = tpu.memref_squeeze %dma_wait3A_178 : memref<1x800xi32, #tpu.memory_space<hbm>> -> memref<800xi32, #tpu.memory_space<hbm>>
        %dma_wait3A_180 = tpu.memref_slice %arg5[%dma_wait3A_177, %mul3A_96] : memref<2x1600000xi32, #tpu.memory_space<hbm>> -> memref<1x800xi32, #tpu.memory_space<hbm>>
        %dma_wait3A_181 = tpu.memref_squeeze %dma_wait3A_180 : memref<1x800xi32, #tpu.memory_space<hbm>> -> memref<800xi32, #tpu.memory_space<hbm>>
        tpu.wait_dma2 semaphore(%arg18 : memref<!tpu.dma_semaphore, #tpu.memory_space<semaphore_mem>>) src(%dma_wait3A_181 : memref<800xi32, #tpu.memory_space<hbm>>) dst(%arg14 : memref<800xi32, #tpu.memory_space<vmem>>)
        %dma_wait3A_182 = tpu.memref_slice %arg3[%add3A_170, %mul3A_172] : memref<200000x128xf32, #tpu.memory_space<hbm>> -> memref<800x16xf32, #tpu.memory_space<hbm>>
        %dma_wait3A_183 = tpu.memref_slice %arg3[%add3A_170, %mul3A_172] : memref<200000x128xf32, #tpu.memory_space<hbm>> -> memref<800x16xf32, #tpu.memory_space<hbm>>
        tpu.wait_dma2 semaphore(%arg18 : memref<!tpu.dma_semaphore, #tpu.memory_space<semaphore_mem>>) src(%dma_wait3A_183 : memref<800x16xf32, #tpu.memory_space<hbm>>) dst(%arg10 : memref<800x16xf32, #tpu.memory_space<vmem>>)
        %scan3A_184 = arith.constant 0 : i32
        %scan3A_185 = arith.constant 0 : i32
        %scan3A_186 = arith.constant 50 : i32
        %scan3A_187 = arith.addi %scan3A_185, %scan3A_186 : i32
        %scan3A_188 = arith.constant 1 : i32
        scf.for %scan3A_197 = %scan3A_185 to %scan3A_187 step %scan3A_188  : i32 {
          %mul3A_198 = arith.constant 16 : i32
          %mul3A_199 = arith.muli %scan3A_197, %mul3A_198 : i32
          %get3A = arith.index_cast %mul3A_199 : i32 to index
          %get3A_200 = tpu.vector_load %arg12[%get3A] {strides = array<i32>} : memref<800xi32, #tpu.memory_space<vmem>>, vector<16xi32>,
          %gather3A = tpu.vector_load_idx %arg8[%get3A_200] : memref<50000xf32, #tpu.memory_space<vmem>>[vector<16xi32>], vector<16xf32>,
          %broadcast_in_dim3A_201 = arith.constant 0 : i32
          %broadcast_in_dim3A_202 = vector.broadcast %broadcast_in_dim3A_201 : i32 to vector<16x1xi32>
          %gather3A_203 = vector.shape_cast %broadcast_in_dim3A_202 : vector<16x1xi32> to vector<16xi32>
          %gather3A_204 = tpu.dynamic_gather %gather3A[%gather3A_203] in [0] : vector<16xf32>, vector<16xi32> -> vector<16xf32>
          %mul3A_205 = arith.constant 16 : i32
          %mul3A_206 = arith.muli %scan3A_197, %mul3A_205 : i32
          %add3A_207 = arith.constant 0 : i32
          %add3A_208 = arith.addi %mul3A_206, %add3A_207 : i32
          %get3A_209 = arith.index_cast %add3A_208 : i32 to index
          %get3A_210 = arith.constant 0 : index
          %get3A_211 = tpu.vector_load %arg10[%get3A_209, %get3A_210] {strides = array<i32>} : memref<800x16xf32, #tpu.memory_space<vmem>>, vector<16xf32>,
          %mul3A_212 = arith.mulf %get3A_211, %gather3A_204 : vector<16xf32>
          %swap3A = arith.index_cast %add3A_208 : i32 to index
          %swap3A_213 = arith.constant 0 : index
          %swap3A_214 = tpu.vector_load %arg10[%swap3A, %swap3A_213] {strides = array<i32>} : memref<800x16xf32, #tpu.memory_space<vmem>>, vector<16xf32>,
          tpu.vector_store %arg10[%swap3A, %swap3A_213], %mul3A_212 {strides = array<i32>} : memref<800x16xf32, #tpu.memory_space<vmem>>, vector<16xf32>,
          %broadcast_in_dim3A_215 = arith.constant 1 : i32
          %broadcast_in_dim3A_216 = vector.broadcast %broadcast_in_dim3A_215 : i32 to vector<16x1xi32>
          %gather3A_217 = vector.shape_cast %broadcast_in_dim3A_216 : vector<16x1xi32> to vector<16xi32>
          %gather3A_218 = tpu.dynamic_gather %gather3A[%gather3A_217] in [0] : vector<16xf32>, vector<16xi32> -> vector<16xf32>
          %mul3A_219 = arith.constant 16 : i32
          %mul3A_220 = arith.muli %scan3A_197, %mul3A_219 : i32
          %add3A_221 = arith.constant 1 : i32
          %add3A_222 = arith.addi %mul3A_220, %add3A_221 : i32
          %get3A_223 = arith.index_cast %add3A_222 : i32 to index
          %get3A_224 = arith.constant 0 : index
          %get3A_225 = tpu.vector_load %arg10[%get3A_223, %get3A_224] {strides = array<i32>} : memref<800x16xf32, #tpu.memory_space<vmem>>, vector<16xf32>,
          %mul3A_226 = arith.mulf %get3A_225, %gather3A_218 : vector<16xf32>
          %swap3A_227 = arith.index_cast %add3A_222 : i32 to index
          %swap3A_228 = arith.constant 0 : index
          %swap3A_229 = tpu.vector_load %arg10[%swap3A_227, %swap3A_228] {strides = array<i32>} : memref<800x16xf32, #tpu.memory_space<vmem>>, vector<16xf32>,
          tpu.vector_store %arg10[%swap3A_227, %swap3A_228], %mul3A_226 {strides = array<i32>} : memref<800x16xf32, #tpu.memory_space<vmem>>, vector<16xf32>,
          %broadcast_in_dim3A_230 = arith.constant 2 : i32
          %broadcast_in_dim3A_231 = vector.broadcast %broadcast_in_dim3A_230 : i32 to vector<16x1xi32>
          %gather3A_232 = vector.shape_cast %broadcast_in_dim3A_231 : vector<16x1xi32> to vector<16xi32>
          %gather3A_233 = tpu.dynamic_gather %gather3A[%gather3A_232] in [0] : vector<16xf32>, vector<16xi32> -> vector<16xf32>
          %mul3A_234 = arith.constant 16 : i32
          %mul3A_235 = arith.muli %scan3A_197, %mul3A_234 : i32
          %add3A_236 = arith.constant 2 : i32
          %add3A_237 = arith.addi %mul3A_235, %add3A_236 : i32
          %get3A_238 = arith.index_cast %add3A_237 : i32 to index
          %get3A_239 = arith.constant 0 : index
          %get3A_240 = tpu.vector_load %arg10[%get3A_238, %get3A_239] {strides = array<i32>} : memref<800x16xf32, #tpu.memory_space<vmem>>, vector<16xf32>,
          %mul3A_241 = arith.mulf %get3A_240, %gather3A_233 : vector<16xf32>
          %swap3A_242 = arith.index_cast %add3A_237 : i32 to index
          %swap3A_243 = arith.constant 0 : index
          %swap3A_244 = tpu.vector_load %arg10[%swap3A_242, %swap3A_243] {strides = array<i32>} : memref<800x16xf32, #tpu.memory_space<vmem>>, vector<16xf32>,
          tpu.vector_store %arg10[%swap3A_242, %swap3A_243], %mul3A_241 {strides = array<i32>} : memref<800x16xf32, #tpu.memory_space<vmem>>, vector<16xf32>,
          %broadcast_in_dim3A_245 = arith.constant 3 : i32
          %broadcast_in_dim3A_246 = vector.broadcast %broadcast_in_dim3A_245 : i32 to vector<16x1xi32>
          %gather3A_247 = vector.shape_cast %broadcast_in_dim3A_246 : vector<16x1xi32> to vector<16xi32>
          %gather3A_248 = tpu.dynamic_gather %gather3A[%gather3A_247] in [0] : vector<16xf32>, vector<16xi32> -> vector<16xf32>
          %mul3A_249 = arith.constant 16 : i32
          %mul3A_250 = arith.muli %scan3A_197, %mul3A_249 : i32
          %add3A_251 = arith.constant 3 : i32
          %add3A_252 = arith.addi %mul3A_250, %add3A_251 : i32
          %get3A_253 = arith.index_cast %add3A_252 : i32 to index
          %get3A_254 = arith.constant 0 : index
          %get3A_255 = tpu.vector_load %arg10[%get3A_253, %get3A_254] {strides = array<i32>} : memref<800x16xf32, #tpu.memory_space<vmem>>, vector<16xf32>,
          %mul3A_256 = arith.mulf %get3A_255, %gather3A_248 : vector<16xf32>
          %swap3A_257 = arith.index_cast %add3A_252 : i32 to index
          %swap3A_258 = arith.constant 0 : index
          %swap3A_259 = tpu.vector_load %arg10[%swap3A_257, %swap3A_258] {strides = array<i32>} : memref<800x16xf32, #tpu.memory_space<vmem>>, vector<16xf32>,
          tpu.vector_store %arg10[%swap3A_257, %swap3A_258], %mul3A_256 {strides = array<i32>} : memref<800x16xf32, #tpu.memory_space<vmem>>, vector<16xf32>,
          %broadcast_in_dim3A_260 = arith.constant 4 : i32
          %broadcast_in_dim3A_261 = vector.broadcast %broadcast_in_dim3A_260 : i32 to vector<16x1xi32>
          %gather3A_262 = vector.shape_cast %broadcast_in_dim3A_261 : vector<16x1xi32> to vector<16xi32>
          %gather3A_263 = tpu.dynamic_gather %gather3A[%gather3A_262] in [0] : vector<16xf32>, vector<16xi32> -> vector<16xf32>
          %mul3A_264 = arith.constant 16 : i32
          %mul3A_265 = arith.muli %scan3A_197, %mul3A_264 : i32
          %add3A_266 = arith.constant 4 : i32
          %add3A_267 = arith.addi %mul3A_265, %add3A_266 : i32
          %get3A_268 = arith.index_cast %add3A_267 : i32 to index
          %get3A_269 = arith.constant 0 : index
          %get3A_270 = tpu.vector_load %arg10[%get3A_268, %get3A_269] {strides = array<i32>} : memref<800x16xf32, #tpu.memory_space<vmem>>, vector<16xf32>,
          %mul3A_271 = arith.mulf %get3A_270, %gather3A_263 : vector<16xf32>
          %swap3A_272 = arith.index_cast %add3A_267 : i32 to index
          %swap3A_273 = arith.constant 0 : index
          %swap3A_274 = tpu.vector_load %arg10[%swap3A_272, %swap3A_273] {strides = array<i32>} : memref<800x16xf32, #tpu.memory_space<vmem>>, vector<16xf32>,
          tpu.vector_store %arg10[%swap3A_272, %swap3A_273], %mul3A_271 {strides = array<i32>} : memref<800x16xf32, #tpu.memory_space<vmem>>, vector<16xf32>,
          %broadcast_in_dim3A_275 = arith.constant 5 : i32
          %broadcast_in_dim3A_276 = vector.broadcast %broadcast_in_dim3A_275 : i32 to vector<16x1xi32>
          %gather3A_277 = vector.shape_cast %broadcast_in_dim3A_276 : vector<16x1xi32> to vector<16xi32>
          %gather3A_278 = tpu.dynamic_gather %gather3A[%gather3A_277] in [0] : vector<16xf32>, vector<16xi32> -> vector<16xf32>
          %mul3A_279 = arith.constant 16 : i32
          %mul3A_280 = arith.muli %scan3A_197, %mul3A_279 : i32
          %add3A_281 = arith.constant 5 : i32
          %add3A_282 = arith.addi %mul3A_280, %add3A_281 : i32
          %get3A_283 = arith.index_cast %add3A_282 : i32 to index
          %get3A_284 = arith.constant 0 : index
          %get3A_285 = tpu.vector_load %arg10[%get3A_283, %get3A_284] {strides = array<i32>} : memref<800x16xf32, #tpu.memory_space<vmem>>, vector<16xf32>,
          %mul3A_286 = arith.mulf %get3A_285, %gather3A_278 : vector<16xf32>
          %swap3A_287 = arith.index_cast %add3A_282 : i32 to index
          %swap3A_288 = arith.constant 0 : index
          %swap3A_289 = tpu.vector_load %arg10[%swap3A_287, %swap3A_288] {strides = array<i32>} : memref<800x16xf32, #tpu.memory_space<vmem>>, vector<16xf32>,
          tpu.vector_store %arg10[%swap3A_287, %swap3A_288], %mul3A_286 {strides = array<i32>} : memref<800x16xf32, #tpu.memory_space<vmem>>, vector<16xf32>,
          %broadcast_in_dim3A_290 = arith.constant 6 : i32
          %broadcast_in_dim3A_291 = vector.broadcast %broadcast_in_dim3A_290 : i32 to vector<16x1xi32>
          %gather3A_292 = vector.shape_cast %broadcast_in_dim3A_291 : vector<16x1xi32> to vector<16xi32>
          %gather3A_293 = tpu.dynamic_gather %gather3A[%gather3A_292] in [0] : vector<16xf32>, vector<16xi32> -> vector<16xf32>
          %mul3A_294 = arith.constant 16 : i32
          %mul3A_295 = arith.muli %scan3A_197, %mul3A_294 : i32
          %add3A_296 = arith.constant 6 : i32
          %add3A_297 = arith.addi %mul3A_295, %add3A_296 : i32
          %get3A_298 = arith.index_cast %add3A_297 : i32 to index
          %get3A_299 = arith.constant 0 : index
          %get3A_300 = tpu.vector_load %arg10[%get3A_298, %get3A_299] {strides = array<i32>} : memref<800x16xf32, #tpu.memory_space<vmem>>, vector<16xf32>,
          %mul3A_301 = arith.mulf %get3A_300, %gather3A_293 : vector<16xf32>
          %swap3A_302 = arith.index_cast %add3A_297 : i32 to index
          %swap3A_303 = arith.constant 0 : index
          %swap3A_304 = tpu.vector_load %arg10[%swap3A_302, %swap3A_303] {strides = array<i32>} : memref<800x16xf32, #tpu.memory_space<vmem>>, vector<16xf32>,
          tpu.vector_store %arg10[%swap3A_302, %swap3A_303], %mul3A_301 {strides = array<i32>} : memref<800x16xf32, #tpu.memory_space<vmem>>, vector<16xf32>,
          %broadcast_in_dim3A_305 = arith.constant 7 : i32
          %broadcast_in_dim3A_306 = vector.broadcast %broadcast_in_dim3A_305 : i32 to vector<16x1xi32>
          %gather3A_307 = vector.shape_cast %broadcast_in_dim3A_306 : vector<16x1xi32> to vector<16xi32>
          %gather3A_308 = tpu.dynamic_gather %gather3A[%gather3A_307] in [0] : vector<16xf32>, vector<16xi32> -> vector<16xf32>
          %mul3A_309 = arith.constant 16 : i32
          %mul3A_310 = arith.muli %scan3A_197, %mul3A_309 : i32
          %add3A_311 = arith.constant 7 : i32
          %add3A_312 = arith.addi %mul3A_310, %add3A_311 : i32
          %get3A_313 = arith.index_cast %add3A_312 : i32 to index
          %get3A_314 = arith.constant 0 : index
          %get3A_315 = tpu.vector_load %arg10[%get3A_313, %get3A_314] {strides = array<i32>} : memref<800x16xf32, #tpu.memory_space<vmem>>, vector<16xf32>,
          %mul3A_316 = arith.mulf %get3A_315, %gather3A_308 : vector<16xf32>
          %swap3A_317 = arith.index_cast %add3A_312 : i32 to index
          %swap3A_318 = arith.constant 0 : index
          %swap3A_319 = tpu.vector_load %arg10[%swap3A_317, %swap3A_318] {strides = array<i32>} : memref<800x16xf32, #tpu.memory_space<vmem>>, vector<16xf32>,
          tpu.vector_store %arg10[%swap3A_317, %swap3A_318], %mul3A_316 {strides = array<i32>} : memref<800x16xf32, #tpu.memory_space<vmem>>, vector<16xf32>,
          %broadcast_in_dim3A_320 = arith.constant 8 : i32
          %broadcast_in_dim3A_321 = vector.broadcast %broadcast_in_dim3A_320 : i32 to vector<16x1xi32>
          %gather3A_322 = vector.shape_cast %broadcast_in_dim3A_321 : vector<16x1xi32> to vector<16xi32>
          %gather3A_323 = tpu.dynamic_gather %gather3A[%gather3A_322] in [0] : vector<16xf32>, vector<16xi32> -> vector<16xf32>
          %mul3A_324 = arith.constant 16 : i32
          %mul3A_325 = arith.muli %scan3A_197, %mul3A_324 : i32
          %add3A_326 = arith.constant 8 : i32
          %add3A_327 = arith.addi %mul3A_325, %add3A_326 : i32
          %get3A_328 = arith.index_cast %add3A_327 : i32 to index
          %get3A_329 = arith.constant 0 : index
          %get3A_330 = tpu.vector_load %arg10[%get3A_328, %get3A_329] {strides = array<i32>} : memref<800x16xf32, #tpu.memory_space<vmem>>, vector<16xf32>,
          %mul3A_331 = arith.mulf %get3A_330, %gather3A_323 : vector<16xf32>
          %swap3A_332 = arith.index_cast %add3A_327 : i32 to index
          %swap3A_333 = arith.constant 0 : index
          %swap3A_334 = tpu.vector_load %arg10[%swap3A_332, %swap3A_333] {strides = array<i32>} : memref<800x16xf32, #tpu.memory_space<vmem>>, vector<16xf32>,
          tpu.vector_store %arg10[%swap3A_332, %swap3A_333], %mul3A_331 {strides = array<i32>} : memref<800x16xf32, #tpu.memory_space<vmem>>, vector<16xf32>,
          %broadcast_in_dim3A_335 = arith.constant 9 : i32
          %broadcast_in_dim3A_336 = vector.broadcast %broadcast_in_dim3A_335 : i32 to vector<16x1xi32>
          %gather3A_337 = vector.shape_cast %broadcast_in_dim3A_336 : vector<16x1xi32> to vector<16xi32>
          %gather3A_338 = tpu.dynamic_gather %gather3A[%gather3A_337] in [0] : vector<16xf32>, vector<16xi32> -> vector<16xf32>
          %mul3A_339 = arith.constant 16 : i32
          %mul3A_340 = arith.muli %scan3A_197, %mul3A_339 : i32
          %add3A_341 = arith.constant 9 : i32
          %add3A_342 = arith.addi %mul3A_340, %add3A_341 : i32
          %get3A_343 = arith.index_cast %add3A_342 : i32 to index
          %get3A_344 = arith.constant 0 : index
          %get3A_345 = tpu.vector_load %arg10[%get3A_343, %get3A_344] {strides = array<i32>} : memref<800x16xf32, #tpu.memory_space<vmem>>, vector<16xf32>,
          %mul3A_346 = arith.mulf %get3A_345, %gather3A_338 : vector<16xf32>
          %swap3A_347 = arith.index_cast %add3A_342 : i32 to index
          %swap3A_348 = arith.constant 0 : index
          %swap3A_349 = tpu.vector_load %arg10[%swap3A_347, %swap3A_348] {strides = array<i32>} : memref<800x16xf32, #tpu.memory_space<vmem>>, vector<16xf32>,
          tpu.vector_store %arg10[%swap3A_347, %swap3A_348], %mul3A_346 {strides = array<i32>} : memref<800x16xf32, #tpu.memory_space<vmem>>, vector<16xf32>,
          %broadcast_in_dim3A_350 = arith.constant 10 : i32
          %broadcast_in_dim3A_351 = vector.broadcast %broadcast_in_dim3A_350 : i32 to vector<16x1xi32>
          %gather3A_352 = vector.shape_cast %broadcast_in_dim3A_351 : vector<16x1xi32> to vector<16xi32>
          %gather3A_353 = tpu.dynamic_gather %gather3A[%gather3A_352] in [0] : vector<16xf32>, vector<16xi32> -> vector<16xf32>
          %mul3A_354 = arith.constant 16 : i32
          %mul3A_355 = arith.muli %scan3A_197, %mul3A_354 : i32
          %add3A_356 = arith.constant 10 : i32
          %add3A_357 = arith.addi %mul3A_355, %add3A_356 : i32
          %get3A_358 = arith.index_cast %add3A_357 : i32 to index
          %get3A_359 = arith.constant 0 : index
          %get3A_360 = tpu.vector_load %arg10[%get3A_358, %get3A_359] {strides = array<i32>} : memref<800x16xf32, #tpu.memory_space<vmem>>, vector<16xf32>,
          %mul3A_361 = arith.mulf %get3A_360, %gather3A_353 : vector<16xf32>
          %swap3A_362 = arith.index_cast %add3A_357 : i32 to index
          %swap3A_363 = arith.constant 0 : index
          %swap3A_364 = tpu.vector_load %arg10[%swap3A_362, %swap3A_363] {strides = array<i32>} : memref<800x16xf32, #tpu.memory_space<vmem>>, vector<16xf32>,
          tpu.vector_store %arg10[%swap3A_362, %swap3A_363], %mul3A_361 {strides = array<i32>} : memref<800x16xf32, #tpu.memory_space<vmem>>, vector<16xf32>,
          %broadcast_in_dim3A_365 = arith.constant 11 : i32
          %broadcast_in_dim3A_366 = vector.broadcast %broadcast_in_dim3A_365 : i32 to vector<16x1xi32>
          %gather3A_367 = vector.shape_cast %broadcast_in_dim3A_366 : vector<16x1xi32> to vector<16xi32>
          %gather3A_368 = tpu.dynamic_gather %gather3A[%gather3A_367] in [0] : vector<16xf32>, vector<16xi32> -> vector<16xf32>
          %mul3A_369 = arith.constant 16 : i32
          %mul3A_370 = arith.muli %scan3A_197, %mul3A_369 : i32
          %add3A_371 = arith.constant 11 : i32
          %add3A_372 = arith.addi %mul3A_370, %add3A_371 : i32
          %get3A_373 = arith.index_cast %add3A_372 : i32 to index
          %get3A_374 = arith.constant 0 : index
          %get3A_375 = tpu.vector_load %arg10[%get3A_373, %get3A_374] {strides = array<i32>} : memref<800x16xf32, #tpu.memory_space<vmem>>, vector<16xf32>,
          %mul3A_376 = arith.mulf %get3A_375, %gather3A_368 : vector<16xf32>
          %swap3A_377 = arith.index_cast %add3A_372 : i32 to index
          %swap3A_378 = arith.constant 0 : index
          %swap3A_379 = tpu.vector_load %arg10[%swap3A_377, %swap3A_378] {strides = array<i32>} : memref<800x16xf32, #tpu.memory_space<vmem>>, vector<16xf32>,
          tpu.vector_store %arg10[%swap3A_377, %swap3A_378], %mul3A_376 {strides = array<i32>} : memref<800x16xf32, #tpu.memory_space<vmem>>, vector<16xf32>,
          %broadcast_in_dim3A_380 = arith.constant 12 : i32
          %broadcast_in_dim3A_381 = vector.broadcast %broadcast_in_dim3A_380 : i32 to vector<16x1xi32>
          %gather3A_382 = vector.shape_cast %broadcast_in_dim3A_381 : vector<16x1xi32> to vector<16xi32>
          %gather3A_383 = tpu.dynamic_gather %gather3A[%gather3A_382] in [0] : vector<16xf32>, vector<16xi32> -> vector<16xf32>
          %mul3A_384 = arith.constant 16 : i32
          %mul3A_385 = arith.muli %scan3A_197, %mul3A_384 : i32
          %add3A_386 = arith.constant 12 : i32
          %add3A_387 = arith.addi %mul3A_385, %add3A_386 : i32
          %get3A_388 = arith.index_cast %add3A_387 : i32 to index
          %get3A_389 = arith.constant 0 : index
          %get3A_390 = tpu.vector_load %arg10[%get3A_388, %get3A_389] {strides = array<i32>} : memref<800x16xf32, #tpu.memory_space<vmem>>, vector<16xf32>,
          %mul3A_391 = arith.mulf %get3A_390, %gather3A_383 : vector<16xf32>
          %swap3A_392 = arith.index_cast %add3A_387 : i32 to index
          %swap3A_393 = arith.constant 0 : index
          %swap3A_394 = tpu.vector_load %arg10[%swap3A_392, %swap3A_393] {strides = array<i32>} : memref<800x16xf32, #tpu.memory_space<vmem>>, vector<16xf32>,
          tpu.vector_store %arg10[%swap3A_392, %swap3A_393], %mul3A_391 {strides = array<i32>} : memref<800x16xf32, #tpu.memory_space<vmem>>, vector<16xf32>,
          %broadcast_in_dim3A_395 = arith.constant 13 : i32
          %broadcast_in_dim3A_396 = vector.broadcast %broadcast_in_dim3A_395 : i32 to vector<16x1xi32>
          %gather3A_397 = vector.shape_cast %broadcast_in_dim3A_396 : vector<16x1xi32> to vector<16xi32>
          %gather3A_398 = tpu.dynamic_gather %gather3A[%gather3A_397] in [0] : vector<16xf32>, vector<16xi32> -> vector<16xf32>
          %mul3A_399 = arith.constant 16 : i32
          %mul3A_400 = arith.muli %scan3A_197, %mul3A_399 : i32
          %add3A_401 = arith.constant 13 : i32
          %add3A_402 = arith.addi %mul3A_400, %add3A_401 : i32
          %get3A_403 = arith.index_cast %add3A_402 : i32 to index
          %get3A_404 = arith.constant 0 : index
          %get3A_405 = tpu.vector_load %arg10[%get3A_403, %get3A_404] {strides = array<i32>} : memref<800x16xf32, #tpu.memory_space<vmem>>, vector<16xf32>,
          %mul3A_406 = arith.mulf %get3A_405, %gather3A_398 : vector<16xf32>
          %swap3A_407 = arith.index_cast %add3A_402 : i32 to index
          %swap3A_408 = arith.constant 0 : index
          %swap3A_409 = tpu.vector_load %arg10[%swap3A_407, %swap3A_408] {strides = array<i32>} : memref<800x16xf32, #tpu.memory_space<vmem>>, vector<16xf32>,
          tpu.vector_store %arg10[%swap3A_407, %swap3A_408], %mul3A_406 {strides = array<i32>} : memref<800x16xf32, #tpu.memory_space<vmem>>, vector<16xf32>,
          %broadcast_in_dim3A_410 = arith.constant 14 : i32
          %broadcast_in_dim3A_411 = vector.broadcast %broadcast_in_dim3A_410 : i32 to vector<16x1xi32>
          %gather3A_412 = vector.shape_cast %broadcast_in_dim3A_411 : vector<16x1xi32> to vector<16xi32>
          %gather3A_413 = tpu.dynamic_gather %gather3A[%gather3A_412] in [0] : vector<16xf32>, vector<16xi32> -> vector<16xf32>
          %mul3A_414 = arith.constant 16 : i32
          %mul3A_415 = arith.muli %scan3A_197, %mul3A_414 : i32
          %add3A_416 = arith.constant 14 : i32
          %add3A_417 = arith.addi %mul3A_415, %add3A_416 : i32
          %get3A_418 = arith.index_cast %add3A_417 : i32 to index
          %get3A_419 = arith.constant 0 : index
          %get3A_420 = tpu.vector_load %arg10[%get3A_418, %get3A_419] {strides = array<i32>} : memref<800x16xf32, #tpu.memory_space<vmem>>, vector<16xf32>,
          %mul3A_421 = arith.mulf %get3A_420, %gather3A_413 : vector<16xf32>
          %swap3A_422 = arith.index_cast %add3A_417 : i32 to index
          %swap3A_423 = arith.constant 0 : index
          %swap3A_424 = tpu.vector_load %arg10[%swap3A_422, %swap3A_423] {strides = array<i32>} : memref<800x16xf32, #tpu.memory_space<vmem>>, vector<16xf32>,
          tpu.vector_store %arg10[%swap3A_422, %swap3A_423], %mul3A_421 {strides = array<i32>} : memref<800x16xf32, #tpu.memory_space<vmem>>, vector<16xf32>,
          %broadcast_in_dim3A_425 = arith.constant 15 : i32
          %broadcast_in_dim3A_426 = vector.broadcast %broadcast_in_dim3A_425 : i32 to vector<16x1xi32>
          %gather3A_427 = vector.shape_cast %broadcast_in_dim3A_426 : vector<16x1xi32> to vector<16xi32>
          %gather3A_428 = tpu.dynamic_gather %gather3A[%gather3A_427] in [0] : vector<16xf32>, vector<16xi32> -> vector<16xf32>
          %mul3A_429 = arith.constant 16 : i32
          %mul3A_430 = arith.muli %scan3A_197, %mul3A_429 : i32
          %add3A_431 = arith.constant 15 : i32
          %add3A_432 = arith.addi %mul3A_430, %add3A_431 : i32
          %get3A_433 = arith.index_cast %add3A_432 : i32 to index
          %get3A_434 = arith.constant 0 : index
          %get3A_435 = tpu.vector_load %arg10[%get3A_433, %get3A_434] {strides = array<i32>} : memref<800x16xf32, #tpu.memory_space<vmem>>, vector<16xf32>,
          %mul3A_436 = arith.mulf %get3A_435, %gather3A_428 : vector<16xf32>
          %swap3A_437 = arith.index_cast %add3A_432 : i32 to index
          %swap3A_438 = arith.constant 0 : index
          %swap3A_439 = tpu.vector_load %arg10[%swap3A_437, %swap3A_438] {strides = array<i32>} : memref<800x16xf32, #tpu.memory_space<vmem>>, vector<16xf32>,
          tpu.vector_store %arg10[%swap3A_437, %swap3A_438], %mul3A_436 {strides = array<i32>} : memref<800x16xf32, #tpu.memory_space<vmem>>, vector<16xf32>,
        }
        %scan3A_189 = arith.constant 50 : i32
        "tpu.region"() ({
          %run_scoped3A = tpu.sem_alloc : memref<!tpu.dma_semaphore, #tpu.memory_space<semaphore_mem>>
          %dma_start3A = arith.constant 0 : i32
          %dma_start3A_197 = arith.constant 0 : i32
          %dma_start3A_198 = tpu.memref_slice %arg16[%dma_start3A, %dma_start3A_197] : memref<50176x16xf32, #tpu.memory_space<vmem_shared>> -> memref<50176x16xf32, #tpu.memory_space<vmem_shared>>
          tpu.enqueue_indirect_dma source(%arg10 : memref<800x16xf32, #tpu.memory_space<vmem>>) target(%dma_start3A_198 : memref<50176x16xf32, #tpu.memory_space<vmem_shared>>) offsets(%arg14 : memref<800xi32, #tpu.memory_space<vmem>>) semaphore(%run_scoped3A : memref<!tpu.dma_semaphore, #tpu.memory_space<semaphore_mem>>) {add = true}
          %dma_wait3A_199 = arith.constant 0 : i32
          %dma_wait3A_200 = arith.constant 0 : i32
          %dma_wait3A_201 = tpu.memref_slice %arg16[%dma_wait3A_199, %dma_wait3A_200] : memref<50176x16xf32, #tpu.memory_space<vmem_shared>> -> memref<50176x16xf32, #tpu.memory_space<vmem_shared>>
          tpu.wait_indirect_dma semaphore(%run_scoped3A : memref<!tpu.dma_semaphore, #tpu.memory_space<semaphore_mem>>) src(%arg10 : memref<800x16xf32, #tpu.memory_space<vmem>>) dst(%dma_wait3A_201 : memref<50176x16xf32, #tpu.memory_space<vmem_shared>>)
          tpu.yield
        }) : () -> ()
        %add3A_190 = arith.constant 64 : i32
        %add3A_191 = arith.addi %add3A_89, %add3A_190 : i32
        %lt3A_192 = arith.constant 2000 : i32
        %lt3A_193 = arith.cmpi slt, %add3A_191, %lt3A_192 : i32
        %convert_element_type3A_194 = arith.extui %lt3A_193 : i1 to i32
        %cond3A_195 = arith.constant 0 : i32
        %cond3A_196 = arith.cmpi ne, %convert_element_type3A_194, %cond3A_195 : i32
        scf.if %cond3A_196 {
          %mul3A_197 = arith.constant 800 : i32
          %mul3A_198 = arith.muli %add3A_191, %mul3A_197 : i32
          %jit3A_199 = arith.constant 12800 : i32
          %div3A_200 = arith.divsi %mul3A_198, %jit3A_199 : i32
          %sign3A_201 = arith.constant 0 : i32
          %sign3A_202 = arith.cmpi sgt, %mul3A_198, %sign3A_201 : i32
          %sign3A_203 = arith.extui %sign3A_202 : i1 to i32
          %sign3A_204 = arith.constant 0 : i32
          %sign3A_205 = arith.cmpi slt, %mul3A_198, %sign3A_204 : i32
          %sign3A_206 = arith.extui %sign3A_205 : i1 to i32
          %sign3A_207 = arith.subi %sign3A_203, %sign3A_206 : i32
          %sign3A_208 = arith.constant 0 : i32
          %sign3A_209 = arith.cmpi sgt, %jit3A_199, %sign3A_208 : i32
          %sign3A_210 = arith.extui %sign3A_209 : i1 to i32
          %sign3A_211 = arith.constant 0 : i32
          %sign3A_212 = arith.cmpi slt, %jit3A_199, %sign3A_211 : i32
          %sign3A_213 = arith.extui %sign3A_212 : i1 to i32
          %sign3A_214 = arith.subi %sign3A_210, %sign3A_213 : i32
          %ne3A_215 = arith.cmpi ne, %sign3A_207, %sign3A_214 : i32
          %rem3A_216 = arith.remsi %mul3A_198, %jit3A_199 : i32
          %ne3A_217 = arith.constant 0 : i32
          %ne3A_218 = arith.cmpi ne, %rem3A_216, %ne3A_217 : i32
          %and3A_219 = arith.andi %ne3A_215, %ne3A_218 : i1
          %sub3A_220 = arith.constant 1 : i32
          %sub3A_221 = arith.subi %div3A_200, %sub3A_220 : i32
          %select_n3A_222 = arith.select %and3A_219, %sub3A_221, %div3A_200 : i32
          %jit3A_223 = arith.constant 12800 : i32
          %eq3A_224 = arith.constant 0 : i32
          %eq3A_225 = arith.cmpi eq, %jit3A_223, %eq3A_224 : i32
          %jit3A_226 = arith.constant 1 : i32
          %select_n3A_227 = arith.select %eq3A_225, %jit3A_226, %jit3A_223 : i32
          %rem3A_228 = arith.remsi %mul3A_198, %select_n3A_227 : i32
          %ne3A_229 = arith.constant 0 : i32
          %ne3A_230 = arith.cmpi ne, %rem3A_228, %ne3A_229 : i32
          %lt3A_231 = arith.constant 0 : i32
          %lt3A_232 = arith.cmpi slt, %rem3A_228, %lt3A_231 : i32
          %lt3A_233 = arith.constant 0 : i32
          %lt3A_234 = arith.cmpi slt, %select_n3A_227, %lt3A_233 : i32
          %ne3A_235 = arith.xori %lt3A_232, %lt3A_234 : i1
          %and3A_236 = arith.andi %ne3A_235, %ne3A_230 : i1
          %add3A_237 = arith.addi %rem3A_228, %select_n3A_227 : i32
          %select_n3A_238 = arith.select %and3A_236, %add3A_237, %rem3A_228 : i32
          %jit3A_239 = arith.constant 1600 : i32
          %div3A_240 = arith.divsi %select_n3A_238, %jit3A_239 : i32
          %sign3A_241 = arith.constant 0 : i32
          %sign3A_242 = arith.cmpi sgt, %select_n3A_238, %sign3A_241 : i32
          %sign3A_243 = arith.extui %sign3A_242 : i1 to i32
          %sign3A_244 = arith.constant 0 : i32
          %sign3A_245 = arith.cmpi slt, %select_n3A_238, %sign3A_244 : i32
          %sign3A_246 = arith.extui %sign3A_245 : i1 to i32
          %sign3A_247 = arith.subi %sign3A_243, %sign3A_246 : i32
          %sign3A_248 = arith.constant 0 : i32
          %sign3A_249 = arith.cmpi sgt, %jit3A_239, %sign3A_248 : i32
          %sign3A_250 = arith.extui %sign3A_249 : i1 to i32
          %sign3A_251 = arith.constant 0 : i32
          %sign3A_252 = arith.cmpi slt, %jit3A_239, %sign3A_251 : i32
          %sign3A_253 = arith.extui %sign3A_252 : i1 to i32
          %sign3A_254 = arith.subi %sign3A_250, %sign3A_253 : i32
          %ne3A_255 = arith.cmpi ne, %sign3A_247, %sign3A_254 : i32
          %rem3A_256 = arith.remsi %select_n3A_238, %jit3A_239 : i32
          %ne3A_257 = arith.constant 0 : i32
          %ne3A_258 = arith.cmpi ne, %rem3A_256, %ne3A_257 : i32
          %and3A_259 = arith.andi %ne3A_255, %ne3A_258 : i1
          %sub3A_260 = arith.constant 1 : i32
          %sub3A_261 = arith.subi %div3A_240, %sub3A_260 : i32
          %select_n3A_262 = arith.select %and3A_259, %sub3A_261, %div3A_240 : i32
          %mul3A_263 = arith.constant 1600 : i32
          %mul3A_264 = arith.muli %select_n3A_222, %mul3A_263 : i32
          %jit3A_265 = arith.constant 1600 : i32
          %eq3A_266 = arith.constant 0 : i32
          %eq3A_267 = arith.cmpi eq, %jit3A_265, %eq3A_266 : i32
          %jit3A_268 = arith.constant 1 : i32
          %select_n3A_269 = arith.select %eq3A_267, %jit3A_268, %jit3A_265 : i32
          %rem3A_270 = arith.remsi %select_n3A_238, %select_n3A_269 : i32
          %ne3A_271 = arith.constant 0 : i32
          %ne3A_272 = arith.cmpi ne, %rem3A_270, %ne3A_271 : i32
          %lt3A_273 = arith.constant 0 : i32
          %lt3A_274 = arith.cmpi slt, %rem3A_270, %lt3A_273 : i32
          %lt3A_275 = arith.constant 0 : i32
          %lt3A_276 = arith.cmpi slt, %select_n3A_269, %lt3A_275 : i32
          %ne3A_277 = arith.xori %lt3A_274, %lt3A_276 : i1
          %and3A_278 = arith.andi %ne3A_277, %ne3A_272 : i1
          %add3A_279 = arith.addi %rem3A_270, %select_n3A_269 : i32
          %select_n3A_280 = arith.select %and3A_278, %add3A_279, %rem3A_270 : i32
          %add3A_281 = arith.addi %mul3A_264, %select_n3A_280 : i32
          %mul3A_282 = arith.constant 16 : i32
          %mul3A_283 = arith.muli %select_n3A_262, %mul3A_282 : i32
          %dma_start3A = arith.constant 0 : i32
          %dma_start3A_284 = tpu.memref_slice %arg5[%dma_start3A, %mul3A_198] : memref<2x1600000xi32, #tpu.memory_space<hbm>> -> memref<1x800xi32, #tpu.memory_space<hbm>>
          %dma_start3A_285 = tpu.memref_squeeze %dma_start3A_284 : memref<1x800xi32, #tpu.memory_space<hbm>> -> memref<800xi32, #tpu.memory_space<hbm>>
          %dma_start3A_286 = tpu.memref_slice %arg5[%dma_start3A, %mul3A_198] : memref<2x1600000xi32, #tpu.memory_space<hbm>> -> memref<1x800xi32, #tpu.memory_space<hbm>>
          %dma_start3A_287 = tpu.memref_squeeze %dma_start3A_286 : memref<1x800xi32, #tpu.memory_space<hbm>> -> memref<800xi32, #tpu.memory_space<hbm>>
          tpu.enqueue_dma source(%dma_start3A_287 : memref<800xi32, #tpu.memory_space<hbm>>) target(%arg12 : memref<800xi32, #tpu.memory_space<vmem>>) target_semaphore(%arg18 : memref<!tpu.dma_semaphore, #tpu.memory_space<semaphore_mem>>)
          %dma_start3A_288 = arith.constant 1 : i32
          %dma_start3A_289 = tpu.memref_slice %arg5[%dma_start3A_288, %mul3A_198] : memref<2x1600000xi32, #tpu.memory_space<hbm>> -> memref<1x800xi32, #tpu.memory_space<hbm>>
          %dma_start3A_290 = tpu.memref_squeeze %dma_start3A_289 : memref<1x800xi32, #tpu.memory_space<hbm>> -> memref<800xi32, #tpu.memory_space<hbm>>
          %dma_start3A_291 = tpu.memref_slice %arg5[%dma_start3A_288, %mul3A_198] : memref<2x1600000xi32, #tpu.memory_space<hbm>> -> memref<1x800xi32, #tpu.memory_space<hbm>>
          %dma_start3A_292 = tpu.memref_squeeze %dma_start3A_291 : memref<1x800xi32, #tpu.memory_space<hbm>> -> memref<800xi32, #tpu.memory_space<hbm>>
          tpu.enqueue_dma source(%dma_start3A_292 : memref<800xi32, #tpu.memory_space<hbm>>) target(%arg14 : memref<800xi32, #tpu.memory_space<vmem>>) target_semaphore(%arg18 : memref<!tpu.dma_semaphore, #tpu.memory_space<semaphore_mem>>)
          %dma_start3A_293 = tpu.memref_slice %arg3[%add3A_281, %mul3A_283] : memref<200000x128xf32, #tpu.memory_space<hbm>> -> memref<800x16xf32, #tpu.memory_space<hbm>>
          %dma_start3A_294 = tpu.memref_slice %arg3[%add3A_281, %mul3A_283] : memref<200000x128xf32, #tpu.memory_space<hbm>> -> memref<800x16xf32, #tpu.memory_space<hbm>>
          tpu.enqueue_dma source(%dma_start3A_294 : memref<800x16xf32, #tpu.memory_space<hbm>>) target(%arg10 : memref<800x16xf32, #tpu.memory_space<vmem>>) target_semaphore(%arg18 : memref<!tpu.dma_semaphore, #tpu.memory_space<semaphore_mem>>)
        } else {
        }
      } else {
      }
    }
    %scan3A_31 = arith.constant 32 : i32
    %barrier3A_32 = arith.constant 0 : index
    tpu.barrier barrier_id(%barrier3A_32)
    %mul3A_33 = arith.constant 3136 : i32
    %mul3A_34 = arith.muli %arg1, %mul3A_33 : i32
    %mul3A_35 = arith.constant 3136 : i32
    %mul3A_36 = arith.muli %arg1, %mul3A_35 : i32
    "tpu.region"() ({
      %run_scoped3A = tpu.sem_alloc : memref<!tpu.dma_semaphore, #tpu.memory_space<semaphore_mem>>
      %dma_start3A = arith.constant 0 : i32
      %dma_start3A_70 = tpu.memref_slice %arg6[%arg0, %mul3A_36, %dma_start3A] : memref<2x50176x16xf32, #tpu.memory_space<hbm>> -> memref<1x3136x16xf32, #tpu.memory_space<hbm>>
      %dma_start3A_71 = tpu.memref_squeeze %dma_start3A_70 : memref<1x3136x16xf32, #tpu.memory_space<hbm>> -> memref<3136x16xf32, #tpu.memory_space<hbm>>
      %dma_start3A_72 = arith.constant 0 : i32
      %dma_start3A_73 = tpu.memref_slice %arg16[%mul3A_34, %dma_start3A_72] : memref<50176x16xf32, #tpu.memory_space<vmem_shared>> -> memref<3136x16xf32, #tpu.memory_space<vmem_shared>>
      tpu.enqueue_dma source(%dma_start3A_73 : memref<3136x16xf32, #tpu.memory_space<vmem_shared>>) target(%dma_start3A_71 : memref<3136x16xf32, #tpu.memory_space<hbm>>) target_semaphore(%run_scoped3A : memref<!tpu.dma_semaphore, #tpu.memory_space<semaphore_mem>>)
      %dma_wait3A = arith.constant 0 : i32
      %dma_wait3A_74 = tpu.memref_slice %arg6[%arg0, %mul3A_36, %dma_wait3A] : memref<2x50176x16xf32, #tpu.memory_space<hbm>> -> memref<1x3136x16xf32, #tpu.memory_space<hbm>>
      %dma_wait3A_75 = tpu.memref_squeeze %dma_wait3A_74 : memref<1x3136x16xf32, #tpu.memory_space<hbm>> -> memref<3136x16xf32, #tpu.memory_space<hbm>>
      %dma_wait3A_76 = arith.constant 0 : i32
      %dma_wait3A_77 = tpu.memref_slice %arg16[%mul3A_34, %dma_wait3A_76] : memref<50176x16xf32, #tpu.memory_space<vmem_shared>> -> memref<3136x16xf32, #tpu.memory_space<vmem_shared>>
      tpu.wait_dma2 semaphore(%run_scoped3A : memref<!tpu.dma_semaphore, #tpu.memory_space<semaphore_mem>>) src(%dma_wait3A_77 : memref<3136x16xf32, #tpu.memory_space<vmem_shared>>) dst(%dma_wait3A_75 : memref<3136x16xf32, #tpu.memory_space<hbm>>)
      tpu.yield
    }) : () -> ()
    %scan3A_37 = arith.constant 0 : i32
    %scan3A_38 = arith.constant 0 : i32
    %scan3A_39 = arith.constant 32 : i32
    %scan3A_40 = arith.addi %scan3A_38, %scan3A_39 : i32
    %scan3A_41 = arith.constant 1 : i32
    scf.for %scan3A_70 = %scan3A_38 to %scan3A_40 step %scan3A_41  : i32 {
      %mul3A_71 = arith.constant 3136 : i32
      %mul3A_72 = arith.muli %arg1, %mul3A_71 : i32
      %mul3A_73 = arith.constant 98 : i32
      %mul3A_74 = arith.muli %scan3A_70, %mul3A_73 : i32
      %add3A_75 = arith.addi %mul3A_72, %mul3A_74 : i32
      "tpu.region"() ({
        %run_scoped3A = tpu.sem_alloc : memref<!tpu.dma_semaphore, #tpu.memory_space<semaphore_mem>>
        %dma_start3A = arith.constant 0 : i32
        %dma_start3A_76 = tpu.memref_slice %arg16[%add3A_75, %dma_start3A] : memref<50176x16xf32, #tpu.memory_space<vmem_shared>> -> memref<98x16xf32, #tpu.memory_space<vmem_shared>>
        %dma_start3A_77 = arith.constant 0 : i32
        %dma_start3A_78 = tpu.memref_slice %arg16[%add3A_75, %dma_start3A_77] : memref<50176x16xf32, #tpu.memory_space<vmem_shared>> -> memref<98x16xf32, #tpu.memory_space<vmem_shared>>
        tpu.enqueue_dma source(%arg15 : memref<98x16xf32, #tpu.memory_space<vmem>>) target(%dma_start3A_78 : memref<98x16xf32, #tpu.memory_space<vmem_shared>>) target_semaphore(%run_scoped3A : memref<!tpu.dma_semaphore, #tpu.memory_space<semaphore_mem>>)
        %dma_wait3A = arith.constant 0 : i32
        %dma_wait3A_79 = tpu.memref_slice %arg16[%add3A_75, %dma_wait3A] : memref<50176x16xf32, #tpu.memory_space<vmem_shared>> -> memref<98x16xf32, #tpu.memory_space<vmem_shared>>
        %dma_wait3A_80 = arith.constant 0 : i32
        %dma_wait3A_81 = tpu.memref_slice %arg16[%add3A_75, %dma_wait3A_80] : memref<50176x16xf32, #tpu.memory_space<vmem_shared>> -> memref<98x16xf32, #tpu.memory_space<vmem_shared>>
        tpu.wait_dma2 semaphore(%run_scoped3A : memref<!tpu.dma_semaphore, #tpu.memory_space<semaphore_mem>>) src(%arg15 : memref<98x16xf32, #tpu.memory_space<vmem>>) dst(%dma_wait3A_81 : memref<98x16xf32, #tpu.memory_space<vmem_shared>>)
        tpu.yield
      }) : () -> ()
    }
    %scan3A_42 = arith.constant 32 : i32
    %barrier3A_43 = arith.constant 0 : index
    tpu.barrier barrier_id(%barrier3A_43)
    %iota3A_44 = tpu.iota {dimensions = array<i32: 0>} : vector<16xi32>
    %add3A_45 = arith.constant 0 : i32
    %add3A_46 = arith.addi %add3A, %add3A_45 : i32
    %lt3A_47 = arith.constant 2000 : i32
    %lt3A_48 = arith.cmpi slt, %add3A_46, %lt3A_47 : i32
    %convert_element_type3A_49 = arith.extui %lt3A_48 : i1 to i32
    %cond3A_50 = arith.constant 0 : i32
    %cond3A_51 = arith.cmpi ne, %convert_element_type3A_49, %cond3A_50 : i32
    scf.if %cond3A_51 {
      %mul3A_70 = arith.constant 800 : i32
      %mul3A_71 = arith.muli %add3A_46, %mul3A_70 : i32
      %jit3A = arith.constant 12800 : i32
      %div3A = arith.divsi %mul3A_71, %jit3A : i32
      %sign3A = arith.constant 0 : i32
      %sign3A_72 = arith.cmpi sgt, %mul3A_71, %sign3A : i32
      %sign3A_73 = arith.extui %sign3A_72 : i1 to i32
      %sign3A_74 = arith.constant 0 : i32
      %sign3A_75 = arith.cmpi slt, %mul3A_71, %sign3A_74 : i32
      %sign3A_76 = arith.extui %sign3A_75 : i1 to i32
      %sign3A_77 = arith.subi %sign3A_73, %sign3A_76 : i32
      %sign3A_78 = arith.constant 0 : i32
      %sign3A_79 = arith.cmpi sgt, %jit3A, %sign3A_78 : i32
      %sign3A_80 = arith.extui %sign3A_79 : i1 to i32
      %sign3A_81 = arith.constant 0 : i32
      %sign3A_82 = arith.cmpi slt, %jit3A, %sign3A_81 : i32
      %sign3A_83 = arith.extui %sign3A_82 : i1 to i32
      %sign3A_84 = arith.subi %sign3A_80, %sign3A_83 : i32
      %ne3A = arith.cmpi ne, %sign3A_77, %sign3A_84 : i32
      %rem3A = arith.remsi %mul3A_71, %jit3A : i32
      %ne3A_85 = arith.constant 0 : i32
      %ne3A_86 = arith.cmpi ne, %rem3A, %ne3A_85 : i32
      %and3A = arith.andi %ne3A, %ne3A_86 : i1
      %sub3A = arith.constant 1 : i32
      %sub3A_87 = arith.subi %div3A, %sub3A : i32
      %select_n3A = arith.select %and3A, %sub3A_87, %div3A : i32
      %jit3A_88 = arith.constant 12800 : i32
      %eq3A = arith.constant 0 : i32
      %eq3A_89 = arith.cmpi eq, %jit3A_88, %eq3A : i32
      %jit3A_90 = arith.constant 1 : i32
      %select_n3A_91 = arith.select %eq3A_89, %jit3A_90, %jit3A_88 : i32
      %rem3A_92 = arith.remsi %mul3A_71, %select_n3A_91 : i32
      %ne3A_93 = arith.constant 0 : i32
      %ne3A_94 = arith.cmpi ne, %rem3A_92, %ne3A_93 : i32
      %lt3A_95 = arith.constant 0 : i32
      %lt3A_96 = arith.cmpi slt, %rem3A_92, %lt3A_95 : i32
      %lt3A_97 = arith.constant 0 : i32
      %lt3A_98 = arith.cmpi slt, %select_n3A_91, %lt3A_97 : i32
      %ne3A_99 = arith.xori %lt3A_96, %lt3A_98 : i1
      %and3A_100 = arith.andi %ne3A_99, %ne3A_94 : i1
      %add3A_101 = arith.addi %rem3A_92, %select_n3A_91 : i32
      %select_n3A_102 = arith.select %and3A_100, %add3A_101, %rem3A_92 : i32
      %jit3A_103 = arith.constant 1600 : i32
      %div3A_104 = arith.divsi %select_n3A_102, %jit3A_103 : i32
      %sign3A_105 = arith.constant 0 : i32
      %sign3A_106 = arith.cmpi sgt, %select_n3A_102, %sign3A_105 : i32
      %sign3A_107 = arith.extui %sign3A_106 : i1 to i32
      %sign3A_108 = arith.constant 0 : i32
      %sign3A_109 = arith.cmpi slt, %select_n3A_102, %sign3A_108 : i32
      %sign3A_110 = arith.extui %sign3A_109 : i1 to i32
      %sign3A_111 = arith.subi %sign3A_107, %sign3A_110 : i32
      %sign3A_112 = arith.constant 0 : i32
      %sign3A_113 = arith.cmpi sgt, %jit3A_103, %sign3A_112 : i32
      %sign3A_114 = arith.extui %sign3A_113 : i1 to i32
      %sign3A_115 = arith.constant 0 : i32
      %sign3A_116 = arith.cmpi slt, %jit3A_103, %sign3A_115 : i32
      %sign3A_117 = arith.extui %sign3A_116 : i1 to i32
      %sign3A_118 = arith.subi %sign3A_114, %sign3A_117 : i32
      %ne3A_119 = arith.cmpi ne, %sign3A_111, %sign3A_118 : i32
      %rem3A_120 = arith.remsi %select_n3A_102, %jit3A_103 : i32
      %ne3A_121 = arith.constant 0 : i32
      %ne3A_122 = arith.cmpi ne, %rem3A_120, %ne3A_121 : i32
      %and3A_123 = arith.andi %ne3A_119, %ne3A_122 : i1
      %sub3A_124 = arith.constant 1 : i32
      %sub3A_125 = arith.subi %div3A_104, %sub3A_124 : i32
      %select_n3A_126 = arith.select %and3A_123, %sub3A_125, %div3A_104 : i32
      %mul3A_127 = arith.constant 1600 : i32
      %mul3A_128 = arith.muli %select_n3A, %mul3A_127 : i32
      %jit3A_129 = arith.constant 1600 : i32
      %eq3A_130 = arith.constant 0 : i32
      %eq3A_131 = arith.cmpi eq, %jit3A_129, %eq3A_130 : i32
      %jit3A_132 = arith.constant 1 : i32
      %select_n3A_133 = arith.select %eq3A_131, %jit3A_132, %jit3A_129 : i32
      %rem3A_134 = arith.remsi %select_n3A_102, %select_n3A_133 : i32
      %ne3A_135 = arith.constant 0 : i32
      %ne3A_136 = arith.cmpi ne, %rem3A_134, %ne3A_135 : i32
      %lt3A_137 = arith.constant 0 : i32
      %lt3A_138 = arith.cmpi slt, %rem3A_134, %lt3A_137 : i32
      %lt3A_139 = arith.constant 0 : i32
      %lt3A_140 = arith.cmpi slt, %select_n3A_133, %lt3A_139 : i32
      %ne3A_141 = arith.xori %lt3A_138, %lt3A_140 : i1
      %and3A_142 = arith.andi %ne3A_141, %ne3A_136 : i1
      %add3A_143 = arith.addi %rem3A_134, %select_n3A_133 : i32
      %select_n3A_144 = arith.select %and3A_142, %add3A_143, %rem3A_134 : i32
      %add3A_145 = arith.addi %mul3A_128, %select_n3A_144 : i32
      %mul3A_146 = arith.constant 16 : i32
      %mul3A_147 = arith.muli %select_n3A_126, %mul3A_146 : i32
      %dma_start3A = arith.constant 0 : i32
      %dma_start3A_148 = tpu.memref_slice %arg5[%dma_start3A, %mul3A_71] : memref<2x1600000xi32, #tpu.memory_space<hbm>> -> memref<1x800xi32, #tpu.memory_space<hbm>>
      %dma_start3A_149 = tpu.memref_squeeze %dma_start3A_148 : memref<1x800xi32, #tpu.memory_space<hbm>> -> memref<800xi32, #tpu.memory_space<hbm>>
      %dma_start3A_150 = tpu.memref_slice %arg5[%dma_start3A, %mul3A_71] : memref<2x1600000xi32, #tpu.memory_space<hbm>> -> memref<1x800xi32, #tpu.memory_space<hbm>>
      %dma_start3A_151 = tpu.memref_squeeze %dma_start3A_150 : memref<1x800xi32, #tpu.memory_space<hbm>> -> memref<800xi32, #tpu.memory_space<hbm>>
      tpu.enqueue_dma source(%dma_start3A_151 : memref<800xi32, #tpu.memory_space<hbm>>) target(%arg11 : memref<800xi32, #tpu.memory_space<vmem>>) target_semaphore(%arg17 : memref<!tpu.dma_semaphore, #tpu.memory_space<semaphore_mem>>)
      %dma_start3A_152 = arith.constant 1 : i32
      %dma_start3A_153 = tpu.memref_slice %arg5[%dma_start3A_152, %mul3A_71] : memref<2x1600000xi32, #tpu.memory_space<hbm>> -> memref<1x800xi32, #tpu.memory_space<hbm>>
      %dma_start3A_154 = tpu.memref_squeeze %dma_start3A_153 : memref<1x800xi32, #tpu.memory_space<hbm>> -> memref<800xi32, #tpu.memory_space<hbm>>
      %dma_start3A_155 = tpu.memref_slice %arg5[%dma_start3A_152, %mul3A_71] : memref<2x1600000xi32, #tpu.memory_space<hbm>> -> memref<1x800xi32, #tpu.memory_space<hbm>>
      %dma_start3A_156 = tpu.memref_squeeze %dma_start3A_155 : memref<1x800xi32, #tpu.memory_space<hbm>> -> memref<800xi32, #tpu.memory_space<hbm>>
      tpu.enqueue_dma source(%dma_start3A_156 : memref<800xi32, #tpu.memory_space<hbm>>) target(%arg13 : memref<800xi32, #tpu.memory_space<vmem>>) target_semaphore(%arg17 : memref<!tpu.dma_semaphore, #tpu.memory_space<semaphore_mem>>)
      %dma_start3A_157 = tpu.memref_slice %arg4[%add3A_145, %mul3A_147] : memref<200000x128xf32, #tpu.memory_space<hbm>> -> memref<800x16xf32, #tpu.memory_space<hbm>>
      %dma_start3A_158 = tpu.memref_slice %arg4[%add3A_145, %mul3A_147] : memref<200000x128xf32, #tpu.memory_space<hbm>> -> memref<800x16xf32, #tpu.memory_space<hbm>>
      tpu.enqueue_dma source(%dma_start3A_158 : memref<800x16xf32, #tpu.memory_space<hbm>>) target(%arg9 : memref<800x16xf32, #tpu.memory_space<vmem>>) target_semaphore(%arg17 : memref<!tpu.dma_semaphore, #tpu.memory_space<semaphore_mem>>)
    } else {
    }
    %add3A_52 = arith.constant 32 : i32
    %add3A_53 = arith.addi %add3A, %add3A_52 : i32
    %lt3A_54 = arith.constant 2000 : i32
    %lt3A_55 = arith.cmpi slt, %add3A_53, %lt3A_54 : i32
    %convert_element_type3A_56 = arith.extui %lt3A_55 : i1 to i32
    %cond3A_57 = arith.constant 0 : i32
    %cond3A_58 = arith.cmpi ne, %convert_element_type3A_56, %cond3A_57 : i32
    scf.if %cond3A_58 {
      %mul3A_70 = arith.constant 800 : i32
      %mul3A_71 = arith.muli %add3A_53, %mul3A_70 : i32
      %jit3A = arith.constant 12800 : i32
      %div3A = arith.divsi %mul3A_71, %jit3A : i32
      %sign3A = arith.constant 0 : i32
      %sign3A_72 = arith.cmpi sgt, %mul3A_71, %sign3A : i32
      %sign3A_73 = arith.extui %sign3A_72 : i1 to i32
      %sign3A_74 = arith.constant 0 : i32
      %sign3A_75 = arith.cmpi slt, %mul3A_71, %sign3A_74 : i32
      %sign3A_76 = arith.extui %sign3A_75 : i1 to i32
      %sign3A_77 = arith.subi %sign3A_73, %sign3A_76 : i32
      %sign3A_78 = arith.constant 0 : i32
      %sign3A_79 = arith.cmpi sgt, %jit3A, %sign3A_78 : i32
      %sign3A_80 = arith.extui %sign3A_79 : i1 to i32
      %sign3A_81 = arith.constant 0 : i32
      %sign3A_82 = arith.cmpi slt, %jit3A, %sign3A_81 : i32
      %sign3A_83 = arith.extui %sign3A_82 : i1 to i32
      %sign3A_84 = arith.subi %sign3A_80, %sign3A_83 : i32
      %ne3A = arith.cmpi ne, %sign3A_77, %sign3A_84 : i32
      %rem3A = arith.remsi %mul3A_71, %jit3A : i32
      %ne3A_85 = arith.constant 0 : i32
      %ne3A_86 = arith.cmpi ne, %rem3A, %ne3A_85 : i32
      %and3A = arith.andi %ne3A, %ne3A_86 : i1
      %sub3A = arith.constant 1 : i32
      %sub3A_87 = arith.subi %div3A, %sub3A : i32
      %select_n3A = arith.select %and3A, %sub3A_87, %div3A : i32
      %jit3A_88 = arith.constant 12800 : i32
      %eq3A = arith.constant 0 : i32
      %eq3A_89 = arith.cmpi eq, %jit3A_88, %eq3A : i32
      %jit3A_90 = arith.constant 1 : i32
      %select_n3A_91 = arith.select %eq3A_89, %jit3A_90, %jit3A_88 : i32
      %rem3A_92 = arith.remsi %mul3A_71, %select_n3A_91 : i32
      %ne3A_93 = arith.constant 0 : i32
      %ne3A_94 = arith.cmpi ne, %rem3A_92, %ne3A_93 : i32
      %lt3A_95 = arith.constant 0 : i32
      %lt3A_96 = arith.cmpi slt, %rem3A_92, %lt3A_95 : i32
      %lt3A_97 = arith.constant 0 : i32
      %lt3A_98 = arith.cmpi slt, %select_n3A_91, %lt3A_97 : i32
      %ne3A_99 = arith.xori %lt3A_96, %lt3A_98 : i1
      %and3A_100 = arith.andi %ne3A_99, %ne3A_94 : i1
      %add3A_101 = arith.addi %rem3A_92, %select_n3A_91 : i32
      %select_n3A_102 = arith.select %and3A_100, %add3A_101, %rem3A_92 : i32
      %jit3A_103 = arith.constant 1600 : i32
      %div3A_104 = arith.divsi %select_n3A_102, %jit3A_103 : i32
      %sign3A_105 = arith.constant 0 : i32
      %sign3A_106 = arith.cmpi sgt, %select_n3A_102, %sign3A_105 : i32
      %sign3A_107 = arith.extui %sign3A_106 : i1 to i32
      %sign3A_108 = arith.constant 0 : i32
      %sign3A_109 = arith.cmpi slt, %select_n3A_102, %sign3A_108 : i32
      %sign3A_110 = arith.extui %sign3A_109 : i1 to i32
      %sign3A_111 = arith.subi %sign3A_107, %sign3A_110 : i32
      %sign3A_112 = arith.constant 0 : i32
      %sign3A_113 = arith.cmpi sgt, %jit3A_103, %sign3A_112 : i32
      %sign3A_114 = arith.extui %sign3A_113 : i1 to i32
      %sign3A_115 = arith.constant 0 : i32
      %sign3A_116 = arith.cmpi slt, %jit3A_103, %sign3A_115 : i32
      %sign3A_117 = arith.extui %sign3A_116 : i1 to i32
      %sign3A_118 = arith.subi %sign3A_114, %sign3A_117 : i32
      %ne3A_119 = arith.cmpi ne, %sign3A_111, %sign3A_118 : i32
      %rem3A_120 = arith.remsi %select_n3A_102, %jit3A_103 : i32
      %ne3A_121 = arith.constant 0 : i32
      %ne3A_122 = arith.cmpi ne, %rem3A_120, %ne3A_121 : i32
      %and3A_123 = arith.andi %ne3A_119, %ne3A_122 : i1
      %sub3A_124 = arith.constant 1 : i32
      %sub3A_125 = arith.subi %div3A_104, %sub3A_124 : i32
      %select_n3A_126 = arith.select %and3A_123, %sub3A_125, %div3A_104 : i32
      %mul3A_127 = arith.constant 1600 : i32
      %mul3A_128 = arith.muli %select_n3A, %mul3A_127 : i32
      %jit3A_129 = arith.constant 1600 : i32
      %eq3A_130 = arith.constant 0 : i32
      %eq3A_131 = arith.cmpi eq, %jit3A_129, %eq3A_130 : i32
      %jit3A_132 = arith.constant 1 : i32
      %select_n3A_133 = arith.select %eq3A_131, %jit3A_132, %jit3A_129 : i32
      %rem3A_134 = arith.remsi %select_n3A_102, %select_n3A_133 : i32
      %ne3A_135 = arith.constant 0 : i32
      %ne3A_136 = arith.cmpi ne, %rem3A_134, %ne3A_135 : i32
      %lt3A_137 = arith.constant 0 : i32
      %lt3A_138 = arith.cmpi slt, %rem3A_134, %lt3A_137 : i32
      %lt3A_139 = arith.constant 0 : i32
      %lt3A_140 = arith.cmpi slt, %select_n3A_133, %lt3A_139 : i32
      %ne3A_141 = arith.xori %lt3A_138, %lt3A_140 : i1
      %and3A_142 = arith.andi %ne3A_141, %ne3A_136 : i1
      %add3A_143 = arith.addi %rem3A_134, %select_n3A_133 : i32
      %select_n3A_144 = arith.select %and3A_142, %add3A_143, %rem3A_134 : i32
      %add3A_145 = arith.addi %mul3A_128, %select_n3A_144 : i32
      %mul3A_146 = arith.constant 16 : i32
      %mul3A_147 = arith.muli %select_n3A_126, %mul3A_146 : i32
      %dma_start3A = arith.constant 0 : i32
      %dma_start3A_148 = tpu.memref_slice %arg5[%dma_start3A, %mul3A_71] : memref<2x1600000xi32, #tpu.memory_space<hbm>> -> memref<1x800xi32, #tpu.memory_space<hbm>>
      %dma_start3A_149 = tpu.memref_squeeze %dma_start3A_148 : memref<1x800xi32, #tpu.memory_space<hbm>> -> memref<800xi32, #tpu.memory_space<hbm>>
      %dma_start3A_150 = tpu.memref_slice %arg5[%dma_start3A, %mul3A_71] : memref<2x1600000xi32, #tpu.memory_space<hbm>> -> memref<1x800xi32, #tpu.memory_space<hbm>>
      %dma_start3A_151 = tpu.memref_squeeze %dma_start3A_150 : memref<1x800xi32, #tpu.memory_space<hbm>> -> memref<800xi32, #tpu.memory_space<hbm>>
      tpu.enqueue_dma source(%dma_start3A_151 : memref<800xi32, #tpu.memory_space<hbm>>) target(%arg12 : memref<800xi32, #tpu.memory_space<vmem>>) target_semaphore(%arg18 : memref<!tpu.dma_semaphore, #tpu.memory_space<semaphore_mem>>)
      %dma_start3A_152 = arith.constant 1 : i32
      %dma_start3A_153 = tpu.memref_slice %arg5[%dma_start3A_152, %mul3A_71] : memref<2x1600000xi32, #tpu.memory_space<hbm>> -> memref<1x800xi32, #tpu.memory_space<hbm>>
      %dma_start3A_154 = tpu.memref_squeeze %dma_start3A_153 : memref<1x800xi32, #tpu.memory_space<hbm>> -> memref<800xi32, #tpu.memory_space<hbm>>
      %dma_start3A_155 = tpu.memref_slice %arg5[%dma_start3A_152, %mul3A_71] : memref<2x1600000xi32, #tpu.memory_space<hbm>> -> memref<1x800xi32, #tpu.memory_space<hbm>>
      %dma_start3A_156 = tpu.memref_squeeze %dma_start3A_155 : memref<1x800xi32, #tpu.memory_space<hbm>> -> memref<800xi32, #tpu.memory_space<hbm>>
      tpu.enqueue_dma source(%dma_start3A_156 : memref<800xi32, #tpu.memory_space<hbm>>) target(%arg14 : memref<800xi32, #tpu.memory_space<vmem>>) target_semaphore(%arg18 : memref<!tpu.dma_semaphore, #tpu.memory_space<semaphore_mem>>)
      %dma_start3A_157 = tpu.memref_slice %arg4[%add3A_145, %mul3A_147] : memref<200000x128xf32, #tpu.memory_space<hbm>> -> memref<800x16xf32, #tpu.memory_space<hbm>>
      %dma_start3A_158 = tpu.memref_slice %arg4[%add3A_145, %mul3A_147] : memref<200000x128xf32, #tpu.memory_space<hbm>> -> memref<800x16xf32, #tpu.memory_space<hbm>>
      tpu.enqueue_dma source(%dma_start3A_158 : memref<800x16xf32, #tpu.memory_space<hbm>>) target(%arg10 : memref<800x16xf32, #tpu.memory_space<vmem>>) target_semaphore(%arg18 : memref<!tpu.dma_semaphore, #tpu.memory_space<semaphore_mem>>)
    } else {
    }
    %scan3A_59 = arith.constant 0 : i32
    %scan3A_60 = arith.constant 0 : i32
    %scan3A_61 = arith.constant 32 : i32
    %scan3A_62 = arith.addi %scan3A_60, %scan3A_61 : i32
    %scan3A_63 = arith.constant 1 : i32
    scf.for %scan3A_70 = %scan3A_60 to %scan3A_62 step %scan3A_63  : i32 {
      %mul3A_71 = arith.constant 2 : i32
      %mul3A_72 = arith.muli %mul3A_71, %scan3A_70 : i32
      %add3A_73 = arith.constant 0 : i32
      %add3A_74 = arith.addi %mul3A_72, %add3A_73 : i32
      %mul3A_75 = arith.constant 32 : i32
      %mul3A_76 = arith.muli %mul3A_75, %add3A_74 : i32
      %add3A_77 = arith.addi %add3A, %mul3A_76 : i32
      %lt3A_78 = arith.constant 2000 : i32
      %lt3A_79 = arith.cmpi slt, %add3A_77, %lt3A_78 : i32
      %convert_element_type3A_80 = arith.extui %lt3A_79 : i1 to i32
      %cond3A_81 = arith.constant 0 : i32
      %cond3A_82 = arith.cmpi ne, %convert_element_type3A_80, %cond3A_81 : i32
      scf.if %cond3A_82 {
        %mul3A_95 = arith.constant 800 : i32
        %mul3A_96 = arith.muli %add3A_77, %mul3A_95 : i32
        %jit3A = arith.constant 12800 : i32
        %div3A = arith.divsi %mul3A_96, %jit3A : i32
        %sign3A = arith.constant 0 : i32
        %sign3A_97 = arith.cmpi sgt, %mul3A_96, %sign3A : i32
        %sign3A_98 = arith.extui %sign3A_97 : i1 to i32
        %sign3A_99 = arith.constant 0 : i32
        %sign3A_100 = arith.cmpi slt, %mul3A_96, %sign3A_99 : i32
        %sign3A_101 = arith.extui %sign3A_100 : i1 to i32
        %sign3A_102 = arith.subi %sign3A_98, %sign3A_101 : i32
        %sign3A_103 = arith.constant 0 : i32
        %sign3A_104 = arith.cmpi sgt, %jit3A, %sign3A_103 : i32
        %sign3A_105 = arith.extui %sign3A_104 : i1 to i32
        %sign3A_106 = arith.constant 0 : i32
        %sign3A_107 = arith.cmpi slt, %jit3A, %sign3A_106 : i32
        %sign3A_108 = arith.extui %sign3A_107 : i1 to i32
        %sign3A_109 = arith.subi %sign3A_105, %sign3A_108 : i32
        %ne3A = arith.cmpi ne, %sign3A_102, %sign3A_109 : i32
        %rem3A = arith.remsi %mul3A_96, %jit3A : i32
        %ne3A_110 = arith.constant 0 : i32
        %ne3A_111 = arith.cmpi ne, %rem3A, %ne3A_110 : i32
        %and3A = arith.andi %ne3A, %ne3A_111 : i1
        %sub3A = arith.constant 1 : i32
        %sub3A_112 = arith.subi %div3A, %sub3A : i32
        %select_n3A = arith.select %and3A, %sub3A_112, %div3A : i32
        %jit3A_113 = arith.constant 12800 : i32
        %eq3A = arith.constant 0 : i32
        %eq3A_114 = arith.cmpi eq, %jit3A_113, %eq3A : i32
        %jit3A_115 = arith.constant 1 : i32
        %select_n3A_116 = arith.select %eq3A_114, %jit3A_115, %jit3A_113 : i32
        %rem3A_117 = arith.remsi %mul3A_96, %select_n3A_116 : i32
        %ne3A_118 = arith.constant 0 : i32
        %ne3A_119 = arith.cmpi ne, %rem3A_117, %ne3A_118 : i32
        %lt3A_120 = arith.constant 0 : i32
        %lt3A_121 = arith.cmpi slt, %rem3A_117, %lt3A_120 : i32
        %lt3A_122 = arith.constant 0 : i32
        %lt3A_123 = arith.cmpi slt, %select_n3A_116, %lt3A_122 : i32
        %ne3A_124 = arith.xori %lt3A_121, %lt3A_123 : i1
        %and3A_125 = arith.andi %ne3A_124, %ne3A_119 : i1
        %add3A_126 = arith.addi %rem3A_117, %select_n3A_116 : i32
        %select_n3A_127 = arith.select %and3A_125, %add3A_126, %rem3A_117 : i32
        %jit3A_128 = arith.constant 1600 : i32
        %div3A_129 = arith.divsi %select_n3A_127, %jit3A_128 : i32
        %sign3A_130 = arith.constant 0 : i32
        %sign3A_131 = arith.cmpi sgt, %select_n3A_127, %sign3A_130 : i32
        %sign3A_132 = arith.extui %sign3A_131 : i1 to i32
        %sign3A_133 = arith.constant 0 : i32
        %sign3A_134 = arith.cmpi slt, %select_n3A_127, %sign3A_133 : i32
        %sign3A_135 = arith.extui %sign3A_134 : i1 to i32
        %sign3A_136 = arith.subi %sign3A_132, %sign3A_135 : i32
        %sign3A_137 = arith.constant 0 : i32
        %sign3A_138 = arith.cmpi sgt, %jit3A_128, %sign3A_137 : i32
        %sign3A_139 = arith.extui %sign3A_138 : i1 to i32
        %sign3A_140 = arith.constant 0 : i32
        %sign3A_141 = arith.cmpi slt, %jit3A_128, %sign3A_140 : i32
        %sign3A_142 = arith.extui %sign3A_141 : i1 to i32
        %sign3A_143 = arith.subi %sign3A_139, %sign3A_142 : i32
        %ne3A_144 = arith.cmpi ne, %sign3A_136, %sign3A_143 : i32
        %rem3A_145 = arith.remsi %select_n3A_127, %jit3A_128 : i32
        %ne3A_146 = arith.constant 0 : i32
        %ne3A_147 = arith.cmpi ne, %rem3A_145, %ne3A_146 : i32
        %and3A_148 = arith.andi %ne3A_144, %ne3A_147 : i1
        %sub3A_149 = arith.constant 1 : i32
        %sub3A_150 = arith.subi %div3A_129, %sub3A_149 : i32
        %select_n3A_151 = arith.select %and3A_148, %sub3A_150, %div3A_129 : i32
        %mul3A_152 = arith.constant 1600 : i32
        %mul3A_153 = arith.muli %select_n3A, %mul3A_152 : i32
        %jit3A_154 = arith.constant 1600 : i32
        %eq3A_155 = arith.constant 0 : i32
        %eq3A_156 = arith.cmpi eq, %jit3A_154, %eq3A_155 : i32
        %jit3A_157 = arith.constant 1 : i32
        %select_n3A_158 = arith.select %eq3A_156, %jit3A_157, %jit3A_154 : i32
        %rem3A_159 = arith.remsi %select_n3A_127, %select_n3A_158 : i32
        %ne3A_160 = arith.constant 0 : i32
        %ne3A_161 = arith.cmpi ne, %rem3A_159, %ne3A_160 : i32
        %lt3A_162 = arith.constant 0 : i32
        %lt3A_163 = arith.cmpi slt, %rem3A_159, %lt3A_162 : i32
        %lt3A_164 = arith.constant 0 : i32
        %lt3A_165 = arith.cmpi slt, %select_n3A_158, %lt3A_164 : i32
        %ne3A_166 = arith.xori %lt3A_163, %lt3A_165 : i1
        %and3A_167 = arith.andi %ne3A_166, %ne3A_161 : i1
        %add3A_168 = arith.addi %rem3A_159, %select_n3A_158 : i32
        %select_n3A_169 = arith.select %and3A_167, %add3A_168, %rem3A_159 : i32
        %add3A_170 = arith.addi %mul3A_153, %select_n3A_169 : i32
        %mul3A_171 = arith.constant 16 : i32
        %mul3A_172 = arith.muli %select_n3A_151, %mul3A_171 : i32
        %dma_wait3A = arith.constant 0 : i32
        %dma_wait3A_173 = tpu.memref_slice %arg5[%dma_wait3A, %mul3A_96] : memref<2x1600000xi32, #tpu.memory_space<hbm>> -> memref<1x800xi32, #tpu.memory_space<hbm>>
        %dma_wait3A_174 = tpu.memref_squeeze %dma_wait3A_173 : memref<1x800xi32, #tpu.memory_space<hbm>> -> memref<800xi32, #tpu.memory_space<hbm>>
        %dma_wait3A_175 = tpu.memref_slice %arg5[%dma_wait3A, %mul3A_96] : memref<2x1600000xi32, #tpu.memory_space<hbm>> -> memref<1x800xi32, #tpu.memory_space<hbm>>
        %dma_wait3A_176 = tpu.memref_squeeze %dma_wait3A_175 : memref<1x800xi32, #tpu.memory_space<hbm>> -> memref<800xi32, #tpu.memory_space<hbm>>
        tpu.wait_dma2 semaphore(%arg17 : memref<!tpu.dma_semaphore, #tpu.memory_space<semaphore_mem>>) src(%dma_wait3A_176 : memref<800xi32, #tpu.memory_space<hbm>>) dst(%arg11 : memref<800xi32, #tpu.memory_space<vmem>>)
        %dma_wait3A_177 = arith.constant 1 : i32
        %dma_wait3A_178 = tpu.memref_slice %arg5[%dma_wait3A_177, %mul3A_96] : memref<2x1600000xi32, #tpu.memory_space<hbm>> -> memref<1x800xi32, #tpu.memory_space<hbm>>
        %dma_wait3A_179 = tpu.memref_squeeze %dma_wait3A_178 : memref<1x800xi32, #tpu.memory_space<hbm>> -> memref<800xi32, #tpu.memory_space<hbm>>
        %dma_wait3A_180 = tpu.memref_slice %arg5[%dma_wait3A_177, %mul3A_96] : memref<2x1600000xi32, #tpu.memory_space<hbm>> -> memref<1x800xi32, #tpu.memory_space<hbm>>
        %dma_wait3A_181 = tpu.memref_squeeze %dma_wait3A_180 : memref<1x800xi32, #tpu.memory_space<hbm>> -> memref<800xi32, #tpu.memory_space<hbm>>
        tpu.wait_dma2 semaphore(%arg17 : memref<!tpu.dma_semaphore, #tpu.memory_space<semaphore_mem>>) src(%dma_wait3A_181 : memref<800xi32, #tpu.memory_space<hbm>>) dst(%arg13 : memref<800xi32, #tpu.memory_space<vmem>>)
        %dma_wait3A_182 = tpu.memref_slice %arg4[%add3A_170, %mul3A_172] : memref<200000x128xf32, #tpu.memory_space<hbm>> -> memref<800x16xf32, #tpu.memory_space<hbm>>
        %dma_wait3A_183 = tpu.memref_slice %arg4[%add3A_170, %mul3A_172] : memref<200000x128xf32, #tpu.memory_space<hbm>> -> memref<800x16xf32, #tpu.memory_space<hbm>>
        tpu.wait_dma2 semaphore(%arg17 : memref<!tpu.dma_semaphore, #tpu.memory_space<semaphore_mem>>) src(%dma_wait3A_183 : memref<800x16xf32, #tpu.memory_space<hbm>>) dst(%arg9 : memref<800x16xf32, #tpu.memory_space<vmem>>)
        %scan3A_184 = arith.constant 0 : i32
        %scan3A_185 = arith.constant 0 : i32
        %scan3A_186 = arith.constant 50 : i32
        %scan3A_187 = arith.addi %scan3A_185, %scan3A_186 : i32
        %scan3A_188 = arith.constant 1 : i32
        scf.for %scan3A_197 = %scan3A_185 to %scan3A_187 step %scan3A_188  : i32 {
          %mul3A_198 = arith.constant 16 : i32
          %mul3A_199 = arith.muli %scan3A_197, %mul3A_198 : i32
          %get3A = arith.index_cast %mul3A_199 : i32 to index
          %get3A_200 = tpu.vector_load %arg11[%get3A] {strides = array<i32>} : memref<800xi32, #tpu.memory_space<vmem>>, vector<16xi32>,
          %gather3A = tpu.vector_load_idx %arg8[%get3A_200] : memref<50000xf32, #tpu.memory_space<vmem>>[vector<16xi32>], vector<16xf32>,
          %broadcast_in_dim3A_201 = arith.constant 0 : i32
          %broadcast_in_dim3A_202 = vector.broadcast %broadcast_in_dim3A_201 : i32 to vector<16x1xi32>
          %gather3A_203 = vector.shape_cast %broadcast_in_dim3A_202 : vector<16x1xi32> to vector<16xi32>
          %gather3A_204 = tpu.dynamic_gather %gather3A[%gather3A_203] in [0] : vector<16xf32>, vector<16xi32> -> vector<16xf32>
          %eq3A_205 = arith.constant 8 : i32
          %eq3A_206 = vector.broadcast %eq3A_205 : i32 to vector<16xi32>
          %eq3A_207 = arith.cmpi eq, %iota3A_44, %eq3A_206 : vector<16xi32>
          %jit3A_208 = arith.constant 1.000000e+00 : f32
          %broadcast_in_dim3A_209 = vector.broadcast %jit3A_208 : f32 to vector<16xf32>
          %select_n3A_210 = arith.select %eq3A_207, %broadcast_in_dim3A_209, %gather3A_204 : vector<16xi1>, vector<16xf32>
          %mul3A_211 = arith.constant 16 : i32
          %mul3A_212 = arith.muli %scan3A_197, %mul3A_211 : i32
          %add3A_213 = arith.constant 0 : i32
          %add3A_214 = arith.addi %mul3A_212, %add3A_213 : i32
          %get3A_215 = arith.index_cast %add3A_214 : i32 to index
          %get3A_216 = arith.constant 0 : index
          %get3A_217 = tpu.vector_load %arg9[%get3A_215, %get3A_216] {strides = array<i32>} : memref<800x16xf32, #tpu.memory_space<vmem>>, vector<16xf32>,
          %mul3A_218 = arith.mulf %get3A_217, %select_n3A_210 : vector<16xf32>
          %swap3A = arith.index_cast %add3A_214 : i32 to index
          %swap3A_219 = arith.constant 0 : index
          %swap3A_220 = tpu.vector_load %arg9[%swap3A, %swap3A_219] {strides = array<i32>} : memref<800x16xf32, #tpu.memory_space<vmem>>, vector<16xf32>,
          tpu.vector_store %arg9[%swap3A, %swap3A_219], %mul3A_218 {strides = array<i32>} : memref<800x16xf32, #tpu.memory_space<vmem>>, vector<16xf32>,
          %broadcast_in_dim3A_221 = arith.constant 1 : i32
          %broadcast_in_dim3A_222 = vector.broadcast %broadcast_in_dim3A_221 : i32 to vector<16x1xi32>
          %gather3A_223 = vector.shape_cast %broadcast_in_dim3A_222 : vector<16x1xi32> to vector<16xi32>
          %gather3A_224 = tpu.dynamic_gather %gather3A[%gather3A_223] in [0] : vector<16xf32>, vector<16xi32> -> vector<16xf32>
          %eq3A_225 = arith.constant 8 : i32
          %eq3A_226 = vector.broadcast %eq3A_225 : i32 to vector<16xi32>
          %eq3A_227 = arith.cmpi eq, %iota3A_44, %eq3A_226 : vector<16xi32>
          %jit3A_228 = arith.constant 1.000000e+00 : f32
          %broadcast_in_dim3A_229 = vector.broadcast %jit3A_228 : f32 to vector<16xf32>
          %select_n3A_230 = arith.select %eq3A_227, %broadcast_in_dim3A_229, %gather3A_224 : vector<16xi1>, vector<16xf32>
          %mul3A_231 = arith.constant 16 : i32
          %mul3A_232 = arith.muli %scan3A_197, %mul3A_231 : i32
          %add3A_233 = arith.constant 1 : i32
          %add3A_234 = arith.addi %mul3A_232, %add3A_233 : i32
          %get3A_235 = arith.index_cast %add3A_234 : i32 to index
          %get3A_236 = arith.constant 0 : index
          %get3A_237 = tpu.vector_load %arg9[%get3A_235, %get3A_236] {strides = array<i32>} : memref<800x16xf32, #tpu.memory_space<vmem>>, vector<16xf32>,
          %mul3A_238 = arith.mulf %get3A_237, %select_n3A_230 : vector<16xf32>
          %swap3A_239 = arith.index_cast %add3A_234 : i32 to index
          %swap3A_240 = arith.constant 0 : index
          %swap3A_241 = tpu.vector_load %arg9[%swap3A_239, %swap3A_240] {strides = array<i32>} : memref<800x16xf32, #tpu.memory_space<vmem>>, vector<16xf32>,
          tpu.vector_store %arg9[%swap3A_239, %swap3A_240], %mul3A_238 {strides = array<i32>} : memref<800x16xf32, #tpu.memory_space<vmem>>, vector<16xf32>,
          %broadcast_in_dim3A_242 = arith.constant 2 : i32
          %broadcast_in_dim3A_243 = vector.broadcast %broadcast_in_dim3A_242 : i32 to vector<16x1xi32>
          %gather3A_244 = vector.shape_cast %broadcast_in_dim3A_243 : vector<16x1xi32> to vector<16xi32>
          %gather3A_245 = tpu.dynamic_gather %gather3A[%gather3A_244] in [0] : vector<16xf32>, vector<16xi32> -> vector<16xf32>
          %eq3A_246 = arith.constant 8 : i32
          %eq3A_247 = vector.broadcast %eq3A_246 : i32 to vector<16xi32>
          %eq3A_248 = arith.cmpi eq, %iota3A_44, %eq3A_247 : vector<16xi32>
          %jit3A_249 = arith.constant 1.000000e+00 : f32
          %broadcast_in_dim3A_250 = vector.broadcast %jit3A_249 : f32 to vector<16xf32>
          %select_n3A_251 = arith.select %eq3A_248, %broadcast_in_dim3A_250, %gather3A_245 : vector<16xi1>, vector<16xf32>
          %mul3A_252 = arith.constant 16 : i32
          %mul3A_253 = arith.muli %scan3A_197, %mul3A_252 : i32
          %add3A_254 = arith.constant 2 : i32
          %add3A_255 = arith.addi %mul3A_253, %add3A_254 : i32
          %get3A_256 = arith.index_cast %add3A_255 : i32 to index
          %get3A_257 = arith.constant 0 : index
          %get3A_258 = tpu.vector_load %arg9[%get3A_256, %get3A_257] {strides = array<i32>} : memref<800x16xf32, #tpu.memory_space<vmem>>, vector<16xf32>,
          %mul3A_259 = arith.mulf %get3A_258, %select_n3A_251 : vector<16xf32>
          %swap3A_260 = arith.index_cast %add3A_255 : i32 to index
          %swap3A_261 = arith.constant 0 : index
          %swap3A_262 = tpu.vector_load %arg9[%swap3A_260, %swap3A_261] {strides = array<i32>} : memref<800x16xf32, #tpu.memory_space<vmem>>, vector<16xf32>,
          tpu.vector_store %arg9[%swap3A_260, %swap3A_261], %mul3A_259 {strides = array<i32>} : memref<800x16xf32, #tpu.memory_space<vmem>>, vector<16xf32>,
          %broadcast_in_dim3A_263 = arith.constant 3 : i32
          %broadcast_in_dim3A_264 = vector.broadcast %broadcast_in_dim3A_263 : i32 to vector<16x1xi32>
          %gather3A_265 = vector.shape_cast %broadcast_in_dim3A_264 : vector<16x1xi32> to vector<16xi32>
          %gather3A_266 = tpu.dynamic_gather %gather3A[%gather3A_265] in [0] : vector<16xf32>, vector<16xi32> -> vector<16xf32>
          %eq3A_267 = arith.constant 8 : i32
          %eq3A_268 = vector.broadcast %eq3A_267 : i32 to vector<16xi32>
          %eq3A_269 = arith.cmpi eq, %iota3A_44, %eq3A_268 : vector<16xi32>
          %jit3A_270 = arith.constant 1.000000e+00 : f32
          %broadcast_in_dim3A_271 = vector.broadcast %jit3A_270 : f32 to vector<16xf32>
          %select_n3A_272 = arith.select %eq3A_269, %broadcast_in_dim3A_271, %gather3A_266 : vector<16xi1>, vector<16xf32>
          %mul3A_273 = arith.constant 16 : i32
          %mul3A_274 = arith.muli %scan3A_197, %mul3A_273 : i32
          %add3A_275 = arith.constant 3 : i32
          %add3A_276 = arith.addi %mul3A_274, %add3A_275 : i32
          %get3A_277 = arith.index_cast %add3A_276 : i32 to index
          %get3A_278 = arith.constant 0 : index
          %get3A_279 = tpu.vector_load %arg9[%get3A_277, %get3A_278] {strides = array<i32>} : memref<800x16xf32, #tpu.memory_space<vmem>>, vector<16xf32>,
          %mul3A_280 = arith.mulf %get3A_279, %select_n3A_272 : vector<16xf32>
          %swap3A_281 = arith.index_cast %add3A_276 : i32 to index
          %swap3A_282 = arith.constant 0 : index
          %swap3A_283 = tpu.vector_load %arg9[%swap3A_281, %swap3A_282] {strides = array<i32>} : memref<800x16xf32, #tpu.memory_space<vmem>>, vector<16xf32>,
          tpu.vector_store %arg9[%swap3A_281, %swap3A_282], %mul3A_280 {strides = array<i32>} : memref<800x16xf32, #tpu.memory_space<vmem>>, vector<16xf32>,
          %broadcast_in_dim3A_284 = arith.constant 4 : i32
          %broadcast_in_dim3A_285 = vector.broadcast %broadcast_in_dim3A_284 : i32 to vector<16x1xi32>
          %gather3A_286 = vector.shape_cast %broadcast_in_dim3A_285 : vector<16x1xi32> to vector<16xi32>
          %gather3A_287 = tpu.dynamic_gather %gather3A[%gather3A_286] in [0] : vector<16xf32>, vector<16xi32> -> vector<16xf32>
          %eq3A_288 = arith.constant 8 : i32
          %eq3A_289 = vector.broadcast %eq3A_288 : i32 to vector<16xi32>
          %eq3A_290 = arith.cmpi eq, %iota3A_44, %eq3A_289 : vector<16xi32>
          %jit3A_291 = arith.constant 1.000000e+00 : f32
          %broadcast_in_dim3A_292 = vector.broadcast %jit3A_291 : f32 to vector<16xf32>
          %select_n3A_293 = arith.select %eq3A_290, %broadcast_in_dim3A_292, %gather3A_287 : vector<16xi1>, vector<16xf32>
          %mul3A_294 = arith.constant 16 : i32
          %mul3A_295 = arith.muli %scan3A_197, %mul3A_294 : i32
          %add3A_296 = arith.constant 4 : i32
          %add3A_297 = arith.addi %mul3A_295, %add3A_296 : i32
          %get3A_298 = arith.index_cast %add3A_297 : i32 to index
          %get3A_299 = arith.constant 0 : index
          %get3A_300 = tpu.vector_load %arg9[%get3A_298, %get3A_299] {strides = array<i32>} : memref<800x16xf32, #tpu.memory_space<vmem>>, vector<16xf32>,
          %mul3A_301 = arith.mulf %get3A_300, %select_n3A_293 : vector<16xf32>
          %swap3A_302 = arith.index_cast %add3A_297 : i32 to index
          %swap3A_303 = arith.constant 0 : index
          %swap3A_304 = tpu.vector_load %arg9[%swap3A_302, %swap3A_303] {strides = array<i32>} : memref<800x16xf32, #tpu.memory_space<vmem>>, vector<16xf32>,
          tpu.vector_store %arg9[%swap3A_302, %swap3A_303], %mul3A_301 {strides = array<i32>} : memref<800x16xf32, #tpu.memory_space<vmem>>, vector<16xf32>,
          %broadcast_in_dim3A_305 = arith.constant 5 : i32
          %broadcast_in_dim3A_306 = vector.broadcast %broadcast_in_dim3A_305 : i32 to vector<16x1xi32>
          %gather3A_307 = vector.shape_cast %broadcast_in_dim3A_306 : vector<16x1xi32> to vector<16xi32>
          %gather3A_308 = tpu.dynamic_gather %gather3A[%gather3A_307] in [0] : vector<16xf32>, vector<16xi32> -> vector<16xf32>
          %eq3A_309 = arith.constant 8 : i32
          %eq3A_310 = vector.broadcast %eq3A_309 : i32 to vector<16xi32>
          %eq3A_311 = arith.cmpi eq, %iota3A_44, %eq3A_310 : vector<16xi32>
          %jit3A_312 = arith.constant 1.000000e+00 : f32
          %broadcast_in_dim3A_313 = vector.broadcast %jit3A_312 : f32 to vector<16xf32>
          %select_n3A_314 = arith.select %eq3A_311, %broadcast_in_dim3A_313, %gather3A_308 : vector<16xi1>, vector<16xf32>
          %mul3A_315 = arith.constant 16 : i32
          %mul3A_316 = arith.muli %scan3A_197, %mul3A_315 : i32
          %add3A_317 = arith.constant 5 : i32
          %add3A_318 = arith.addi %mul3A_316, %add3A_317 : i32
          %get3A_319 = arith.index_cast %add3A_318 : i32 to index
          %get3A_320 = arith.constant 0 : index
          %get3A_321 = tpu.vector_load %arg9[%get3A_319, %get3A_320] {strides = array<i32>} : memref<800x16xf32, #tpu.memory_space<vmem>>, vector<16xf32>,
          %mul3A_322 = arith.mulf %get3A_321, %select_n3A_314 : vector<16xf32>
          %swap3A_323 = arith.index_cast %add3A_318 : i32 to index
          %swap3A_324 = arith.constant 0 : index
          %swap3A_325 = tpu.vector_load %arg9[%swap3A_323, %swap3A_324] {strides = array<i32>} : memref<800x16xf32, #tpu.memory_space<vmem>>, vector<16xf32>,
          tpu.vector_store %arg9[%swap3A_323, %swap3A_324], %mul3A_322 {strides = array<i32>} : memref<800x16xf32, #tpu.memory_space<vmem>>, vector<16xf32>,
          %broadcast_in_dim3A_326 = arith.constant 6 : i32
          %broadcast_in_dim3A_327 = vector.broadcast %broadcast_in_dim3A_326 : i32 to vector<16x1xi32>
          %gather3A_328 = vector.shape_cast %broadcast_in_dim3A_327 : vector<16x1xi32> to vector<16xi32>
          %gather3A_329 = tpu.dynamic_gather %gather3A[%gather3A_328] in [0] : vector<16xf32>, vector<16xi32> -> vector<16xf32>
          %eq3A_330 = arith.constant 8 : i32
          %eq3A_331 = vector.broadcast %eq3A_330 : i32 to vector<16xi32>
          %eq3A_332 = arith.cmpi eq, %iota3A_44, %eq3A_331 : vector<16xi32>
          %jit3A_333 = arith.constant 1.000000e+00 : f32
          %broadcast_in_dim3A_334 = vector.broadcast %jit3A_333 : f32 to vector<16xf32>
          %select_n3A_335 = arith.select %eq3A_332, %broadcast_in_dim3A_334, %gather3A_329 : vector<16xi1>, vector<16xf32>
          %mul3A_336 = arith.constant 16 : i32
          %mul3A_337 = arith.muli %scan3A_197, %mul3A_336 : i32
          %add3A_338 = arith.constant 6 : i32
          %add3A_339 = arith.addi %mul3A_337, %add3A_338 : i32
          %get3A_340 = arith.index_cast %add3A_339 : i32 to index
          %get3A_341 = arith.constant 0 : index
          %get3A_342 = tpu.vector_load %arg9[%get3A_340, %get3A_341] {strides = array<i32>} : memref<800x16xf32, #tpu.memory_space<vmem>>, vector<16xf32>,
          %mul3A_343 = arith.mulf %get3A_342, %select_n3A_335 : vector<16xf32>
          %swap3A_344 = arith.index_cast %add3A_339 : i32 to index
          %swap3A_345 = arith.constant 0 : index
          %swap3A_346 = tpu.vector_load %arg9[%swap3A_344, %swap3A_345] {strides = array<i32>} : memref<800x16xf32, #tpu.memory_space<vmem>>, vector<16xf32>,
          tpu.vector_store %arg9[%swap3A_344, %swap3A_345], %mul3A_343 {strides = array<i32>} : memref<800x16xf32, #tpu.memory_space<vmem>>, vector<16xf32>,
          %broadcast_in_dim3A_347 = arith.constant 7 : i32
          %broadcast_in_dim3A_348 = vector.broadcast %broadcast_in_dim3A_347 : i32 to vector<16x1xi32>
          %gather3A_349 = vector.shape_cast %broadcast_in_dim3A_348 : vector<16x1xi32> to vector<16xi32>
          %gather3A_350 = tpu.dynamic_gather %gather3A[%gather3A_349] in [0] : vector<16xf32>, vector<16xi32> -> vector<16xf32>
          %eq3A_351 = arith.constant 8 : i32
          %eq3A_352 = vector.broadcast %eq3A_351 : i32 to vector<16xi32>
          %eq3A_353 = arith.cmpi eq, %iota3A_44, %eq3A_352 : vector<16xi32>
          %jit3A_354 = arith.constant 1.000000e+00 : f32
          %broadcast_in_dim3A_355 = vector.broadcast %jit3A_354 : f32 to vector<16xf32>
          %select_n3A_356 = arith.select %eq3A_353, %broadcast_in_dim3A_355, %gather3A_350 : vector<16xi1>, vector<16xf32>
          %mul3A_357 = arith.constant 16 : i32
          %mul3A_358 = arith.muli %scan3A_197, %mul3A_357 : i32
          %add3A_359 = arith.constant 7 : i32
          %add3A_360 = arith.addi %mul3A_358, %add3A_359 : i32
          %get3A_361 = arith.index_cast %add3A_360 : i32 to index
          %get3A_362 = arith.constant 0 : index
          %get3A_363 = tpu.vector_load %arg9[%get3A_361, %get3A_362] {strides = array<i32>} : memref<800x16xf32, #tpu.memory_space<vmem>>, vector<16xf32>,
          %mul3A_364 = arith.mulf %get3A_363, %select_n3A_356 : vector<16xf32>
          %swap3A_365 = arith.index_cast %add3A_360 : i32 to index
          %swap3A_366 = arith.constant 0 : index
          %swap3A_367 = tpu.vector_load %arg9[%swap3A_365, %swap3A_366] {strides = array<i32>} : memref<800x16xf32, #tpu.memory_space<vmem>>, vector<16xf32>,
          tpu.vector_store %arg9[%swap3A_365, %swap3A_366], %mul3A_364 {strides = array<i32>} : memref<800x16xf32, #tpu.memory_space<vmem>>, vector<16xf32>,
          %broadcast_in_dim3A_368 = arith.constant 8 : i32
          %broadcast_in_dim3A_369 = vector.broadcast %broadcast_in_dim3A_368 : i32 to vector<16x1xi32>
          %gather3A_370 = vector.shape_cast %broadcast_in_dim3A_369 : vector<16x1xi32> to vector<16xi32>
          %gather3A_371 = tpu.dynamic_gather %gather3A[%gather3A_370] in [0] : vector<16xf32>, vector<16xi32> -> vector<16xf32>
          %eq3A_372 = arith.constant 8 : i32
          %eq3A_373 = vector.broadcast %eq3A_372 : i32 to vector<16xi32>
          %eq3A_374 = arith.cmpi eq, %iota3A_44, %eq3A_373 : vector<16xi32>
          %jit3A_375 = arith.constant 1.000000e+00 : f32
          %broadcast_in_dim3A_376 = vector.broadcast %jit3A_375 : f32 to vector<16xf32>
          %select_n3A_377 = arith.select %eq3A_374, %broadcast_in_dim3A_376, %gather3A_371 : vector<16xi1>, vector<16xf32>
          %mul3A_378 = arith.constant 16 : i32
          %mul3A_379 = arith.muli %scan3A_197, %mul3A_378 : i32
          %add3A_380 = arith.constant 8 : i32
          %add3A_381 = arith.addi %mul3A_379, %add3A_380 : i32
          %get3A_382 = arith.index_cast %add3A_381 : i32 to index
          %get3A_383 = arith.constant 0 : index
          %get3A_384 = tpu.vector_load %arg9[%get3A_382, %get3A_383] {strides = array<i32>} : memref<800x16xf32, #tpu.memory_space<vmem>>, vector<16xf32>,
          %mul3A_385 = arith.mulf %get3A_384, %select_n3A_377 : vector<16xf32>
          %swap3A_386 = arith.index_cast %add3A_381 : i32 to index
          %swap3A_387 = arith.constant 0 : index
          %swap3A_388 = tpu.vector_load %arg9[%swap3A_386, %swap3A_387] {strides = array<i32>} : memref<800x16xf32, #tpu.memory_space<vmem>>, vector<16xf32>,
          tpu.vector_store %arg9[%swap3A_386, %swap3A_387], %mul3A_385 {strides = array<i32>} : memref<800x16xf32, #tpu.memory_space<vmem>>, vector<16xf32>,
          %broadcast_in_dim3A_389 = arith.constant 9 : i32
          %broadcast_in_dim3A_390 = vector.broadcast %broadcast_in_dim3A_389 : i32 to vector<16x1xi32>
          %gather3A_391 = vector.shape_cast %broadcast_in_dim3A_390 : vector<16x1xi32> to vector<16xi32>
          %gather3A_392 = tpu.dynamic_gather %gather3A[%gather3A_391] in [0] : vector<16xf32>, vector<16xi32> -> vector<16xf32>
          %eq3A_393 = arith.constant 8 : i32
          %eq3A_394 = vector.broadcast %eq3A_393 : i32 to vector<16xi32>
          %eq3A_395 = arith.cmpi eq, %iota3A_44, %eq3A_394 : vector<16xi32>
          %jit3A_396 = arith.constant 1.000000e+00 : f32
          %broadcast_in_dim3A_397 = vector.broadcast %jit3A_396 : f32 to vector<16xf32>
          %select_n3A_398 = arith.select %eq3A_395, %broadcast_in_dim3A_397, %gather3A_392 : vector<16xi1>, vector<16xf32>
          %mul3A_399 = arith.constant 16 : i32
          %mul3A_400 = arith.muli %scan3A_197, %mul3A_399 : i32
          %add3A_401 = arith.constant 9 : i32
          %add3A_402 = arith.addi %mul3A_400, %add3A_401 : i32
          %get3A_403 = arith.index_cast %add3A_402 : i32 to index
          %get3A_404 = arith.constant 0 : index
          %get3A_405 = tpu.vector_load %arg9[%get3A_403, %get3A_404] {strides = array<i32>} : memref<800x16xf32, #tpu.memory_space<vmem>>, vector<16xf32>,
          %mul3A_406 = arith.mulf %get3A_405, %select_n3A_398 : vector<16xf32>
          %swap3A_407 = arith.index_cast %add3A_402 : i32 to index
          %swap3A_408 = arith.constant 0 : index
          %swap3A_409 = tpu.vector_load %arg9[%swap3A_407, %swap3A_408] {strides = array<i32>} : memref<800x16xf32, #tpu.memory_space<vmem>>, vector<16xf32>,
          tpu.vector_store %arg9[%swap3A_407, %swap3A_408], %mul3A_406 {strides = array<i32>} : memref<800x16xf32, #tpu.memory_space<vmem>>, vector<16xf32>,
          %broadcast_in_dim3A_410 = arith.constant 10 : i32
          %broadcast_in_dim3A_411 = vector.broadcast %broadcast_in_dim3A_410 : i32 to vector<16x1xi32>
          %gather3A_412 = vector.shape_cast %broadcast_in_dim3A_411 : vector<16x1xi32> to vector<16xi32>
          %gather3A_413 = tpu.dynamic_gather %gather3A[%gather3A_412] in [0] : vector<16xf32>, vector<16xi32> -> vector<16xf32>
          %eq3A_414 = arith.constant 8 : i32
          %eq3A_415 = vector.broadcast %eq3A_414 : i32 to vector<16xi32>
          %eq3A_416 = arith.cmpi eq, %iota3A_44, %eq3A_415 : vector<16xi32>
          %jit3A_417 = arith.constant 1.000000e+00 : f32
          %broadcast_in_dim3A_418 = vector.broadcast %jit3A_417 : f32 to vector<16xf32>
          %select_n3A_419 = arith.select %eq3A_416, %broadcast_in_dim3A_418, %gather3A_413 : vector<16xi1>, vector<16xf32>
          %mul3A_420 = arith.constant 16 : i32
          %mul3A_421 = arith.muli %scan3A_197, %mul3A_420 : i32
          %add3A_422 = arith.constant 10 : i32
          %add3A_423 = arith.addi %mul3A_421, %add3A_422 : i32
          %get3A_424 = arith.index_cast %add3A_423 : i32 to index
          %get3A_425 = arith.constant 0 : index
          %get3A_426 = tpu.vector_load %arg9[%get3A_424, %get3A_425] {strides = array<i32>} : memref<800x16xf32, #tpu.memory_space<vmem>>, vector<16xf32>,
          %mul3A_427 = arith.mulf %get3A_426, %select_n3A_419 : vector<16xf32>
          %swap3A_428 = arith.index_cast %add3A_423 : i32 to index
          %swap3A_429 = arith.constant 0 : index
          %swap3A_430 = tpu.vector_load %arg9[%swap3A_428, %swap3A_429] {strides = array<i32>} : memref<800x16xf32, #tpu.memory_space<vmem>>, vector<16xf32>,
          tpu.vector_store %arg9[%swap3A_428, %swap3A_429], %mul3A_427 {strides = array<i32>} : memref<800x16xf32, #tpu.memory_space<vmem>>, vector<16xf32>,
          %broadcast_in_dim3A_431 = arith.constant 11 : i32
          %broadcast_in_dim3A_432 = vector.broadcast %broadcast_in_dim3A_431 : i32 to vector<16x1xi32>
          %gather3A_433 = vector.shape_cast %broadcast_in_dim3A_432 : vector<16x1xi32> to vector<16xi32>
          %gather3A_434 = tpu.dynamic_gather %gather3A[%gather3A_433] in [0] : vector<16xf32>, vector<16xi32> -> vector<16xf32>
          %eq3A_435 = arith.constant 8 : i32
          %eq3A_436 = vector.broadcast %eq3A_435 : i32 to vector<16xi32>
          %eq3A_437 = arith.cmpi eq, %iota3A_44, %eq3A_436 : vector<16xi32>
          %jit3A_438 = arith.constant 1.000000e+00 : f32
          %broadcast_in_dim3A_439 = vector.broadcast %jit3A_438 : f32 to vector<16xf32>
          %select_n3A_440 = arith.select %eq3A_437, %broadcast_in_dim3A_439, %gather3A_434 : vector<16xi1>, vector<16xf32>
          %mul3A_441 = arith.constant 16 : i32
          %mul3A_442 = arith.muli %scan3A_197, %mul3A_441 : i32
          %add3A_443 = arith.constant 11 : i32
          %add3A_444 = arith.addi %mul3A_442, %add3A_443 : i32
          %get3A_445 = arith.index_cast %add3A_444 : i32 to index
          %get3A_446 = arith.constant 0 : index
          %get3A_447 = tpu.vector_load %arg9[%get3A_445, %get3A_446] {strides = array<i32>} : memref<800x16xf32, #tpu.memory_space<vmem>>, vector<16xf32>,
          %mul3A_448 = arith.mulf %get3A_447, %select_n3A_440 : vector<16xf32>
          %swap3A_449 = arith.index_cast %add3A_444 : i32 to index
          %swap3A_450 = arith.constant 0 : index
          %swap3A_451 = tpu.vector_load %arg9[%swap3A_449, %swap3A_450] {strides = array<i32>} : memref<800x16xf32, #tpu.memory_space<vmem>>, vector<16xf32>,
          tpu.vector_store %arg9[%swap3A_449, %swap3A_450], %mul3A_448 {strides = array<i32>} : memref<800x16xf32, #tpu.memory_space<vmem>>, vector<16xf32>,
          %broadcast_in_dim3A_452 = arith.constant 12 : i32
          %broadcast_in_dim3A_453 = vector.broadcast %broadcast_in_dim3A_452 : i32 to vector<16x1xi32>
          %gather3A_454 = vector.shape_cast %broadcast_in_dim3A_453 : vector<16x1xi32> to vector<16xi32>
          %gather3A_455 = tpu.dynamic_gather %gather3A[%gather3A_454] in [0] : vector<16xf32>, vector<16xi32> -> vector<16xf32>
          %eq3A_456 = arith.constant 8 : i32
          %eq3A_457 = vector.broadcast %eq3A_456 : i32 to vector<16xi32>
          %eq3A_458 = arith.cmpi eq, %iota3A_44, %eq3A_457 : vector<16xi32>
          %jit3A_459 = arith.constant 1.000000e+00 : f32
          %broadcast_in_dim3A_460 = vector.broadcast %jit3A_459 : f32 to vector<16xf32>
          %select_n3A_461 = arith.select %eq3A_458, %broadcast_in_dim3A_460, %gather3A_455 : vector<16xi1>, vector<16xf32>
          %mul3A_462 = arith.constant 16 : i32
          %mul3A_463 = arith.muli %scan3A_197, %mul3A_462 : i32
          %add3A_464 = arith.constant 12 : i32
          %add3A_465 = arith.addi %mul3A_463, %add3A_464 : i32
          %get3A_466 = arith.index_cast %add3A_465 : i32 to index
          %get3A_467 = arith.constant 0 : index
          %get3A_468 = tpu.vector_load %arg9[%get3A_466, %get3A_467] {strides = array<i32>} : memref<800x16xf32, #tpu.memory_space<vmem>>, vector<16xf32>,
          %mul3A_469 = arith.mulf %get3A_468, %select_n3A_461 : vector<16xf32>
          %swap3A_470 = arith.index_cast %add3A_465 : i32 to index
          %swap3A_471 = arith.constant 0 : index
          %swap3A_472 = tpu.vector_load %arg9[%swap3A_470, %swap3A_471] {strides = array<i32>} : memref<800x16xf32, #tpu.memory_space<vmem>>, vector<16xf32>,
          tpu.vector_store %arg9[%swap3A_470, %swap3A_471], %mul3A_469 {strides = array<i32>} : memref<800x16xf32, #tpu.memory_space<vmem>>, vector<16xf32>,
          %broadcast_in_dim3A_473 = arith.constant 13 : i32
          %broadcast_in_dim3A_474 = vector.broadcast %broadcast_in_dim3A_473 : i32 to vector<16x1xi32>
          %gather3A_475 = vector.shape_cast %broadcast_in_dim3A_474 : vector<16x1xi32> to vector<16xi32>
          %gather3A_476 = tpu.dynamic_gather %gather3A[%gather3A_475] in [0] : vector<16xf32>, vector<16xi32> -> vector<16xf32>
          %eq3A_477 = arith.constant 8 : i32
          %eq3A_478 = vector.broadcast %eq3A_477 : i32 to vector<16xi32>
          %eq3A_479 = arith.cmpi eq, %iota3A_44, %eq3A_478 : vector<16xi32>
          %jit3A_480 = arith.constant 1.000000e+00 : f32
          %broadcast_in_dim3A_481 = vector.broadcast %jit3A_480 : f32 to vector<16xf32>
          %select_n3A_482 = arith.select %eq3A_479, %broadcast_in_dim3A_481, %gather3A_476 : vector<16xi1>, vector<16xf32>
          %mul3A_483 = arith.constant 16 : i32
          %mul3A_484 = arith.muli %scan3A_197, %mul3A_483 : i32
          %add3A_485 = arith.constant 13 : i32
          %add3A_486 = arith.addi %mul3A_484, %add3A_485 : i32
          %get3A_487 = arith.index_cast %add3A_486 : i32 to index
          %get3A_488 = arith.constant 0 : index
          %get3A_489 = tpu.vector_load %arg9[%get3A_487, %get3A_488] {strides = array<i32>} : memref<800x16xf32, #tpu.memory_space<vmem>>, vector<16xf32>,
          %mul3A_490 = arith.mulf %get3A_489, %select_n3A_482 : vector<16xf32>
          %swap3A_491 = arith.index_cast %add3A_486 : i32 to index
          %swap3A_492 = arith.constant 0 : index
          %swap3A_493 = tpu.vector_load %arg9[%swap3A_491, %swap3A_492] {strides = array<i32>} : memref<800x16xf32, #tpu.memory_space<vmem>>, vector<16xf32>,
          tpu.vector_store %arg9[%swap3A_491, %swap3A_492], %mul3A_490 {strides = array<i32>} : memref<800x16xf32, #tpu.memory_space<vmem>>, vector<16xf32>,
          %broadcast_in_dim3A_494 = arith.constant 14 : i32
          %broadcast_in_dim3A_495 = vector.broadcast %broadcast_in_dim3A_494 : i32 to vector<16x1xi32>
          %gather3A_496 = vector.shape_cast %broadcast_in_dim3A_495 : vector<16x1xi32> to vector<16xi32>
          %gather3A_497 = tpu.dynamic_gather %gather3A[%gather3A_496] in [0] : vector<16xf32>, vector<16xi32> -> vector<16xf32>
          %eq3A_498 = arith.constant 8 : i32
          %eq3A_499 = vector.broadcast %eq3A_498 : i32 to vector<16xi32>
          %eq3A_500 = arith.cmpi eq, %iota3A_44, %eq3A_499 : vector<16xi32>
          %jit3A_501 = arith.constant 1.000000e+00 : f32
          %broadcast_in_dim3A_502 = vector.broadcast %jit3A_501 : f32 to vector<16xf32>
          %select_n3A_503 = arith.select %eq3A_500, %broadcast_in_dim3A_502, %gather3A_497 : vector<16xi1>, vector<16xf32>
          %mul3A_504 = arith.constant 16 : i32
          %mul3A_505 = arith.muli %scan3A_197, %mul3A_504 : i32
          %add3A_506 = arith.constant 14 : i32
          %add3A_507 = arith.addi %mul3A_505, %add3A_506 : i32
          %get3A_508 = arith.index_cast %add3A_507 : i32 to index
          %get3A_509 = arith.constant 0 : index
          %get3A_510 = tpu.vector_load %arg9[%get3A_508, %get3A_509] {strides = array<i32>} : memref<800x16xf32, #tpu.memory_space<vmem>>, vector<16xf32>,
          %mul3A_511 = arith.mulf %get3A_510, %select_n3A_503 : vector<16xf32>
          %swap3A_512 = arith.index_cast %add3A_507 : i32 to index
          %swap3A_513 = arith.constant 0 : index
          %swap3A_514 = tpu.vector_load %arg9[%swap3A_512, %swap3A_513] {strides = array<i32>} : memref<800x16xf32, #tpu.memory_space<vmem>>, vector<16xf32>,
          tpu.vector_store %arg9[%swap3A_512, %swap3A_513], %mul3A_511 {strides = array<i32>} : memref<800x16xf32, #tpu.memory_space<vmem>>, vector<16xf32>,
          %broadcast_in_dim3A_515 = arith.constant 15 : i32
          %broadcast_in_dim3A_516 = vector.broadcast %broadcast_in_dim3A_515 : i32 to vector<16x1xi32>
          %gather3A_517 = vector.shape_cast %broadcast_in_dim3A_516 : vector<16x1xi32> to vector<16xi32>
          %gather3A_518 = tpu.dynamic_gather %gather3A[%gather3A_517] in [0] : vector<16xf32>, vector<16xi32> -> vector<16xf32>
          %eq3A_519 = arith.constant 8 : i32
          %eq3A_520 = vector.broadcast %eq3A_519 : i32 to vector<16xi32>
          %eq3A_521 = arith.cmpi eq, %iota3A_44, %eq3A_520 : vector<16xi32>
          %jit3A_522 = arith.constant 1.000000e+00 : f32
          %broadcast_in_dim3A_523 = vector.broadcast %jit3A_522 : f32 to vector<16xf32>
          %select_n3A_524 = arith.select %eq3A_521, %broadcast_in_dim3A_523, %gather3A_518 : vector<16xi1>, vector<16xf32>
          %mul3A_525 = arith.constant 16 : i32
          %mul3A_526 = arith.muli %scan3A_197, %mul3A_525 : i32
          %add3A_527 = arith.constant 15 : i32
          %add3A_528 = arith.addi %mul3A_526, %add3A_527 : i32
          %get3A_529 = arith.index_cast %add3A_528 : i32 to index
          %get3A_530 = arith.constant 0 : index
          %get3A_531 = tpu.vector_load %arg9[%get3A_529, %get3A_530] {strides = array<i32>} : memref<800x16xf32, #tpu.memory_space<vmem>>, vector<16xf32>,
          %mul3A_532 = arith.mulf %get3A_531, %select_n3A_524 : vector<16xf32>
          %swap3A_533 = arith.index_cast %add3A_528 : i32 to index
          %swap3A_534 = arith.constant 0 : index
          %swap3A_535 = tpu.vector_load %arg9[%swap3A_533, %swap3A_534] {strides = array<i32>} : memref<800x16xf32, #tpu.memory_space<vmem>>, vector<16xf32>,
          tpu.vector_store %arg9[%swap3A_533, %swap3A_534], %mul3A_532 {strides = array<i32>} : memref<800x16xf32, #tpu.memory_space<vmem>>, vector<16xf32>,
        }
        %scan3A_189 = arith.constant 50 : i32
        "tpu.region"() ({
          %run_scoped3A = tpu.sem_alloc : memref<!tpu.dma_semaphore, #tpu.memory_space<semaphore_mem>>
          %dma_start3A = arith.constant 0 : i32
          %dma_start3A_197 = arith.constant 0 : i32
          %dma_start3A_198 = tpu.memref_slice %arg16[%dma_start3A, %dma_start3A_197] : memref<50176x16xf32, #tpu.memory_space<vmem_shared>> -> memref<50176x16xf32, #tpu.memory_space<vmem_shared>>
          tpu.enqueue_indirect_dma source(%arg9 : memref<800x16xf32, #tpu.memory_space<vmem>>) target(%dma_start3A_198 : memref<50176x16xf32, #tpu.memory_space<vmem_shared>>) offsets(%arg13 : memref<800xi32, #tpu.memory_space<vmem>>) semaphore(%run_scoped3A : memref<!tpu.dma_semaphore, #tpu.memory_space<semaphore_mem>>) {add = true}
          %dma_wait3A_199 = arith.constant 0 : i32
          %dma_wait3A_200 = arith.constant 0 : i32
          %dma_wait3A_201 = tpu.memref_slice %arg16[%dma_wait3A_199, %dma_wait3A_200] : memref<50176x16xf32, #tpu.memory_space<vmem_shared>> -> memref<50176x16xf32, #tpu.memory_space<vmem_shared>>
          tpu.wait_indirect_dma semaphore(%run_scoped3A : memref<!tpu.dma_semaphore, #tpu.memory_space<semaphore_mem>>) src(%arg9 : memref<800x16xf32, #tpu.memory_space<vmem>>) dst(%dma_wait3A_201 : memref<50176x16xf32, #tpu.memory_space<vmem_shared>>)
          tpu.yield
        }) : () -> ()
        %add3A_190 = arith.constant 64 : i32
        %add3A_191 = arith.addi %add3A_77, %add3A_190 : i32
        %lt3A_192 = arith.constant 2000 : i32
        %lt3A_193 = arith.cmpi slt, %add3A_191, %lt3A_192 : i32
        %convert_element_type3A_194 = arith.extui %lt3A_193 : i1 to i32
        %cond3A_195 = arith.constant 0 : i32
        %cond3A_196 = arith.cmpi ne, %convert_element_type3A_194, %cond3A_195 : i32
        scf.if %cond3A_196 {
          %mul3A_197 = arith.constant 800 : i32
          %mul3A_198 = arith.muli %add3A_191, %mul3A_197 : i32
          %jit3A_199 = arith.constant 12800 : i32
          %div3A_200 = arith.divsi %mul3A_198, %jit3A_199 : i32
          %sign3A_201 = arith.constant 0 : i32
          %sign3A_202 = arith.cmpi sgt, %mul3A_198, %sign3A_201 : i32
          %sign3A_203 = arith.extui %sign3A_202 : i1 to i32
          %sign3A_204 = arith.constant 0 : i32
          %sign3A_205 = arith.cmpi slt, %mul3A_198, %sign3A_204 : i32
          %sign3A_206 = arith.extui %sign3A_205 : i1 to i32
          %sign3A_207 = arith.subi %sign3A_203, %sign3A_206 : i32
          %sign3A_208 = arith.constant 0 : i32
          %sign3A_209 = arith.cmpi sgt, %jit3A_199, %sign3A_208 : i32
          %sign3A_210 = arith.extui %sign3A_209 : i1 to i32
          %sign3A_211 = arith.constant 0 : i32
          %sign3A_212 = arith.cmpi slt, %jit3A_199, %sign3A_211 : i32
          %sign3A_213 = arith.extui %sign3A_212 : i1 to i32
          %sign3A_214 = arith.subi %sign3A_210, %sign3A_213 : i32
          %ne3A_215 = arith.cmpi ne, %sign3A_207, %sign3A_214 : i32
          %rem3A_216 = arith.remsi %mul3A_198, %jit3A_199 : i32
          %ne3A_217 = arith.constant 0 : i32
          %ne3A_218 = arith.cmpi ne, %rem3A_216, %ne3A_217 : i32
          %and3A_219 = arith.andi %ne3A_215, %ne3A_218 : i1
          %sub3A_220 = arith.constant 1 : i32
          %sub3A_221 = arith.subi %div3A_200, %sub3A_220 : i32
          %select_n3A_222 = arith.select %and3A_219, %sub3A_221, %div3A_200 : i32
          %jit3A_223 = arith.constant 12800 : i32
          %eq3A_224 = arith.constant 0 : i32
          %eq3A_225 = arith.cmpi eq, %jit3A_223, %eq3A_224 : i32
          %jit3A_226 = arith.constant 1 : i32
          %select_n3A_227 = arith.select %eq3A_225, %jit3A_226, %jit3A_223 : i32
          %rem3A_228 = arith.remsi %mul3A_198, %select_n3A_227 : i32
          %ne3A_229 = arith.constant 0 : i32
          %ne3A_230 = arith.cmpi ne, %rem3A_228, %ne3A_229 : i32
          %lt3A_231 = arith.constant 0 : i32
          %lt3A_232 = arith.cmpi slt, %rem3A_228, %lt3A_231 : i32
          %lt3A_233 = arith.constant 0 : i32
          %lt3A_234 = arith.cmpi slt, %select_n3A_227, %lt3A_233 : i32
          %ne3A_235 = arith.xori %lt3A_232, %lt3A_234 : i1
          %and3A_236 = arith.andi %ne3A_235, %ne3A_230 : i1
          %add3A_237 = arith.addi %rem3A_228, %select_n3A_227 : i32
          %select_n3A_238 = arith.select %and3A_236, %add3A_237, %rem3A_228 : i32
          %jit3A_239 = arith.constant 1600 : i32
          %div3A_240 = arith.divsi %select_n3A_238, %jit3A_239 : i32
          %sign3A_241 = arith.constant 0 : i32
          %sign3A_242 = arith.cmpi sgt, %select_n3A_238, %sign3A_241 : i32
          %sign3A_243 = arith.extui %sign3A_242 : i1 to i32
          %sign3A_244 = arith.constant 0 : i32
          %sign3A_245 = arith.cmpi slt, %select_n3A_238, %sign3A_244 : i32
          %sign3A_246 = arith.extui %sign3A_245 : i1 to i32
          %sign3A_247 = arith.subi %sign3A_243, %sign3A_246 : i32
          %sign3A_248 = arith.constant 0 : i32
          %sign3A_249 = arith.cmpi sgt, %jit3A_239, %sign3A_248 : i32
          %sign3A_250 = arith.extui %sign3A_249 : i1 to i32
          %sign3A_251 = arith.constant 0 : i32
          %sign3A_252 = arith.cmpi slt, %jit3A_239, %sign3A_251 : i32
          %sign3A_253 = arith.extui %sign3A_252 : i1 to i32
          %sign3A_254 = arith.subi %sign3A_250, %sign3A_253 : i32
          %ne3A_255 = arith.cmpi ne, %sign3A_247, %sign3A_254 : i32
          %rem3A_256 = arith.remsi %select_n3A_238, %jit3A_239 : i32
          %ne3A_257 = arith.constant 0 : i32
          %ne3A_258 = arith.cmpi ne, %rem3A_256, %ne3A_257 : i32
          %and3A_259 = arith.andi %ne3A_255, %ne3A_258 : i1
          %sub3A_260 = arith.constant 1 : i32
          %sub3A_261 = arith.subi %div3A_240, %sub3A_260 : i32
          %select_n3A_262 = arith.select %and3A_259, %sub3A_261, %div3A_240 : i32
          %mul3A_263 = arith.constant 1600 : i32
          %mul3A_264 = arith.muli %select_n3A_222, %mul3A_263 : i32
          %jit3A_265 = arith.constant 1600 : i32
          %eq3A_266 = arith.constant 0 : i32
          %eq3A_267 = arith.cmpi eq, %jit3A_265, %eq3A_266 : i32
          %jit3A_268 = arith.constant 1 : i32
          %select_n3A_269 = arith.select %eq3A_267, %jit3A_268, %jit3A_265 : i32
          %rem3A_270 = arith.remsi %select_n3A_238, %select_n3A_269 : i32
          %ne3A_271 = arith.constant 0 : i32
          %ne3A_272 = arith.cmpi ne, %rem3A_270, %ne3A_271 : i32
          %lt3A_273 = arith.constant 0 : i32
          %lt3A_274 = arith.cmpi slt, %rem3A_270, %lt3A_273 : i32
          %lt3A_275 = arith.constant 0 : i32
          %lt3A_276 = arith.cmpi slt, %select_n3A_269, %lt3A_275 : i32
          %ne3A_277 = arith.xori %lt3A_274, %lt3A_276 : i1
          %and3A_278 = arith.andi %ne3A_277, %ne3A_272 : i1
          %add3A_279 = arith.addi %rem3A_270, %select_n3A_269 : i32
          %select_n3A_280 = arith.select %and3A_278, %add3A_279, %rem3A_270 : i32
          %add3A_281 = arith.addi %mul3A_264, %select_n3A_280 : i32
          %mul3A_282 = arith.constant 16 : i32
          %mul3A_283 = arith.muli %select_n3A_262, %mul3A_282 : i32
          %dma_start3A = arith.constant 0 : i32
          %dma_start3A_284 = tpu.memref_slice %arg5[%dma_start3A, %mul3A_198] : memref<2x1600000xi32, #tpu.memory_space<hbm>> -> memref<1x800xi32, #tpu.memory_space<hbm>>
          %dma_start3A_285 = tpu.memref_squeeze %dma_start3A_284 : memref<1x800xi32, #tpu.memory_space<hbm>> -> memref<800xi32, #tpu.memory_space<hbm>>
          %dma_start3A_286 = tpu.memref_slice %arg5[%dma_start3A, %mul3A_198] : memref<2x1600000xi32, #tpu.memory_space<hbm>> -> memref<1x800xi32, #tpu.memory_space<hbm>>
          %dma_start3A_287 = tpu.memref_squeeze %dma_start3A_286 : memref<1x800xi32, #tpu.memory_space<hbm>> -> memref<800xi32, #tpu.memory_space<hbm>>
          tpu.enqueue_dma source(%dma_start3A_287 : memref<800xi32, #tpu.memory_space<hbm>>) target(%arg11 : memref<800xi32, #tpu.memory_space<vmem>>) target_semaphore(%arg17 : memref<!tpu.dma_semaphore, #tpu.memory_space<semaphore_mem>>)
          %dma_start3A_288 = arith.constant 1 : i32
          %dma_start3A_289 = tpu.memref_slice %arg5[%dma_start3A_288, %mul3A_198] : memref<2x1600000xi32, #tpu.memory_space<hbm>> -> memref<1x800xi32, #tpu.memory_space<hbm>>
          %dma_start3A_290 = tpu.memref_squeeze %dma_start3A_289 : memref<1x800xi32, #tpu.memory_space<hbm>> -> memref<800xi32, #tpu.memory_space<hbm>>
          %dma_start3A_291 = tpu.memref_slice %arg5[%dma_start3A_288, %mul3A_198] : memref<2x1600000xi32, #tpu.memory_space<hbm>> -> memref<1x800xi32, #tpu.memory_space<hbm>>
          %dma_start3A_292 = tpu.memref_squeeze %dma_start3A_291 : memref<1x800xi32, #tpu.memory_space<hbm>> -> memref<800xi32, #tpu.memory_space<hbm>>
          tpu.enqueue_dma source(%dma_start3A_292 : memref<800xi32, #tpu.memory_space<hbm>>) target(%arg13 : memref<800xi32, #tpu.memory_space<vmem>>) target_semaphore(%arg17 : memref<!tpu.dma_semaphore, #tpu.memory_space<semaphore_mem>>)
          %dma_start3A_293 = tpu.memref_slice %arg4[%add3A_281, %mul3A_283] : memref<200000x128xf32, #tpu.memory_space<hbm>> -> memref<800x16xf32, #tpu.memory_space<hbm>>
          %dma_start3A_294 = tpu.memref_slice %arg4[%add3A_281, %mul3A_283] : memref<200000x128xf32, #tpu.memory_space<hbm>> -> memref<800x16xf32, #tpu.memory_space<hbm>>
          tpu.enqueue_dma source(%dma_start3A_294 : memref<800x16xf32, #tpu.memory_space<hbm>>) target(%arg9 : memref<800x16xf32, #tpu.memory_space<vmem>>) target_semaphore(%arg17 : memref<!tpu.dma_semaphore, #tpu.memory_space<semaphore_mem>>)
        } else {
        }
      } else {
      }
      %mul3A_83 = arith.constant 2 : i32
      %mul3A_84 = arith.muli %mul3A_83, %scan3A_70 : i32
      %add3A_85 = arith.constant 1 : i32
      %add3A_86 = arith.addi %mul3A_84, %add3A_85 : i32
      %mul3A_87 = arith.constant 32 : i32
      %mul3A_88 = arith.muli %mul3A_87, %add3A_86 : i32
      %add3A_89 = arith.addi %add3A, %mul3A_88 : i32
      %lt3A_90 = arith.constant 2000 : i32
      %lt3A_91 = arith.cmpi slt, %add3A_89, %lt3A_90 : i32
      %convert_element_type3A_92 = arith.extui %lt3A_91 : i1 to i32
      %cond3A_93 = arith.constant 0 : i32
      %cond3A_94 = arith.cmpi ne, %convert_element_type3A_92, %cond3A_93 : i32
      scf.if %cond3A_94 {
        %mul3A_95 = arith.constant 800 : i32
        %mul3A_96 = arith.muli %add3A_89, %mul3A_95 : i32
        %jit3A = arith.constant 12800 : i32
        %div3A = arith.divsi %mul3A_96, %jit3A : i32
        %sign3A = arith.constant 0 : i32
        %sign3A_97 = arith.cmpi sgt, %mul3A_96, %sign3A : i32
        %sign3A_98 = arith.extui %sign3A_97 : i1 to i32
        %sign3A_99 = arith.constant 0 : i32
        %sign3A_100 = arith.cmpi slt, %mul3A_96, %sign3A_99 : i32
        %sign3A_101 = arith.extui %sign3A_100 : i1 to i32
        %sign3A_102 = arith.subi %sign3A_98, %sign3A_101 : i32
        %sign3A_103 = arith.constant 0 : i32
        %sign3A_104 = arith.cmpi sgt, %jit3A, %sign3A_103 : i32
        %sign3A_105 = arith.extui %sign3A_104 : i1 to i32
        %sign3A_106 = arith.constant 0 : i32
        %sign3A_107 = arith.cmpi slt, %jit3A, %sign3A_106 : i32
        %sign3A_108 = arith.extui %sign3A_107 : i1 to i32
        %sign3A_109 = arith.subi %sign3A_105, %sign3A_108 : i32
        %ne3A = arith.cmpi ne, %sign3A_102, %sign3A_109 : i32
        %rem3A = arith.remsi %mul3A_96, %jit3A : i32
        %ne3A_110 = arith.constant 0 : i32
        %ne3A_111 = arith.cmpi ne, %rem3A, %ne3A_110 : i32
        %and3A = arith.andi %ne3A, %ne3A_111 : i1
        %sub3A = arith.constant 1 : i32
        %sub3A_112 = arith.subi %div3A, %sub3A : i32
        %select_n3A = arith.select %and3A, %sub3A_112, %div3A : i32
        %jit3A_113 = arith.constant 12800 : i32
        %eq3A = arith.constant 0 : i32
        %eq3A_114 = arith.cmpi eq, %jit3A_113, %eq3A : i32
        %jit3A_115 = arith.constant 1 : i32
        %select_n3A_116 = arith.select %eq3A_114, %jit3A_115, %jit3A_113 : i32
        %rem3A_117 = arith.remsi %mul3A_96, %select_n3A_116 : i32
        %ne3A_118 = arith.constant 0 : i32
        %ne3A_119 = arith.cmpi ne, %rem3A_117, %ne3A_118 : i32
        %lt3A_120 = arith.constant 0 : i32
        %lt3A_121 = arith.cmpi slt, %rem3A_117, %lt3A_120 : i32
        %lt3A_122 = arith.constant 0 : i32
        %lt3A_123 = arith.cmpi slt, %select_n3A_116, %lt3A_122 : i32
        %ne3A_124 = arith.xori %lt3A_121, %lt3A_123 : i1
        %and3A_125 = arith.andi %ne3A_124, %ne3A_119 : i1
        %add3A_126 = arith.addi %rem3A_117, %select_n3A_116 : i32
        %select_n3A_127 = arith.select %and3A_125, %add3A_126, %rem3A_117 : i32
        %jit3A_128 = arith.constant 1600 : i32
        %div3A_129 = arith.divsi %select_n3A_127, %jit3A_128 : i32
        %sign3A_130 = arith.constant 0 : i32
        %sign3A_131 = arith.cmpi sgt, %select_n3A_127, %sign3A_130 : i32
        %sign3A_132 = arith.extui %sign3A_131 : i1 to i32
        %sign3A_133 = arith.constant 0 : i32
        %sign3A_134 = arith.cmpi slt, %select_n3A_127, %sign3A_133 : i32
        %sign3A_135 = arith.extui %sign3A_134 : i1 to i32
        %sign3A_136 = arith.subi %sign3A_132, %sign3A_135 : i32
        %sign3A_137 = arith.constant 0 : i32
        %sign3A_138 = arith.cmpi sgt, %jit3A_128, %sign3A_137 : i32
        %sign3A_139 = arith.extui %sign3A_138 : i1 to i32
        %sign3A_140 = arith.constant 0 : i32
        %sign3A_141 = arith.cmpi slt, %jit3A_128, %sign3A_140 : i32
        %sign3A_142 = arith.extui %sign3A_141 : i1 to i32
        %sign3A_143 = arith.subi %sign3A_139, %sign3A_142 : i32
        %ne3A_144 = arith.cmpi ne, %sign3A_136, %sign3A_143 : i32
        %rem3A_145 = arith.remsi %select_n3A_127, %jit3A_128 : i32
        %ne3A_146 = arith.constant 0 : i32
        %ne3A_147 = arith.cmpi ne, %rem3A_145, %ne3A_146 : i32
        %and3A_148 = arith.andi %ne3A_144, %ne3A_147 : i1
        %sub3A_149 = arith.constant 1 : i32
        %sub3A_150 = arith.subi %div3A_129, %sub3A_149 : i32
        %select_n3A_151 = arith.select %and3A_148, %sub3A_150, %div3A_129 : i32
        %mul3A_152 = arith.constant 1600 : i32
        %mul3A_153 = arith.muli %select_n3A, %mul3A_152 : i32
        %jit3A_154 = arith.constant 1600 : i32
        %eq3A_155 = arith.constant 0 : i32
        %eq3A_156 = arith.cmpi eq, %jit3A_154, %eq3A_155 : i32
        %jit3A_157 = arith.constant 1 : i32
        %select_n3A_158 = arith.select %eq3A_156, %jit3A_157, %jit3A_154 : i32
        %rem3A_159 = arith.remsi %select_n3A_127, %select_n3A_158 : i32
        %ne3A_160 = arith.constant 0 : i32
        %ne3A_161 = arith.cmpi ne, %rem3A_159, %ne3A_160 : i32
        %lt3A_162 = arith.constant 0 : i32
        %lt3A_163 = arith.cmpi slt, %rem3A_159, %lt3A_162 : i32
        %lt3A_164 = arith.constant 0 : i32
        %lt3A_165 = arith.cmpi slt, %select_n3A_158, %lt3A_164 : i32
        %ne3A_166 = arith.xori %lt3A_163, %lt3A_165 : i1
        %and3A_167 = arith.andi %ne3A_166, %ne3A_161 : i1
        %add3A_168 = arith.addi %rem3A_159, %select_n3A_158 : i32
        %select_n3A_169 = arith.select %and3A_167, %add3A_168, %rem3A_159 : i32
        %add3A_170 = arith.addi %mul3A_153, %select_n3A_169 : i32
        %mul3A_171 = arith.constant 16 : i32
        %mul3A_172 = arith.muli %select_n3A_151, %mul3A_171 : i32
        %dma_wait3A = arith.constant 0 : i32
        %dma_wait3A_173 = tpu.memref_slice %arg5[%dma_wait3A, %mul3A_96] : memref<2x1600000xi32, #tpu.memory_space<hbm>> -> memref<1x800xi32, #tpu.memory_space<hbm>>
        %dma_wait3A_174 = tpu.memref_squeeze %dma_wait3A_173 : memref<1x800xi32, #tpu.memory_space<hbm>> -> memref<800xi32, #tpu.memory_space<hbm>>
        %dma_wait3A_175 = tpu.memref_slice %arg5[%dma_wait3A, %mul3A_96] : memref<2x1600000xi32, #tpu.memory_space<hbm>> -> memref<1x800xi32, #tpu.memory_space<hbm>>
        %dma_wait3A_176 = tpu.memref_squeeze %dma_wait3A_175 : memref<1x800xi32, #tpu.memory_space<hbm>> -> memref<800xi32, #tpu.memory_space<hbm>>
        tpu.wait_dma2 semaphore(%arg18 : memref<!tpu.dma_semaphore, #tpu.memory_space<semaphore_mem>>) src(%dma_wait3A_176 : memref<800xi32, #tpu.memory_space<hbm>>) dst(%arg12 : memref<800xi32, #tpu.memory_space<vmem>>)
        %dma_wait3A_177 = arith.constant 1 : i32
        %dma_wait3A_178 = tpu.memref_slice %arg5[%dma_wait3A_177, %mul3A_96] : memref<2x1600000xi32, #tpu.memory_space<hbm>> -> memref<1x800xi32, #tpu.memory_space<hbm>>
        %dma_wait3A_179 = tpu.memref_squeeze %dma_wait3A_178 : memref<1x800xi32, #tpu.memory_space<hbm>> -> memref<800xi32, #tpu.memory_space<hbm>>
        %dma_wait3A_180 = tpu.memref_slice %arg5[%dma_wait3A_177, %mul3A_96] : memref<2x1600000xi32, #tpu.memory_space<hbm>> -> memref<1x800xi32, #tpu.memory_space<hbm>>
        %dma_wait3A_181 = tpu.memref_squeeze %dma_wait3A_180 : memref<1x800xi32, #tpu.memory_space<hbm>> -> memref<800xi32, #tpu.memory_space<hbm>>
        tpu.wait_dma2 semaphore(%arg18 : memref<!tpu.dma_semaphore, #tpu.memory_space<semaphore_mem>>) src(%dma_wait3A_181 : memref<800xi32, #tpu.memory_space<hbm>>) dst(%arg14 : memref<800xi32, #tpu.memory_space<vmem>>)
        %dma_wait3A_182 = tpu.memref_slice %arg4[%add3A_170, %mul3A_172] : memref<200000x128xf32, #tpu.memory_space<hbm>> -> memref<800x16xf32, #tpu.memory_space<hbm>>
        %dma_wait3A_183 = tpu.memref_slice %arg4[%add3A_170, %mul3A_172] : memref<200000x128xf32, #tpu.memory_space<hbm>> -> memref<800x16xf32, #tpu.memory_space<hbm>>
        tpu.wait_dma2 semaphore(%arg18 : memref<!tpu.dma_semaphore, #tpu.memory_space<semaphore_mem>>) src(%dma_wait3A_183 : memref<800x16xf32, #tpu.memory_space<hbm>>) dst(%arg10 : memref<800x16xf32, #tpu.memory_space<vmem>>)
        %scan3A_184 = arith.constant 0 : i32
        %scan3A_185 = arith.constant 0 : i32
        %scan3A_186 = arith.constant 50 : i32
        %scan3A_187 = arith.addi %scan3A_185, %scan3A_186 : i32
        %scan3A_188 = arith.constant 1 : i32
        scf.for %scan3A_197 = %scan3A_185 to %scan3A_187 step %scan3A_188  : i32 {
          %mul3A_198 = arith.constant 16 : i32
          %mul3A_199 = arith.muli %scan3A_197, %mul3A_198 : i32
          %get3A = arith.index_cast %mul3A_199 : i32 to index
          %get3A_200 = tpu.vector_load %arg12[%get3A] {strides = array<i32>} : memref<800xi32, #tpu.memory_space<vmem>>, vector<16xi32>,
          %gather3A = tpu.vector_load_idx %arg8[%get3A_200] : memref<50000xf32, #tpu.memory_space<vmem>>[vector<16xi32>], vector<16xf32>,
          %broadcast_in_dim3A_201 = arith.constant 0 : i32
          %broadcast_in_dim3A_202 = vector.broadcast %broadcast_in_dim3A_201 : i32 to vector<16x1xi32>
          %gather3A_203 = vector.shape_cast %broadcast_in_dim3A_202 : vector<16x1xi32> to vector<16xi32>
          %gather3A_204 = tpu.dynamic_gather %gather3A[%gather3A_203] in [0] : vector<16xf32>, vector<16xi32> -> vector<16xf32>
          %eq3A_205 = arith.constant 8 : i32
          %eq3A_206 = vector.broadcast %eq3A_205 : i32 to vector<16xi32>
          %eq3A_207 = arith.cmpi eq, %iota3A_44, %eq3A_206 : vector<16xi32>
          %jit3A_208 = arith.constant 1.000000e+00 : f32
          %broadcast_in_dim3A_209 = vector.broadcast %jit3A_208 : f32 to vector<16xf32>
          %select_n3A_210 = arith.select %eq3A_207, %broadcast_in_dim3A_209, %gather3A_204 : vector<16xi1>, vector<16xf32>
          %mul3A_211 = arith.constant 16 : i32
          %mul3A_212 = arith.muli %scan3A_197, %mul3A_211 : i32
          %add3A_213 = arith.constant 0 : i32
          %add3A_214 = arith.addi %mul3A_212, %add3A_213 : i32
          %get3A_215 = arith.index_cast %add3A_214 : i32 to index
          %get3A_216 = arith.constant 0 : index
          %get3A_217 = tpu.vector_load %arg10[%get3A_215, %get3A_216] {strides = array<i32>} : memref<800x16xf32, #tpu.memory_space<vmem>>, vector<16xf32>,
          %mul3A_218 = arith.mulf %get3A_217, %select_n3A_210 : vector<16xf32>
          %swap3A = arith.index_cast %add3A_214 : i32 to index
          %swap3A_219 = arith.constant 0 : index
          %swap3A_220 = tpu.vector_load %arg10[%swap3A, %swap3A_219] {strides = array<i32>} : memref<800x16xf32, #tpu.memory_space<vmem>>, vector<16xf32>,
          tpu.vector_store %arg10[%swap3A, %swap3A_219], %mul3A_218 {strides = array<i32>} : memref<800x16xf32, #tpu.memory_space<vmem>>, vector<16xf32>,
          %broadcast_in_dim3A_221 = arith.constant 1 : i32
          %broadcast_in_dim3A_222 = vector.broadcast %broadcast_in_dim3A_221 : i32 to vector<16x1xi32>
          %gather3A_223 = vector.shape_cast %broadcast_in_dim3A_222 : vector<16x1xi32> to vector<16xi32>
          %gather3A_224 = tpu.dynamic_gather %gather3A[%gather3A_223] in [0] : vector<16xf32>, vector<16xi32> -> vector<16xf32>
          %eq3A_225 = arith.constant 8 : i32
          %eq3A_226 = vector.broadcast %eq3A_225 : i32 to vector<16xi32>
          %eq3A_227 = arith.cmpi eq, %iota3A_44, %eq3A_226 : vector<16xi32>
          %jit3A_228 = arith.constant 1.000000e+00 : f32
          %broadcast_in_dim3A_229 = vector.broadcast %jit3A_228 : f32 to vector<16xf32>
          %select_n3A_230 = arith.select %eq3A_227, %broadcast_in_dim3A_229, %gather3A_224 : vector<16xi1>, vector<16xf32>
          %mul3A_231 = arith.constant 16 : i32
          %mul3A_232 = arith.muli %scan3A_197, %mul3A_231 : i32
          %add3A_233 = arith.constant 1 : i32
          %add3A_234 = arith.addi %mul3A_232, %add3A_233 : i32
          %get3A_235 = arith.index_cast %add3A_234 : i32 to index
          %get3A_236 = arith.constant 0 : index
          %get3A_237 = tpu.vector_load %arg10[%get3A_235, %get3A_236] {strides = array<i32>} : memref<800x16xf32, #tpu.memory_space<vmem>>, vector<16xf32>,
          %mul3A_238 = arith.mulf %get3A_237, %select_n3A_230 : vector<16xf32>
          %swap3A_239 = arith.index_cast %add3A_234 : i32 to index
          %swap3A_240 = arith.constant 0 : index
          %swap3A_241 = tpu.vector_load %arg10[%swap3A_239, %swap3A_240] {strides = array<i32>} : memref<800x16xf32, #tpu.memory_space<vmem>>, vector<16xf32>,
          tpu.vector_store %arg10[%swap3A_239, %swap3A_240], %mul3A_238 {strides = array<i32>} : memref<800x16xf32, #tpu.memory_space<vmem>>, vector<16xf32>,
          %broadcast_in_dim3A_242 = arith.constant 2 : i32
          %broadcast_in_dim3A_243 = vector.broadcast %broadcast_in_dim3A_242 : i32 to vector<16x1xi32>
          %gather3A_244 = vector.shape_cast %broadcast_in_dim3A_243 : vector<16x1xi32> to vector<16xi32>
          %gather3A_245 = tpu.dynamic_gather %gather3A[%gather3A_244] in [0] : vector<16xf32>, vector<16xi32> -> vector<16xf32>
          %eq3A_246 = arith.constant 8 : i32
          %eq3A_247 = vector.broadcast %eq3A_246 : i32 to vector<16xi32>
          %eq3A_248 = arith.cmpi eq, %iota3A_44, %eq3A_247 : vector<16xi32>
          %jit3A_249 = arith.constant 1.000000e+00 : f32
          %broadcast_in_dim3A_250 = vector.broadcast %jit3A_249 : f32 to vector<16xf32>
          %select_n3A_251 = arith.select %eq3A_248, %broadcast_in_dim3A_250, %gather3A_245 : vector<16xi1>, vector<16xf32>
          %mul3A_252 = arith.constant 16 : i32
          %mul3A_253 = arith.muli %scan3A_197, %mul3A_252 : i32
          %add3A_254 = arith.constant 2 : i32
          %add3A_255 = arith.addi %mul3A_253, %add3A_254 : i32
          %get3A_256 = arith.index_cast %add3A_255 : i32 to index
          %get3A_257 = arith.constant 0 : index
          %get3A_258 = tpu.vector_load %arg10[%get3A_256, %get3A_257] {strides = array<i32>} : memref<800x16xf32, #tpu.memory_space<vmem>>, vector<16xf32>,
          %mul3A_259 = arith.mulf %get3A_258, %select_n3A_251 : vector<16xf32>
          %swap3A_260 = arith.index_cast %add3A_255 : i32 to index
          %swap3A_261 = arith.constant 0 : index
          %swap3A_262 = tpu.vector_load %arg10[%swap3A_260, %swap3A_261] {strides = array<i32>} : memref<800x16xf32, #tpu.memory_space<vmem>>, vector<16xf32>,
          tpu.vector_store %arg10[%swap3A_260, %swap3A_261], %mul3A_259 {strides = array<i32>} : memref<800x16xf32, #tpu.memory_space<vmem>>, vector<16xf32>,
          %broadcast_in_dim3A_263 = arith.constant 3 : i32
          %broadcast_in_dim3A_264 = vector.broadcast %broadcast_in_dim3A_263 : i32 to vector<16x1xi32>
          %gather3A_265 = vector.shape_cast %broadcast_in_dim3A_264 : vector<16x1xi32> to vector<16xi32>
          %gather3A_266 = tpu.dynamic_gather %gather3A[%gather3A_265] in [0] : vector<16xf32>, vector<16xi32> -> vector<16xf32>
          %eq3A_267 = arith.constant 8 : i32
          %eq3A_268 = vector.broadcast %eq3A_267 : i32 to vector<16xi32>
          %eq3A_269 = arith.cmpi eq, %iota3A_44, %eq3A_268 : vector<16xi32>
          %jit3A_270 = arith.constant 1.000000e+00 : f32
          %broadcast_in_dim3A_271 = vector.broadcast %jit3A_270 : f32 to vector<16xf32>
          %select_n3A_272 = arith.select %eq3A_269, %broadcast_in_dim3A_271, %gather3A_266 : vector<16xi1>, vector<16xf32>
          %mul3A_273 = arith.constant 16 : i32
          %mul3A_274 = arith.muli %scan3A_197, %mul3A_273 : i32
          %add3A_275 = arith.constant 3 : i32
          %add3A_276 = arith.addi %mul3A_274, %add3A_275 : i32
          %get3A_277 = arith.index_cast %add3A_276 : i32 to index
          %get3A_278 = arith.constant 0 : index
          %get3A_279 = tpu.vector_load %arg10[%get3A_277, %get3A_278] {strides = array<i32>} : memref<800x16xf32, #tpu.memory_space<vmem>>, vector<16xf32>,
          %mul3A_280 = arith.mulf %get3A_279, %select_n3A_272 : vector<16xf32>
          %swap3A_281 = arith.index_cast %add3A_276 : i32 to index
          %swap3A_282 = arith.constant 0 : index
          %swap3A_283 = tpu.vector_load %arg10[%swap3A_281, %swap3A_282] {strides = array<i32>} : memref<800x16xf32, #tpu.memory_space<vmem>>, vector<16xf32>,
          tpu.vector_store %arg10[%swap3A_281, %swap3A_282], %mul3A_280 {strides = array<i32>} : memref<800x16xf32, #tpu.memory_space<vmem>>, vector<16xf32>,
          %broadcast_in_dim3A_284 = arith.constant 4 : i32
          %broadcast_in_dim3A_285 = vector.broadcast %broadcast_in_dim3A_284 : i32 to vector<16x1xi32>
          %gather3A_286 = vector.shape_cast %broadcast_in_dim3A_285 : vector<16x1xi32> to vector<16xi32>
          %gather3A_287 = tpu.dynamic_gather %gather3A[%gather3A_286] in [0] : vector<16xf32>, vector<16xi32> -> vector<16xf32>
          %eq3A_288 = arith.constant 8 : i32
          %eq3A_289 = vector.broadcast %eq3A_288 : i32 to vector<16xi32>
          %eq3A_290 = arith.cmpi eq, %iota3A_44, %eq3A_289 : vector<16xi32>
          %jit3A_291 = arith.constant 1.000000e+00 : f32
          %broadcast_in_dim3A_292 = vector.broadcast %jit3A_291 : f32 to vector<16xf32>
          %select_n3A_293 = arith.select %eq3A_290, %broadcast_in_dim3A_292, %gather3A_287 : vector<16xi1>, vector<16xf32>
          %mul3A_294 = arith.constant 16 : i32
          %mul3A_295 = arith.muli %scan3A_197, %mul3A_294 : i32
          %add3A_296 = arith.constant 4 : i32
          %add3A_297 = arith.addi %mul3A_295, %add3A_296 : i32
          %get3A_298 = arith.index_cast %add3A_297 : i32 to index
          %get3A_299 = arith.constant 0 : index
          %get3A_300 = tpu.vector_load %arg10[%get3A_298, %get3A_299] {strides = array<i32>} : memref<800x16xf32, #tpu.memory_space<vmem>>, vector<16xf32>,
          %mul3A_301 = arith.mulf %get3A_300, %select_n3A_293 : vector<16xf32>
          %swap3A_302 = arith.index_cast %add3A_297 : i32 to index
          %swap3A_303 = arith.constant 0 : index
          %swap3A_304 = tpu.vector_load %arg10[%swap3A_302, %swap3A_303] {strides = array<i32>} : memref<800x16xf32, #tpu.memory_space<vmem>>, vector<16xf32>,
          tpu.vector_store %arg10[%swap3A_302, %swap3A_303], %mul3A_301 {strides = array<i32>} : memref<800x16xf32, #tpu.memory_space<vmem>>, vector<16xf32>,
          %broadcast_in_dim3A_305 = arith.constant 5 : i32
          %broadcast_in_dim3A_306 = vector.broadcast %broadcast_in_dim3A_305 : i32 to vector<16x1xi32>
          %gather3A_307 = vector.shape_cast %broadcast_in_dim3A_306 : vector<16x1xi32> to vector<16xi32>
          %gather3A_308 = tpu.dynamic_gather %gather3A[%gather3A_307] in [0] : vector<16xf32>, vector<16xi32> -> vector<16xf32>
          %eq3A_309 = arith.constant 8 : i32
          %eq3A_310 = vector.broadcast %eq3A_309 : i32 to vector<16xi32>
          %eq3A_311 = arith.cmpi eq, %iota3A_44, %eq3A_310 : vector<16xi32>
          %jit3A_312 = arith.constant 1.000000e+00 : f32
          %broadcast_in_dim3A_313 = vector.broadcast %jit3A_312 : f32 to vector<16xf32>
          %select_n3A_314 = arith.select %eq3A_311, %broadcast_in_dim3A_313, %gather3A_308 : vector<16xi1>, vector<16xf32>
          %mul3A_315 = arith.constant 16 : i32
          %mul3A_316 = arith.muli %scan3A_197, %mul3A_315 : i32
          %add3A_317 = arith.constant 5 : i32
          %add3A_318 = arith.addi %mul3A_316, %add3A_317 : i32
          %get3A_319 = arith.index_cast %add3A_318 : i32 to index
          %get3A_320 = arith.constant 0 : index
          %get3A_321 = tpu.vector_load %arg10[%get3A_319, %get3A_320] {strides = array<i32>} : memref<800x16xf32, #tpu.memory_space<vmem>>, vector<16xf32>,
          %mul3A_322 = arith.mulf %get3A_321, %select_n3A_314 : vector<16xf32>
          %swap3A_323 = arith.index_cast %add3A_318 : i32 to index
          %swap3A_324 = arith.constant 0 : index
          %swap3A_325 = tpu.vector_load %arg10[%swap3A_323, %swap3A_324] {strides = array<i32>} : memref<800x16xf32, #tpu.memory_space<vmem>>, vector<16xf32>,
          tpu.vector_store %arg10[%swap3A_323, %swap3A_324], %mul3A_322 {strides = array<i32>} : memref<800x16xf32, #tpu.memory_space<vmem>>, vector<16xf32>,
          %broadcast_in_dim3A_326 = arith.constant 6 : i32
          %broadcast_in_dim3A_327 = vector.broadcast %broadcast_in_dim3A_326 : i32 to vector<16x1xi32>
          %gather3A_328 = vector.shape_cast %broadcast_in_dim3A_327 : vector<16x1xi32> to vector<16xi32>
          %gather3A_329 = tpu.dynamic_gather %gather3A[%gather3A_328] in [0] : vector<16xf32>, vector<16xi32> -> vector<16xf32>
          %eq3A_330 = arith.constant 8 : i32
          %eq3A_331 = vector.broadcast %eq3A_330 : i32 to vector<16xi32>
          %eq3A_332 = arith.cmpi eq, %iota3A_44, %eq3A_331 : vector<16xi32>
          %jit3A_333 = arith.constant 1.000000e+00 : f32
          %broadcast_in_dim3A_334 = vector.broadcast %jit3A_333 : f32 to vector<16xf32>
          %select_n3A_335 = arith.select %eq3A_332, %broadcast_in_dim3A_334, %gather3A_329 : vector<16xi1>, vector<16xf32>
          %mul3A_336 = arith.constant 16 : i32
          %mul3A_337 = arith.muli %scan3A_197, %mul3A_336 : i32
          %add3A_338 = arith.constant 6 : i32
          %add3A_339 = arith.addi %mul3A_337, %add3A_338 : i32
          %get3A_340 = arith.index_cast %add3A_339 : i32 to index
          %get3A_341 = arith.constant 0 : index
          %get3A_342 = tpu.vector_load %arg10[%get3A_340, %get3A_341] {strides = array<i32>} : memref<800x16xf32, #tpu.memory_space<vmem>>, vector<16xf32>,
          %mul3A_343 = arith.mulf %get3A_342, %select_n3A_335 : vector<16xf32>
          %swap3A_344 = arith.index_cast %add3A_339 : i32 to index
          %swap3A_345 = arith.constant 0 : index
          %swap3A_346 = tpu.vector_load %arg10[%swap3A_344, %swap3A_345] {strides = array<i32>} : memref<800x16xf32, #tpu.memory_space<vmem>>, vector<16xf32>,
          tpu.vector_store %arg10[%swap3A_344, %swap3A_345], %mul3A_343 {strides = array<i32>} : memref<800x16xf32, #tpu.memory_space<vmem>>, vector<16xf32>,
          %broadcast_in_dim3A_347 = arith.constant 7 : i32
          %broadcast_in_dim3A_348 = vector.broadcast %broadcast_in_dim3A_347 : i32 to vector<16x1xi32>
          %gather3A_349 = vector.shape_cast %broadcast_in_dim3A_348 : vector<16x1xi32> to vector<16xi32>
          %gather3A_350 = tpu.dynamic_gather %gather3A[%gather3A_349] in [0] : vector<16xf32>, vector<16xi32> -> vector<16xf32>
          %eq3A_351 = arith.constant 8 : i32
          %eq3A_352 = vector.broadcast %eq3A_351 : i32 to vector<16xi32>
          %eq3A_353 = arith.cmpi eq, %iota3A_44, %eq3A_352 : vector<16xi32>
          %jit3A_354 = arith.constant 1.000000e+00 : f32
          %broadcast_in_dim3A_355 = vector.broadcast %jit3A_354 : f32 to vector<16xf32>
          %select_n3A_356 = arith.select %eq3A_353, %broadcast_in_dim3A_355, %gather3A_350 : vector<16xi1>, vector<16xf32>
          %mul3A_357 = arith.constant 16 : i32
          %mul3A_358 = arith.muli %scan3A_197, %mul3A_357 : i32
          %add3A_359 = arith.constant 7 : i32
          %add3A_360 = arith.addi %mul3A_358, %add3A_359 : i32
          %get3A_361 = arith.index_cast %add3A_360 : i32 to index
          %get3A_362 = arith.constant 0 : index
          %get3A_363 = tpu.vector_load %arg10[%get3A_361, %get3A_362] {strides = array<i32>} : memref<800x16xf32, #tpu.memory_space<vmem>>, vector<16xf32>,
          %mul3A_364 = arith.mulf %get3A_363, %select_n3A_356 : vector<16xf32>
          %swap3A_365 = arith.index_cast %add3A_360 : i32 to index
          %swap3A_366 = arith.constant 0 : index
          %swap3A_367 = tpu.vector_load %arg10[%swap3A_365, %swap3A_366] {strides = array<i32>} : memref<800x16xf32, #tpu.memory_space<vmem>>, vector<16xf32>,
          tpu.vector_store %arg10[%swap3A_365, %swap3A_366], %mul3A_364 {strides = array<i32>} : memref<800x16xf32, #tpu.memory_space<vmem>>, vector<16xf32>,
          %broadcast_in_dim3A_368 = arith.constant 8 : i32
          %broadcast_in_dim3A_369 = vector.broadcast %broadcast_in_dim3A_368 : i32 to vector<16x1xi32>
          %gather3A_370 = vector.shape_cast %broadcast_in_dim3A_369 : vector<16x1xi32> to vector<16xi32>
          %gather3A_371 = tpu.dynamic_gather %gather3A[%gather3A_370] in [0] : vector<16xf32>, vector<16xi32> -> vector<16xf32>
          %eq3A_372 = arith.constant 8 : i32
          %eq3A_373 = vector.broadcast %eq3A_372 : i32 to vector<16xi32>
          %eq3A_374 = arith.cmpi eq, %iota3A_44, %eq3A_373 : vector<16xi32>
          %jit3A_375 = arith.constant 1.000000e+00 : f32
          %broadcast_in_dim3A_376 = vector.broadcast %jit3A_375 : f32 to vector<16xf32>
          %select_n3A_377 = arith.select %eq3A_374, %broadcast_in_dim3A_376, %gather3A_371 : vector<16xi1>, vector<16xf32>
          %mul3A_378 = arith.constant 16 : i32
          %mul3A_379 = arith.muli %scan3A_197, %mul3A_378 : i32
          %add3A_380 = arith.constant 8 : i32
          %add3A_381 = arith.addi %mul3A_379, %add3A_380 : i32
          %get3A_382 = arith.index_cast %add3A_381 : i32 to index
          %get3A_383 = arith.constant 0 : index
          %get3A_384 = tpu.vector_load %arg10[%get3A_382, %get3A_383] {strides = array<i32>} : memref<800x16xf32, #tpu.memory_space<vmem>>, vector<16xf32>,
          %mul3A_385 = arith.mulf %get3A_384, %select_n3A_377 : vector<16xf32>
          %swap3A_386 = arith.index_cast %add3A_381 : i32 to index
          %swap3A_387 = arith.constant 0 : index
          %swap3A_388 = tpu.vector_load %arg10[%swap3A_386, %swap3A_387] {strides = array<i32>} : memref<800x16xf32, #tpu.memory_space<vmem>>, vector<16xf32>,
          tpu.vector_store %arg10[%swap3A_386, %swap3A_387], %mul3A_385 {strides = array<i32>} : memref<800x16xf32, #tpu.memory_space<vmem>>, vector<16xf32>,
          %broadcast_in_dim3A_389 = arith.constant 9 : i32
          %broadcast_in_dim3A_390 = vector.broadcast %broadcast_in_dim3A_389 : i32 to vector<16x1xi32>
          %gather3A_391 = vector.shape_cast %broadcast_in_dim3A_390 : vector<16x1xi32> to vector<16xi32>
          %gather3A_392 = tpu.dynamic_gather %gather3A[%gather3A_391] in [0] : vector<16xf32>, vector<16xi32> -> vector<16xf32>
          %eq3A_393 = arith.constant 8 : i32
          %eq3A_394 = vector.broadcast %eq3A_393 : i32 to vector<16xi32>
          %eq3A_395 = arith.cmpi eq, %iota3A_44, %eq3A_394 : vector<16xi32>
          %jit3A_396 = arith.constant 1.000000e+00 : f32
          %broadcast_in_dim3A_397 = vector.broadcast %jit3A_396 : f32 to vector<16xf32>
          %select_n3A_398 = arith.select %eq3A_395, %broadcast_in_dim3A_397, %gather3A_392 : vector<16xi1>, vector<16xf32>
          %mul3A_399 = arith.constant 16 : i32
          %mul3A_400 = arith.muli %scan3A_197, %mul3A_399 : i32
          %add3A_401 = arith.constant 9 : i32
          %add3A_402 = arith.addi %mul3A_400, %add3A_401 : i32
          %get3A_403 = arith.index_cast %add3A_402 : i32 to index
          %get3A_404 = arith.constant 0 : index
          %get3A_405 = tpu.vector_load %arg10[%get3A_403, %get3A_404] {strides = array<i32>} : memref<800x16xf32, #tpu.memory_space<vmem>>, vector<16xf32>,
          %mul3A_406 = arith.mulf %get3A_405, %select_n3A_398 : vector<16xf32>
          %swap3A_407 = arith.index_cast %add3A_402 : i32 to index
          %swap3A_408 = arith.constant 0 : index
          %swap3A_409 = tpu.vector_load %arg10[%swap3A_407, %swap3A_408] {strides = array<i32>} : memref<800x16xf32, #tpu.memory_space<vmem>>, vector<16xf32>,
          tpu.vector_store %arg10[%swap3A_407, %swap3A_408], %mul3A_406 {strides = array<i32>} : memref<800x16xf32, #tpu.memory_space<vmem>>, vector<16xf32>,
          %broadcast_in_dim3A_410 = arith.constant 10 : i32
          %broadcast_in_dim3A_411 = vector.broadcast %broadcast_in_dim3A_410 : i32 to vector<16x1xi32>
          %gather3A_412 = vector.shape_cast %broadcast_in_dim3A_411 : vector<16x1xi32> to vector<16xi32>
          %gather3A_413 = tpu.dynamic_gather %gather3A[%gather3A_412] in [0] : vector<16xf32>, vector<16xi32> -> vector<16xf32>
          %eq3A_414 = arith.constant 8 : i32
          %eq3A_415 = vector.broadcast %eq3A_414 : i32 to vector<16xi32>
          %eq3A_416 = arith.cmpi eq, %iota3A_44, %eq3A_415 : vector<16xi32>
          %jit3A_417 = arith.constant 1.000000e+00 : f32
          %broadcast_in_dim3A_418 = vector.broadcast %jit3A_417 : f32 to vector<16xf32>
          %select_n3A_419 = arith.select %eq3A_416, %broadcast_in_dim3A_418, %gather3A_413 : vector<16xi1>, vector<16xf32>
          %mul3A_420 = arith.constant 16 : i32
          %mul3A_421 = arith.muli %scan3A_197, %mul3A_420 : i32
          %add3A_422 = arith.constant 10 : i32
          %add3A_423 = arith.addi %mul3A_421, %add3A_422 : i32
          %get3A_424 = arith.index_cast %add3A_423 : i32 to index
          %get3A_425 = arith.constant 0 : index
          %get3A_426 = tpu.vector_load %arg10[%get3A_424, %get3A_425] {strides = array<i32>} : memref<800x16xf32, #tpu.memory_space<vmem>>, vector<16xf32>,
          %mul3A_427 = arith.mulf %get3A_426, %select_n3A_419 : vector<16xf32>
          %swap3A_428 = arith.index_cast %add3A_423 : i32 to index
          %swap3A_429 = arith.constant 0 : index
          %swap3A_430 = tpu.vector_load %arg10[%swap3A_428, %swap3A_429] {strides = array<i32>} : memref<800x16xf32, #tpu.memory_space<vmem>>, vector<16xf32>,
          tpu.vector_store %arg10[%swap3A_428, %swap3A_429], %mul3A_427 {strides = array<i32>} : memref<800x16xf32, #tpu.memory_space<vmem>>, vector<16xf32>,
          %broadcast_in_dim3A_431 = arith.constant 11 : i32
          %broadcast_in_dim3A_432 = vector.broadcast %broadcast_in_dim3A_431 : i32 to vector<16x1xi32>
          %gather3A_433 = vector.shape_cast %broadcast_in_dim3A_432 : vector<16x1xi32> to vector<16xi32>
          %gather3A_434 = tpu.dynamic_gather %gather3A[%gather3A_433] in [0] : vector<16xf32>, vector<16xi32> -> vector<16xf32>
          %eq3A_435 = arith.constant 8 : i32
          %eq3A_436 = vector.broadcast %eq3A_435 : i32 to vector<16xi32>
          %eq3A_437 = arith.cmpi eq, %iota3A_44, %eq3A_436 : vector<16xi32>
          %jit3A_438 = arith.constant 1.000000e+00 : f32
          %broadcast_in_dim3A_439 = vector.broadcast %jit3A_438 : f32 to vector<16xf32>
          %select_n3A_440 = arith.select %eq3A_437, %broadcast_in_dim3A_439, %gather3A_434 : vector<16xi1>, vector<16xf32>
          %mul3A_441 = arith.constant 16 : i32
          %mul3A_442 = arith.muli %scan3A_197, %mul3A_441 : i32
          %add3A_443 = arith.constant 11 : i32
          %add3A_444 = arith.addi %mul3A_442, %add3A_443 : i32
          %get3A_445 = arith.index_cast %add3A_444 : i32 to index
          %get3A_446 = arith.constant 0 : index
          %get3A_447 = tpu.vector_load %arg10[%get3A_445, %get3A_446] {strides = array<i32>} : memref<800x16xf32, #tpu.memory_space<vmem>>, vector<16xf32>,
          %mul3A_448 = arith.mulf %get3A_447, %select_n3A_440 : vector<16xf32>
          %swap3A_449 = arith.index_cast %add3A_444 : i32 to index
          %swap3A_450 = arith.constant 0 : index
          %swap3A_451 = tpu.vector_load %arg10[%swap3A_449, %swap3A_450] {strides = array<i32>} : memref<800x16xf32, #tpu.memory_space<vmem>>, vector<16xf32>,
          tpu.vector_store %arg10[%swap3A_449, %swap3A_450], %mul3A_448 {strides = array<i32>} : memref<800x16xf32, #tpu.memory_space<vmem>>, vector<16xf32>,
          %broadcast_in_dim3A_452 = arith.constant 12 : i32
          %broadcast_in_dim3A_453 = vector.broadcast %broadcast_in_dim3A_452 : i32 to vector<16x1xi32>
          %gather3A_454 = vector.shape_cast %broadcast_in_dim3A_453 : vector<16x1xi32> to vector<16xi32>
          %gather3A_455 = tpu.dynamic_gather %gather3A[%gather3A_454] in [0] : vector<16xf32>, vector<16xi32> -> vector<16xf32>
          %eq3A_456 = arith.constant 8 : i32
          %eq3A_457 = vector.broadcast %eq3A_456 : i32 to vector<16xi32>
          %eq3A_458 = arith.cmpi eq, %iota3A_44, %eq3A_457 : vector<16xi32>
          %jit3A_459 = arith.constant 1.000000e+00 : f32
          %broadcast_in_dim3A_460 = vector.broadcast %jit3A_459 : f32 to vector<16xf32>
          %select_n3A_461 = arith.select %eq3A_458, %broadcast_in_dim3A_460, %gather3A_455 : vector<16xi1>, vector<16xf32>
          %mul3A_462 = arith.constant 16 : i32
          %mul3A_463 = arith.muli %scan3A_197, %mul3A_462 : i32
          %add3A_464 = arith.constant 12 : i32
          %add3A_465 = arith.addi %mul3A_463, %add3A_464 : i32
          %get3A_466 = arith.index_cast %add3A_465 : i32 to index
          %get3A_467 = arith.constant 0 : index
          %get3A_468 = tpu.vector_load %arg10[%get3A_466, %get3A_467] {strides = array<i32>} : memref<800x16xf32, #tpu.memory_space<vmem>>, vector<16xf32>,
          %mul3A_469 = arith.mulf %get3A_468, %select_n3A_461 : vector<16xf32>
          %swap3A_470 = arith.index_cast %add3A_465 : i32 to index
          %swap3A_471 = arith.constant 0 : index
          %swap3A_472 = tpu.vector_load %arg10[%swap3A_470, %swap3A_471] {strides = array<i32>} : memref<800x16xf32, #tpu.memory_space<vmem>>, vector<16xf32>,
          tpu.vector_store %arg10[%swap3A_470, %swap3A_471], %mul3A_469 {strides = array<i32>} : memref<800x16xf32, #tpu.memory_space<vmem>>, vector<16xf32>,
          %broadcast_in_dim3A_473 = arith.constant 13 : i32
          %broadcast_in_dim3A_474 = vector.broadcast %broadcast_in_dim3A_473 : i32 to vector<16x1xi32>
          %gather3A_475 = vector.shape_cast %broadcast_in_dim3A_474 : vector<16x1xi32> to vector<16xi32>
          %gather3A_476 = tpu.dynamic_gather %gather3A[%gather3A_475] in [0] : vector<16xf32>, vector<16xi32> -> vector<16xf32>
          %eq3A_477 = arith.constant 8 : i32
          %eq3A_478 = vector.broadcast %eq3A_477 : i32 to vector<16xi32>
          %eq3A_479 = arith.cmpi eq, %iota3A_44, %eq3A_478 : vector<16xi32>
          %jit3A_480 = arith.constant 1.000000e+00 : f32
          %broadcast_in_dim3A_481 = vector.broadcast %jit3A_480 : f32 to vector<16xf32>
          %select_n3A_482 = arith.select %eq3A_479, %broadcast_in_dim3A_481, %gather3A_476 : vector<16xi1>, vector<16xf32>
          %mul3A_483 = arith.constant 16 : i32
          %mul3A_484 = arith.muli %scan3A_197, %mul3A_483 : i32
          %add3A_485 = arith.constant 13 : i32
          %add3A_486 = arith.addi %mul3A_484, %add3A_485 : i32
          %get3A_487 = arith.index_cast %add3A_486 : i32 to index
          %get3A_488 = arith.constant 0 : index
          %get3A_489 = tpu.vector_load %arg10[%get3A_487, %get3A_488] {strides = array<i32>} : memref<800x16xf32, #tpu.memory_space<vmem>>, vector<16xf32>,
          %mul3A_490 = arith.mulf %get3A_489, %select_n3A_482 : vector<16xf32>
          %swap3A_491 = arith.index_cast %add3A_486 : i32 to index
          %swap3A_492 = arith.constant 0 : index
          %swap3A_493 = tpu.vector_load %arg10[%swap3A_491, %swap3A_492] {strides = array<i32>} : memref<800x16xf32, #tpu.memory_space<vmem>>, vector<16xf32>,
          tpu.vector_store %arg10[%swap3A_491, %swap3A_492], %mul3A_490 {strides = array<i32>} : memref<800x16xf32, #tpu.memory_space<vmem>>, vector<16xf32>,
          %broadcast_in_dim3A_494 = arith.constant 14 : i32
          %broadcast_in_dim3A_495 = vector.broadcast %broadcast_in_dim3A_494 : i32 to vector<16x1xi32>
          %gather3A_496 = vector.shape_cast %broadcast_in_dim3A_495 : vector<16x1xi32> to vector<16xi32>
          %gather3A_497 = tpu.dynamic_gather %gather3A[%gather3A_496] in [0] : vector<16xf32>, vector<16xi32> -> vector<16xf32>
          %eq3A_498 = arith.constant 8 : i32
          %eq3A_499 = vector.broadcast %eq3A_498 : i32 to vector<16xi32>
          %eq3A_500 = arith.cmpi eq, %iota3A_44, %eq3A_499 : vector<16xi32>
          %jit3A_501 = arith.constant 1.000000e+00 : f32
          %broadcast_in_dim3A_502 = vector.broadcast %jit3A_501 : f32 to vector<16xf32>
          %select_n3A_503 = arith.select %eq3A_500, %broadcast_in_dim3A_502, %gather3A_497 : vector<16xi1>, vector<16xf32>
          %mul3A_504 = arith.constant 16 : i32
          %mul3A_505 = arith.muli %scan3A_197, %mul3A_504 : i32
          %add3A_506 = arith.constant 14 : i32
          %add3A_507 = arith.addi %mul3A_505, %add3A_506 : i32
          %get3A_508 = arith.index_cast %add3A_507 : i32 to index
          %get3A_509 = arith.constant 0 : index
          %get3A_510 = tpu.vector_load %arg10[%get3A_508, %get3A_509] {strides = array<i32>} : memref<800x16xf32, #tpu.memory_space<vmem>>, vector<16xf32>,
          %mul3A_511 = arith.mulf %get3A_510, %select_n3A_503 : vector<16xf32>
          %swap3A_512 = arith.index_cast %add3A_507 : i32 to index
          %swap3A_513 = arith.constant 0 : index
          %swap3A_514 = tpu.vector_load %arg10[%swap3A_512, %swap3A_513] {strides = array<i32>} : memref<800x16xf32, #tpu.memory_space<vmem>>, vector<16xf32>,
          tpu.vector_store %arg10[%swap3A_512, %swap3A_513], %mul3A_511 {strides = array<i32>} : memref<800x16xf32, #tpu.memory_space<vmem>>, vector<16xf32>,
          %broadcast_in_dim3A_515 = arith.constant 15 : i32
          %broadcast_in_dim3A_516 = vector.broadcast %broadcast_in_dim3A_515 : i32 to vector<16x1xi32>
          %gather3A_517 = vector.shape_cast %broadcast_in_dim3A_516 : vector<16x1xi32> to vector<16xi32>
          %gather3A_518 = tpu.dynamic_gather %gather3A[%gather3A_517] in [0] : vector<16xf32>, vector<16xi32> -> vector<16xf32>
          %eq3A_519 = arith.constant 8 : i32
          %eq3A_520 = vector.broadcast %eq3A_519 : i32 to vector<16xi32>
          %eq3A_521 = arith.cmpi eq, %iota3A_44, %eq3A_520 : vector<16xi32>
          %jit3A_522 = arith.constant 1.000000e+00 : f32
          %broadcast_in_dim3A_523 = vector.broadcast %jit3A_522 : f32 to vector<16xf32>
          %select_n3A_524 = arith.select %eq3A_521, %broadcast_in_dim3A_523, %gather3A_518 : vector<16xi1>, vector<16xf32>
          %mul3A_525 = arith.constant 16 : i32
          %mul3A_526 = arith.muli %scan3A_197, %mul3A_525 : i32
          %add3A_527 = arith.constant 15 : i32
          %add3A_528 = arith.addi %mul3A_526, %add3A_527 : i32
          %get3A_529 = arith.index_cast %add3A_528 : i32 to index
          %get3A_530 = arith.constant 0 : index
          %get3A_531 = tpu.vector_load %arg10[%get3A_529, %get3A_530] {strides = array<i32>} : memref<800x16xf32, #tpu.memory_space<vmem>>, vector<16xf32>,
          %mul3A_532 = arith.mulf %get3A_531, %select_n3A_524 : vector<16xf32>
          %swap3A_533 = arith.index_cast %add3A_528 : i32 to index
          %swap3A_534 = arith.constant 0 : index
          %swap3A_535 = tpu.vector_load %arg10[%swap3A_533, %swap3A_534] {strides = array<i32>} : memref<800x16xf32, #tpu.memory_space<vmem>>, vector<16xf32>,
          tpu.vector_store %arg10[%swap3A_533, %swap3A_534], %mul3A_532 {strides = array<i32>} : memref<800x16xf32, #tpu.memory_space<vmem>>, vector<16xf32>,
        }
        %scan3A_189 = arith.constant 50 : i32
        "tpu.region"() ({
          %run_scoped3A = tpu.sem_alloc : memref<!tpu.dma_semaphore, #tpu.memory_space<semaphore_mem>>
          %dma_start3A = arith.constant 0 : i32
          %dma_start3A_197 = arith.constant 0 : i32
          %dma_start3A_198 = tpu.memref_slice %arg16[%dma_start3A, %dma_start3A_197] : memref<50176x16xf32, #tpu.memory_space<vmem_shared>> -> memref<50176x16xf32, #tpu.memory_space<vmem_shared>>
          tpu.enqueue_indirect_dma source(%arg10 : memref<800x16xf32, #tpu.memory_space<vmem>>) target(%dma_start3A_198 : memref<50176x16xf32, #tpu.memory_space<vmem_shared>>) offsets(%arg14 : memref<800xi32, #tpu.memory_space<vmem>>) semaphore(%run_scoped3A : memref<!tpu.dma_semaphore, #tpu.memory_space<semaphore_mem>>) {add = true}
          %dma_wait3A_199 = arith.constant 0 : i32
          %dma_wait3A_200 = arith.constant 0 : i32
          %dma_wait3A_201 = tpu.memref_slice %arg16[%dma_wait3A_199, %dma_wait3A_200] : memref<50176x16xf32, #tpu.memory_space<vmem_shared>> -> memref<50176x16xf32, #tpu.memory_space<vmem_shared>>
          tpu.wait_indirect_dma semaphore(%run_scoped3A : memref<!tpu.dma_semaphore, #tpu.memory_space<semaphore_mem>>) src(%arg10 : memref<800x16xf32, #tpu.memory_space<vmem>>) dst(%dma_wait3A_201 : memref<50176x16xf32, #tpu.memory_space<vmem_shared>>)
          tpu.yield
        }) : () -> ()
        %add3A_190 = arith.constant 64 : i32
        %add3A_191 = arith.addi %add3A_89, %add3A_190 : i32
        %lt3A_192 = arith.constant 2000 : i32
        %lt3A_193 = arith.cmpi slt, %add3A_191, %lt3A_192 : i32
        %convert_element_type3A_194 = arith.extui %lt3A_193 : i1 to i32
        %cond3A_195 = arith.constant 0 : i32
        %cond3A_196 = arith.cmpi ne, %convert_element_type3A_194, %cond3A_195 : i32
        scf.if %cond3A_196 {
          %mul3A_197 = arith.constant 800 : i32
          %mul3A_198 = arith.muli %add3A_191, %mul3A_197 : i32
          %jit3A_199 = arith.constant 12800 : i32
          %div3A_200 = arith.divsi %mul3A_198, %jit3A_199 : i32
          %sign3A_201 = arith.constant 0 : i32
          %sign3A_202 = arith.cmpi sgt, %mul3A_198, %sign3A_201 : i32
          %sign3A_203 = arith.extui %sign3A_202 : i1 to i32
          %sign3A_204 = arith.constant 0 : i32
          %sign3A_205 = arith.cmpi slt, %mul3A_198, %sign3A_204 : i32
          %sign3A_206 = arith.extui %sign3A_205 : i1 to i32
          %sign3A_207 = arith.subi %sign3A_203, %sign3A_206 : i32
          %sign3A_208 = arith.constant 0 : i32
          %sign3A_209 = arith.cmpi sgt, %jit3A_199, %sign3A_208 : i32
          %sign3A_210 = arith.extui %sign3A_209 : i1 to i32
          %sign3A_211 = arith.constant 0 : i32
          %sign3A_212 = arith.cmpi slt, %jit3A_199, %sign3A_211 : i32
          %sign3A_213 = arith.extui %sign3A_212 : i1 to i32
          %sign3A_214 = arith.subi %sign3A_210, %sign3A_213 : i32
          %ne3A_215 = arith.cmpi ne, %sign3A_207, %sign3A_214 : i32
          %rem3A_216 = arith.remsi %mul3A_198, %jit3A_199 : i32
          %ne3A_217 = arith.constant 0 : i32
          %ne3A_218 = arith.cmpi ne, %rem3A_216, %ne3A_217 : i32
          %and3A_219 = arith.andi %ne3A_215, %ne3A_218 : i1
          %sub3A_220 = arith.constant 1 : i32
          %sub3A_221 = arith.subi %div3A_200, %sub3A_220 : i32
          %select_n3A_222 = arith.select %and3A_219, %sub3A_221, %div3A_200 : i32
          %jit3A_223 = arith.constant 12800 : i32
          %eq3A_224 = arith.constant 0 : i32
          %eq3A_225 = arith.cmpi eq, %jit3A_223, %eq3A_224 : i32
          %jit3A_226 = arith.constant 1 : i32
          %select_n3A_227 = arith.select %eq3A_225, %jit3A_226, %jit3A_223 : i32
          %rem3A_228 = arith.remsi %mul3A_198, %select_n3A_227 : i32
          %ne3A_229 = arith.constant 0 : i32
          %ne3A_230 = arith.cmpi ne, %rem3A_228, %ne3A_229 : i32
          %lt3A_231 = arith.constant 0 : i32
          %lt3A_232 = arith.cmpi slt, %rem3A_228, %lt3A_231 : i32
          %lt3A_233 = arith.constant 0 : i32
          %lt3A_234 = arith.cmpi slt, %select_n3A_227, %lt3A_233 : i32
          %ne3A_235 = arith.xori %lt3A_232, %lt3A_234 : i1
          %and3A_236 = arith.andi %ne3A_235, %ne3A_230 : i1
          %add3A_237 = arith.addi %rem3A_228, %select_n3A_227 : i32
          %select_n3A_238 = arith.select %and3A_236, %add3A_237, %rem3A_228 : i32
          %jit3A_239 = arith.constant 1600 : i32
          %div3A_240 = arith.divsi %select_n3A_238, %jit3A_239 : i32
          %sign3A_241 = arith.constant 0 : i32
          %sign3A_242 = arith.cmpi sgt, %select_n3A_238, %sign3A_241 : i32
          %sign3A_243 = arith.extui %sign3A_242 : i1 to i32
          %sign3A_244 = arith.constant 0 : i32
          %sign3A_245 = arith.cmpi slt, %select_n3A_238, %sign3A_244 : i32
          %sign3A_246 = arith.extui %sign3A_245 : i1 to i32
          %sign3A_247 = arith.subi %sign3A_243, %sign3A_246 : i32
          %sign3A_248 = arith.constant 0 : i32
          %sign3A_249 = arith.cmpi sgt, %jit3A_239, %sign3A_248 : i32
          %sign3A_250 = arith.extui %sign3A_249 : i1 to i32
          %sign3A_251 = arith.constant 0 : i32
          %sign3A_252 = arith.cmpi slt, %jit3A_239, %sign3A_251 : i32
          %sign3A_253 = arith.extui %sign3A_252 : i1 to i32
          %sign3A_254 = arith.subi %sign3A_250, %sign3A_253 : i32
          %ne3A_255 = arith.cmpi ne, %sign3A_247, %sign3A_254 : i32
          %rem3A_256 = arith.remsi %select_n3A_238, %jit3A_239 : i32
          %ne3A_257 = arith.constant 0 : i32
          %ne3A_258 = arith.cmpi ne, %rem3A_256, %ne3A_257 : i32
          %and3A_259 = arith.andi %ne3A_255, %ne3A_258 : i1
          %sub3A_260 = arith.constant 1 : i32
          %sub3A_261 = arith.subi %div3A_240, %sub3A_260 : i32
          %select_n3A_262 = arith.select %and3A_259, %sub3A_261, %div3A_240 : i32
          %mul3A_263 = arith.constant 1600 : i32
          %mul3A_264 = arith.muli %select_n3A_222, %mul3A_263 : i32
          %jit3A_265 = arith.constant 1600 : i32
          %eq3A_266 = arith.constant 0 : i32
          %eq3A_267 = arith.cmpi eq, %jit3A_265, %eq3A_266 : i32
          %jit3A_268 = arith.constant 1 : i32
          %select_n3A_269 = arith.select %eq3A_267, %jit3A_268, %jit3A_265 : i32
          %rem3A_270 = arith.remsi %select_n3A_238, %select_n3A_269 : i32
          %ne3A_271 = arith.constant 0 : i32
          %ne3A_272 = arith.cmpi ne, %rem3A_270, %ne3A_271 : i32
          %lt3A_273 = arith.constant 0 : i32
          %lt3A_274 = arith.cmpi slt, %rem3A_270, %lt3A_273 : i32
          %lt3A_275 = arith.constant 0 : i32
          %lt3A_276 = arith.cmpi slt, %select_n3A_269, %lt3A_275 : i32
          %ne3A_277 = arith.xori %lt3A_274, %lt3A_276 : i1
          %and3A_278 = arith.andi %ne3A_277, %ne3A_272 : i1
          %add3A_279 = arith.addi %rem3A_270, %select_n3A_269 : i32
          %select_n3A_280 = arith.select %and3A_278, %add3A_279, %rem3A_270 : i32
          %add3A_281 = arith.addi %mul3A_264, %select_n3A_280 : i32
          %mul3A_282 = arith.constant 16 : i32
          %mul3A_283 = arith.muli %select_n3A_262, %mul3A_282 : i32
          %dma_start3A = arith.constant 0 : i32
          %dma_start3A_284 = tpu.memref_slice %arg5[%dma_start3A, %mul3A_198] : memref<2x1600000xi32, #tpu.memory_space<hbm>> -> memref<1x800xi32, #tpu.memory_space<hbm>>
          %dma_start3A_285 = tpu.memref_squeeze %dma_start3A_284 : memref<1x800xi32, #tpu.memory_space<hbm>> -> memref<800xi32, #tpu.memory_space<hbm>>
          %dma_start3A_286 = tpu.memref_slice %arg5[%dma_start3A, %mul3A_198] : memref<2x1600000xi32, #tpu.memory_space<hbm>> -> memref<1x800xi32, #tpu.memory_space<hbm>>
          %dma_start3A_287 = tpu.memref_squeeze %dma_start3A_286 : memref<1x800xi32, #tpu.memory_space<hbm>> -> memref<800xi32, #tpu.memory_space<hbm>>
          tpu.enqueue_dma source(%dma_start3A_287 : memref<800xi32, #tpu.memory_space<hbm>>) target(%arg12 : memref<800xi32, #tpu.memory_space<vmem>>) target_semaphore(%arg18 : memref<!tpu.dma_semaphore, #tpu.memory_space<semaphore_mem>>)
          %dma_start3A_288 = arith.constant 1 : i32
          %dma_start3A_289 = tpu.memref_slice %arg5[%dma_start3A_288, %mul3A_198] : memref<2x1600000xi32, #tpu.memory_space<hbm>> -> memref<1x800xi32, #tpu.memory_space<hbm>>
          %dma_start3A_290 = tpu.memref_squeeze %dma_start3A_289 : memref<1x800xi32, #tpu.memory_space<hbm>> -> memref<800xi32, #tpu.memory_space<hbm>>
          %dma_start3A_291 = tpu.memref_slice %arg5[%dma_start3A_288, %mul3A_198] : memref<2x1600000xi32, #tpu.memory_space<hbm>> -> memref<1x800xi32, #tpu.memory_space<hbm>>
          %dma_start3A_292 = tpu.memref_squeeze %dma_start3A_291 : memref<1x800xi32, #tpu.memory_space<hbm>> -> memref<800xi32, #tpu.memory_space<hbm>>
          tpu.enqueue_dma source(%dma_start3A_292 : memref<800xi32, #tpu.memory_space<hbm>>) target(%arg14 : memref<800xi32, #tpu.memory_space<vmem>>) target_semaphore(%arg18 : memref<!tpu.dma_semaphore, #tpu.memory_space<semaphore_mem>>)
          %dma_start3A_293 = tpu.memref_slice %arg4[%add3A_281, %mul3A_283] : memref<200000x128xf32, #tpu.memory_space<hbm>> -> memref<800x16xf32, #tpu.memory_space<hbm>>
          %dma_start3A_294 = tpu.memref_slice %arg4[%add3A_281, %mul3A_283] : memref<200000x128xf32, #tpu.memory_space<hbm>> -> memref<800x16xf32, #tpu.memory_space<hbm>>
          tpu.enqueue_dma source(%dma_start3A_294 : memref<800x16xf32, #tpu.memory_space<hbm>>) target(%arg10 : memref<800x16xf32, #tpu.memory_space<vmem>>) target_semaphore(%arg18 : memref<!tpu.dma_semaphore, #tpu.memory_space<semaphore_mem>>)
        } else {
        }
      } else {
      }
    }
    %scan3A_64 = arith.constant 32 : i32
    %barrier3A_65 = arith.constant 0 : index
    tpu.barrier barrier_id(%barrier3A_65)
    %mul3A_66 = arith.constant 3136 : i32
    %mul3A_67 = arith.muli %arg1, %mul3A_66 : i32
    %mul3A_68 = arith.constant 3136 : i32
    %mul3A_69 = arith.muli %arg1, %mul3A_68 : i32
    "tpu.region"() ({
      %run_scoped3A = tpu.sem_alloc : memref<!tpu.dma_semaphore, #tpu.memory_space<semaphore_mem>>
      %dma_start3A = arith.constant 0 : i32
      %dma_start3A_70 = tpu.memref_slice %arg7[%arg0, %mul3A_69, %dma_start3A] : memref<2x50176x16xf32, #tpu.memory_space<hbm>> -> memref<1x3136x16xf32, #tpu.memory_space<hbm>>
      %dma_start3A_71 = tpu.memref_squeeze %dma_start3A_70 : memref<1x3136x16xf32, #tpu.memory_space<hbm>> -> memref<3136x16xf32, #tpu.memory_space<hbm>>
      %dma_start3A_72 = arith.constant 0 : i32
      %dma_start3A_73 = tpu.memref_slice %arg16[%mul3A_67, %dma_start3A_72] : memref<50176x16xf32, #tpu.memory_space<vmem_shared>> -> memref<3136x16xf32, #tpu.memory_space<vmem_shared>>
      tpu.enqueue_dma source(%dma_start3A_73 : memref<3136x16xf32, #tpu.memory_space<vmem_shared>>) target(%dma_start3A_71 : memref<3136x16xf32, #tpu.memory_space<hbm>>) target_semaphore(%run_scoped3A : memref<!tpu.dma_semaphore, #tpu.memory_space<semaphore_mem>>)
      %dma_wait3A = arith.constant 0 : i32
      %dma_wait3A_74 = tpu.memref_slice %arg7[%arg0, %mul3A_69, %dma_wait3A] : memref<2x50176x16xf32, #tpu.memory_space<hbm>> -> memref<1x3136x16xf32, #tpu.memory_space<hbm>>
      %dma_wait3A_75 = tpu.memref_squeeze %dma_wait3A_74 : memref<1x3136x16xf32, #tpu.memory_space<hbm>> -> memref<3136x16xf32, #tpu.memory_space<hbm>>
      %dma_wait3A_76 = arith.constant 0 : i32
      %dma_wait3A_77 = tpu.memref_slice %arg16[%mul3A_67, %dma_wait3A_76] : memref<50176x16xf32, #tpu.memory_space<vmem_shared>> -> memref<3136x16xf32, #tpu.memory_space<vmem_shared>>
      tpu.wait_dma2 semaphore(%run_scoped3A : memref<!tpu.dma_semaphore, #tpu.memory_space<semaphore_mem>>) src(%dma_wait3A_77 : memref<3136x16xf32, #tpu.memory_space<vmem_shared>>) dst(%dma_wait3A_75 : memref<3136x16xf32, #tpu.memory_space<hbm>>)
      tpu.yield
    }) : () -> ()
    return
  }
}

module attributes {stable_mosaic.version = 14 : i64} {
  func.func @_tc_msg_body(%arg0: i32, %arg1: memref<12800x4xf32, #tpu.memory_space<vmem>>, %arg2: memref<32x128xf32, #tpu.memory_space<vmem>>, %arg3: memref<1x128xf32, #tpu.memory_space<vmem>>, %arg4: memref<128x128xf32, #tpu.memory_space<vmem>>, %arg5: memref<1x128xf32, #tpu.memory_space<vmem>>, %arg6: memref<128x128xf32, #tpu.memory_space<vmem>>, %arg7: memref<1x128xf32, #tpu.memory_space<vmem>>, %arg8: memref<1600x128xf32, #tpu.memory_space<vmem>>, %arg9: memref<1600x128xf32, #tpu.memory_space<vmem>>) attributes {dimension_semantics = [#tpu.dimension_semantics<arbitrary>], iteration_bounds = array<i64: 125>, scalar_prefetch = 0 : i64, scratch_operands = 0 : i64, tpu.core_type = #tpu.core_type<tc>, window_params = [{transform_indices = @transform_0, window_bounds = array<i64: 12800, 4>}, {pipeline_mode = #tpu.pipeline_mode<synchronous>, transform_indices = @transform_1, window_bounds = array<i64: 32, 128>}, {pipeline_mode = #tpu.pipeline_mode<synchronous>, transform_indices = @transform_2, window_bounds = array<i64: 1, 128>}, {pipeline_mode = #tpu.pipeline_mode<synchronous>, transform_indices = @transform_3, window_bounds = array<i64: 128, 128>}, {pipeline_mode = #tpu.pipeline_mode<synchronous>, transform_indices = @transform_4, window_bounds = array<i64: 1, 128>}, {pipeline_mode = #tpu.pipeline_mode<synchronous>, transform_indices = @transform_5, window_bounds = array<i64: 128, 128>}, {pipeline_mode = #tpu.pipeline_mode<synchronous>, transform_indices = @transform_6, window_bounds = array<i64: 1, 128>}, {transform_indices = @transform_7, window_bounds = array<i64: 1600, 128>}, {transform_indices = @transform_8, window_bounds = array<i64: 1600, 128>}]} {
    %get3A = arith.constant 0 : index
    %get3A_0 = arith.constant 0 : index
    %get3A_1 = vector.load %arg1[%get3A, %get3A_0] : memref<12800x4xf32, #tpu.memory_space<vmem>>, vector<1600x4xf32>
    %get3A_2 = arith.constant 1600 : index
    %get3A_3 = arith.constant 0 : index
    %get3A_4 = vector.load %arg1[%get3A_2, %get3A_3] : memref<12800x4xf32, #tpu.memory_space<vmem>>, vector<1600x4xf32>
    %get3A_5 = arith.constant 3200 : index
    %get3A_6 = arith.constant 0 : index
    %get3A_7 = vector.load %arg1[%get3A_5, %get3A_6] : memref<12800x4xf32, #tpu.memory_space<vmem>>, vector<1600x4xf32>
    %get3A_8 = arith.constant 4800 : index
    %get3A_9 = arith.constant 0 : index
    %get3A_10 = vector.load %arg1[%get3A_8, %get3A_9] : memref<12800x4xf32, #tpu.memory_space<vmem>>, vector<1600x4xf32>
    %get3A_11 = arith.constant 6400 : index
    %get3A_12 = arith.constant 0 : index
    %get3A_13 = vector.load %arg1[%get3A_11, %get3A_12] : memref<12800x4xf32, #tpu.memory_space<vmem>>, vector<1600x4xf32>
    %get3A_14 = arith.constant 8000 : index
    %get3A_15 = arith.constant 0 : index
    %get3A_16 = vector.load %arg1[%get3A_14, %get3A_15] : memref<12800x4xf32, #tpu.memory_space<vmem>>, vector<1600x4xf32>
    %get3A_17 = arith.constant 9600 : index
    %get3A_18 = arith.constant 0 : index
    %get3A_19 = vector.load %arg1[%get3A_17, %get3A_18] : memref<12800x4xf32, #tpu.memory_space<vmem>>, vector<1600x4xf32>
    %get3A_20 = arith.constant 11200 : index
    %get3A_21 = arith.constant 0 : index
    %get3A_22 = vector.load %arg1[%get3A_20, %get3A_21] : memref<12800x4xf32, #tpu.memory_space<vmem>>, vector<1600x4xf32>
    %concatenate3A = tpu.concatenate %get3A_1, %get3A_4, %get3A_7, %get3A_10, %get3A_13, %get3A_16, %get3A_19, %get3A_22 in 1 : vector<1600x4xf32>, vector<1600x4xf32>, vector<1600x4xf32>, vector<1600x4xf32>, vector<1600x4xf32>, vector<1600x4xf32>, vector<1600x4xf32>, vector<1600x4xf32> -> vector<1600x32xf32>
    %get3A_23 = arith.constant 0 : index
    %get3A_24 = arith.constant 0 : index
    %get3A_25 = vector.load %arg2[%get3A_23, %get3A_24] : memref<32x128xf32, #tpu.memory_space<vmem>>, vector<32x128xf32>
    %dot_general3A = arith.constant dense<0.000000e+00> : vector<1600x128xf32>
    %dot_general3A_26 = tpu.matmul %concatenate3A, %get3A_25, %dot_general3A {dimension_numbers = #tpu.dot_dimension_numbers<[1], [0], [0], [1], [0, 0, 1, 1], [], []>, transpose_lhs_hint = false} : vector<1600x32xf32>, vector<32x128xf32>, vector<1600x128xf32> -> vector<1600x128xf32>
    %get3A_27 = arith.constant 0 : index
    %get3A_28 = arith.constant 0 : index
    %get3A_29 = vector.load %arg3[%get3A_27, %get3A_28] : memref<1x128xf32, #tpu.memory_space<vmem>>, vector<1x128xf32>
    %add3A = vector.broadcast %get3A_29 : vector<1x128xf32> to vector<1600x128xf32>
    %add3A_30 = arith.addf %dot_general3A_26, %add3A : vector<1600x128xf32>
    %max3A = arith.constant 0.000000e+00 : f32
    %max3A_31 = vector.broadcast %max3A : f32 to vector<1600x128xf32>
    %max3A_32 = arith.maximumf %add3A_30, %max3A_31 : vector<1600x128xf32>
    %get3A_33 = arith.constant 0 : index
    %get3A_34 = arith.constant 0 : index
    %get3A_35 = vector.load %arg4[%get3A_33, %get3A_34] : memref<128x128xf32, #tpu.memory_space<vmem>>, vector<128x128xf32>
    %dot_general3A_36 = arith.constant dense<0.000000e+00> : vector<1600x128xf32>
    %dot_general3A_37 = tpu.matmul %max3A_32, %get3A_35, %dot_general3A_36 {dimension_numbers = #tpu.dot_dimension_numbers<[1], [0], [0], [1], [0, 0, 1, 1], [], []>, transpose_lhs_hint = false} : vector<1600x128xf32>, vector<128x128xf32>, vector<1600x128xf32> -> vector<1600x128xf32>
    %get3A_38 = arith.constant 0 : index
    %get3A_39 = arith.constant 0 : index
    %get3A_40 = vector.load %arg5[%get3A_38, %get3A_39] : memref<1x128xf32, #tpu.memory_space<vmem>>, vector<1x128xf32>
    %add3A_41 = vector.broadcast %get3A_40 : vector<1x128xf32> to vector<1600x128xf32>
    %add3A_42 = arith.addf %dot_general3A_37, %add3A_41 : vector<1600x128xf32>
    %swap3A = arith.constant 0 : index
    %swap3A_43 = arith.constant 0 : index
    %swap3A_44 = vector.load %arg8[%swap3A, %swap3A_43] : memref<1600x128xf32, #tpu.memory_space<vmem>>, vector<1600x128xf32>
    tpu.vector_store %arg8[%swap3A, %swap3A_43], %add3A_42 {strides = array<i32>} : memref<1600x128xf32, #tpu.memory_space<vmem>>, vector<1600x128xf32>,
    %get3A_45 = arith.constant 0 : index
    %get3A_46 = arith.constant 0 : index
    %get3A_47 = vector.load %arg6[%get3A_45, %get3A_46] : memref<128x128xf32, #tpu.memory_space<vmem>>, vector<128x128xf32>
    %dot_general3A_48 = arith.constant dense<0.000000e+00> : vector<1600x128xf32>
    %dot_general3A_49 = tpu.matmul %max3A_32, %get3A_47, %dot_general3A_48 {dimension_numbers = #tpu.dot_dimension_numbers<[1], [0], [0], [1], [0, 0, 1, 1], [], []>, transpose_lhs_hint = false} : vector<1600x128xf32>, vector<128x128xf32>, vector<1600x128xf32> -> vector<1600x128xf32>
    %get3A_50 = arith.constant 0 : index
    %get3A_51 = arith.constant 0 : index
    %get3A_52 = vector.load %arg7[%get3A_50, %get3A_51] : memref<1x128xf32, #tpu.memory_space<vmem>>, vector<1x128xf32>
    %add3A_53 = vector.broadcast %get3A_52 : vector<1x128xf32> to vector<1600x128xf32>
    %add3A_54 = arith.addf %dot_general3A_49, %add3A_53 : vector<1600x128xf32>
    %swap3A_55 = arith.constant 0 : index
    %swap3A_56 = arith.constant 0 : index
    %swap3A_57 = vector.load %arg9[%swap3A_55, %swap3A_56] : memref<1600x128xf32, #tpu.memory_space<vmem>>, vector<1600x128xf32>
    tpu.vector_store %arg9[%swap3A_55, %swap3A_56], %add3A_54 {strides = array<i32>} : memref<1600x128xf32, #tpu.memory_space<vmem>>, vector<1600x128xf32>,
    return
  }
  func.func @transform_0(%arg0: i32) -> (i32, i32) {
    %c0_i32 = arith.constant 0 : i32
    %c0_i32_0 = arith.constant 0 : i32
    return %arg0, %c0_i32 : i32, i32
  }
  func.func @transform_1(%arg0: i32) -> (i32, i32) {
    %c0_i32 = arith.constant 0 : i32
    %c0_i32_0 = arith.constant 0 : i32
    %c0_i32_1 = arith.constant 0 : i32
    return %c0_i32, %c0_i32_0 : i32, i32
  }
  func.func @transform_2(%arg0: i32) -> (i32, i32) {
    %c0_i32 = arith.constant 0 : i32
    %c0_i32_0 = arith.constant 0 : i32
    %c0_i32_1 = arith.constant 0 : i32
    return %c0_i32, %c0_i32_0 : i32, i32
  }
  func.func @transform_3(%arg0: i32) -> (i32, i32) {
    %c0_i32 = arith.constant 0 : i32
    %c0_i32_0 = arith.constant 0 : i32
    %c0_i32_1 = arith.constant 0 : i32
    return %c0_i32, %c0_i32_0 : i32, i32
  }
  func.func @transform_4(%arg0: i32) -> (i32, i32) {
    %c0_i32 = arith.constant 0 : i32
    %c0_i32_0 = arith.constant 0 : i32
    %c0_i32_1 = arith.constant 0 : i32
    return %c0_i32, %c0_i32_0 : i32, i32
  }
  func.func @transform_5(%arg0: i32) -> (i32, i32) {
    %c0_i32 = arith.constant 0 : i32
    %c0_i32_0 = arith.constant 0 : i32
    %c0_i32_1 = arith.constant 0 : i32
    return %c0_i32, %c0_i32_0 : i32, i32
  }
  func.func @transform_6(%arg0: i32) -> (i32, i32) {
    %c0_i32 = arith.constant 0 : i32
    %c0_i32_0 = arith.constant 0 : i32
    %c0_i32_1 = arith.constant 0 : i32
    return %c0_i32, %c0_i32_0 : i32, i32
  }
  func.func @transform_7(%arg0: i32) -> (i32, i32) {
    %c0_i32 = arith.constant 0 : i32
    %c0_i32_0 = arith.constant 0 : i32
    return %arg0, %c0_i32 : i32, i32
  }
  func.func @transform_8(%arg0: i32) -> (i32, i32) {
    %c0_i32 = arith.constant 0 : i32
    %c0_i32_0 = arith.constant 0 : i32
    return %arg0, %c0_i32 : i32, i32
  }
}

module attributes {stable_mosaic.version = 14 : i64} {
  func.func @_tc_final_body(%arg0: i32, %arg1: memref<2x2000x16xf32, #tpu.memory_space<vmem>>, %arg2: memref<2x2000x16xf32, #tpu.memory_space<vmem>>, %arg3: memref<2000x1xf32, #tpu.memory_space<vmem>>, %arg4: memref<1x24xf32, #tpu.memory_space<vmem>>, %arg5: memref<1x24xf32, #tpu.memory_space<vmem>>, %arg6: memref<2000x24xf32, #tpu.memory_space<vmem>>) attributes {dimension_semantics = [#tpu.dimension_semantics<arbitrary>], iteration_bounds = array<i64: 25>, scalar_prefetch = 0 : i64, scratch_operands = 0 : i64, tpu.core_type = #tpu.core_type<tc>, window_params = [{transform_indices = @transform_0, window_bounds = array<i64: 2, 2000, 16>}, {transform_indices = @transform_1, window_bounds = array<i64: 2, 2000, 16>}, {transform_indices = @transform_2, window_bounds = array<i64: 2000, 1>}, {pipeline_mode = #tpu.pipeline_mode<synchronous>, transform_indices = @transform_3, window_bounds = array<i64: 1, 24>}, {pipeline_mode = #tpu.pipeline_mode<synchronous>, transform_indices = @transform_4, window_bounds = array<i64: 1, 24>}, {transform_indices = @transform_5, window_bounds = array<i64: 2000, 24>}]} {
    %get3A = arith.constant 0 : index
    %get3A_0 = arith.constant 0 : index
    %get3A_1 = arith.constant 0 : index
    %get3A_2 = vector.load %arg1[%get3A, %get3A_0, %get3A_1] : memref<2x2000x16xf32, #tpu.memory_space<vmem>>, vector<1x2000x16xf32>
    %get3A_3 = vector.shape_cast %get3A_2 : vector<1x2000x16xf32> to vector<2000x16xf32>
    %get3A_4 = arith.constant 1 : index
    %get3A_5 = arith.constant 0 : index
    %get3A_6 = arith.constant 0 : index
    %get3A_7 = vector.load %arg1[%get3A_4, %get3A_5, %get3A_6] : memref<2x2000x16xf32, #tpu.memory_space<vmem>>, vector<1x2000x16xf32>
    %get3A_8 = vector.shape_cast %get3A_7 : vector<1x2000x16xf32> to vector<2000x16xf32>
    %add3A = arith.addf %get3A_3, %get3A_8 : vector<2000x16xf32>
    %get3A_9 = arith.constant 0 : index
    %get3A_10 = arith.constant 0 : index
    %get3A_11 = arith.constant 0 : index
    %get3A_12 = vector.load %arg2[%get3A_9, %get3A_10, %get3A_11] : memref<2x2000x16xf32, #tpu.memory_space<vmem>>, vector<1x2000x16xf32>
    %get3A_13 = vector.shape_cast %get3A_12 : vector<1x2000x16xf32> to vector<2000x16xf32>
    %get3A_14 = arith.constant 1 : index
    %get3A_15 = arith.constant 0 : index
    %get3A_16 = arith.constant 0 : index
    %get3A_17 = vector.load %arg2[%get3A_14, %get3A_15, %get3A_16] : memref<2x2000x16xf32, #tpu.memory_space<vmem>>, vector<1x2000x16xf32>
    %get3A_18 = vector.shape_cast %get3A_17 : vector<1x2000x16xf32> to vector<2000x16xf32>
    %add3A_19 = arith.addf %get3A_13, %get3A_18 : vector<2000x16xf32>
    %slice3A = vector.extract_strided_slice %add3A_19 {offsets = [0, 0], sizes = [2000, 8], strides = [1, 1]} : vector<2000x16xf32> to vector<2000x8xf32>
    %concatenate3A = tpu.concatenate %add3A, %slice3A in 1 : vector<2000x16xf32>, vector<2000x8xf32> -> vector<2000x24xf32>
    %slice3A_20 = vector.extract_strided_slice %add3A_19 {offsets = [0, 8], sizes = [2000, 1], strides = [1, 1]} : vector<2000x16xf32> to vector<2000x1xf32>
    %max3A = arith.constant 1.000000e+00 : f32
    %max3A_21 = vector.broadcast %max3A : f32 to vector<2000x1xf32>
    %max3A_22 = arith.maximumf %slice3A_20, %max3A_21 : vector<2000x1xf32>
    %div3A = vector.broadcast %max3A_22 : vector<2000x1xf32> to vector<2000x24xf32>
    %div3A_23 = arith.divf %concatenate3A, %div3A : vector<2000x24xf32>
    %get3A_24 = arith.constant 0 : index
    %get3A_25 = arith.constant 0 : index
    %get3A_26 = vector.load %arg3[%get3A_24, %get3A_25] : memref<2000x1xf32, #tpu.memory_space<vmem>>, vector<2000x1xf32>
    %get3A_27 = arith.constant 0 : index
    %get3A_28 = arith.constant 0 : index
    %get3A_29 = vector.load %arg4[%get3A_27, %get3A_28] : memref<1x24xf32, #tpu.memory_space<vmem>>, vector<1x24xf32>
    %mul3A = vector.broadcast %get3A_26 : vector<2000x1xf32> to vector<2000x24xf32>
    %mul3A_30 = vector.broadcast %get3A_29 : vector<1x24xf32> to vector<2000x24xf32>
    %mul3A_31 = arith.mulf %mul3A, %mul3A_30 : vector<2000x24xf32>
    %add3A_32 = arith.addf %div3A_23, %mul3A_31 : vector<2000x24xf32>
    %get3A_33 = arith.constant 0 : index
    %get3A_34 = arith.constant 0 : index
    %get3A_35 = vector.load %arg5[%get3A_33, %get3A_34] : memref<1x24xf32, #tpu.memory_space<vmem>>, vector<1x24xf32>
    %add3A_36 = vector.broadcast %get3A_35 : vector<1x24xf32> to vector<2000x24xf32>
    %add3A_37 = arith.addf %add3A_32, %add3A_36 : vector<2000x24xf32>
    %swap3A = arith.constant 0 : index
    %swap3A_38 = arith.constant 0 : index
    %swap3A_39 = vector.load %arg6[%swap3A, %swap3A_38] : memref<2000x24xf32, #tpu.memory_space<vmem>>, vector<2000x24xf32>
    tpu.vector_store %arg6[%swap3A, %swap3A_38], %add3A_37 {strides = array<i32>} : memref<2000x24xf32, #tpu.memory_space<vmem>>, vector<2000x24xf32>,
    return
  }
  func.func @transform_0(%arg0: i32) -> (i32, i32, i32) {
    %c0_i32 = arith.constant 0 : i32
    %c0_i32_0 = arith.constant 0 : i32
    %c0_i32_1 = arith.constant 0 : i32
    return %c0_i32, %arg0, %c0_i32_0 : i32, i32, i32
  }
  func.func @transform_1(%arg0: i32) -> (i32, i32, i32) {
    %c0_i32 = arith.constant 0 : i32
    %c0_i32_0 = arith.constant 0 : i32
    %c0_i32_1 = arith.constant 0 : i32
    return %c0_i32, %arg0, %c0_i32_0 : i32, i32, i32
  }
  func.func @transform_2(%arg0: i32) -> (i32, i32) {
    %c0_i32 = arith.constant 0 : i32
    %c0_i32_0 = arith.constant 0 : i32
    return %arg0, %c0_i32 : i32, i32
  }
  func.func @transform_3(%arg0: i32) -> (i32, i32) {
    %c0_i32 = arith.constant 0 : i32
    %c0_i32_0 = arith.constant 0 : i32
    %c0_i32_1 = arith.constant 0 : i32
    return %c0_i32, %c0_i32_0 : i32, i32
  }
  func.func @transform_4(%arg0: i32) -> (i32, i32) {
    %c0_i32 = arith.constant 0 : i32
    %c0_i32_0 = arith.constant 0 : i32
    %c0_i32_1 = arith.constant 0 : i32
    return %c0_i32, %c0_i32_0 : i32, i32
  }
  func.func @transform_5(%arg0: i32) -> (i32, i32) {
    %c0_i32 = arith.constant 0 : i32
    %c0_i32_0 = arith.constant 0 : i32
    return %arg0, %c0_i32 : i32, i32
  }
}

</mosaic_0001>

<sc_bundles>
// kernel: kernel.5.cloned.1.call-start
scs
__scs_entry_jumppad:
0x0: {  	(pc) =	sbr.rel $0x88, $3  }
0x1: {  	(tag) =	ssettag $0x0;
	lr =	simm.s32 $0x1  }
0x2: {  	[smem:$0x3F98] =	sst lr;
	_ =	strace $0xD0000000  }
0x3: {  	_ = 	snop  }
0x4: {  	_ = 	snop  }
0x5: {  	_ = 	snop  }
0x6: {  	_ = 	snop  }
0x7: {  	_ = 	snop  }
__scs_overlays_trampoline_lowered:
0x8: {  	[smem:$0x3FA7] =	sst s0  }
0x9: {  	[smem:$0x3FA8] =	sst s1  }
0xa: {  	[smem:$0x3FA9] =	sst s2  }
0xb: {  	[smem:$0x3FAA] =	sst s3  }
0xc: {  	[smem:$0x3FAB] =	sst s4  }
0xd: {  	[smem:$0x3FAC] =	sst s5  }
0xe: {  	[smem:$0x3FAD] =	sst s6  }
0xf: {  	[smem:$0x3FAE] =	sst s7  }
0x10: {  	[smem:$0x3FAF] =	sst s8  }
0x11: {  	[smem:$0x3FB0] =	sst s9;
	s0 =	simm.s32 @!p0 $0x0  }
0x12: {  	s1 =	sld [smem:$0x3F96];
	s0 =	simm.s32 @p0 $0x1  }
0x13: {  	[smem:$0x3FB1] =	sst s0;
	s0 =	simm.s32 @!p1 $0x0  }
0x14: {  	s2 =	sld [smem:$0x3F95];
	s0 =	simm.s32 @p1 $0x1  }
0x15: {  	[smem:$0x3FB2] =	sst s0;
	s0 =	simm.s32 @!p2 $0x0  }
0x16: {  	s3 =	sld [smem:$0x3FDB];
	s0 =	simm.s32 @p2 $0x1  }
0x17: {  	s4 =	simm.s32 $0x1BF5;
	[smem:$0x3FB4] =	sst s0  }
0x18: {  	s0 =	sld [smem:$0x3F97];
	_ =	swait.ge [sflag:s4], $0x0  }
0x19: {  	s7 =	sld [smem:$0x3F98]  }
0x1a: {  	s8 =	sadd.s32 $0xFFFFE003, lr  }
0x1b: {  	s9 =	sadd.s32 $0xFFFFFEF7, lr;
	s5 =	simm.s32 $0xFFFFFFFF;
	p2 =	slt.u32 s8, $0xFFFFF086  }
0x1c: {  	p1 =	slt.u32 s9, $0xF7A;
	s5 =	simm.s32 @!p2 $0x0  }
0x1d: {  	s5 =	simm.s32 @p1 $0x1;
	p0 =	seq.s32 s7, s2  }
0x1e: {  	s7 =	smul.u32 @!p0 $0xF7A, s2;
	p2 =	seq.s32 @!p0 s5, $0x0  }
0x1f: {  	s9 =	smul.u32 $0xF7A, s1;
	s8 =	simm.s32 @!p0 $0x1BF5;
	p2 =	por !p2, p0  }
0x20: {  	[sflag:s8] =	ssyncset.s32 @!p0 $0xFFFFF086;
	s6 =	sadd.s32 @!p0 s3, s7;
	s7 =	simm.s32 @!p0 $0x108  }
0x21: {  	s3 =	sadd.s32 s3, s9;
	s6 =	sadd.s32 @!p0 $0x88, s6;
	s7 =	simm.s32 @p2 $0x1082  }
0x22: {  	[simem:s7], [sflag:s8] =	dma.local @!p0 [hbm:s6], $0xF7A  }
0x23: {  	s9 =	sor.u32 $0xD0000000, s2;
	s6 =	simm.s32 $0x108;
	_ =	swait.ge @!p0 [sflag:s8], $0x0  }
0x24: {  	s3 =	sadd.s32 $0x88, s3;
	s6 =	simm.s32 @!p1 $0x1082;
	[sflag:s4] =	ssyncset.s32 $0xFFFFF086  }
0x25: {  	[simem:s6], [sflag:s4] =	dma.local [hbm:s3], $0xF7A  }
0x26: {  	[smem:$0x3F98] =	sst s1;
	(tag) =	ssettag s2;
	_ =	strace s9  }
0x27: {  	s1 =	sld [smem:$0x3FA8]  }
0x28: {  	s2 =	sld [smem:$0x3FA9]  }
0x29: {  	s4 =	sld [smem:$0x3FAB]  }
0x2a: {  	p0 =	seq.s32 s5, $0x0;
	s5 =	sld [smem:$0x3FAC]  }
0x2b: {  	s6 =	sld [smem:$0x3FAD]  }
0x2c: {  	s7 =	sld [smem:$0x3FAE]  }
0x2d: {  	s3 =	simm.s32 $0x108;
	s8 =	sld [smem:$0x3FAF]  }
0x2e: {  	s3 =	simm.s32 @!p0 $0x1082;
	s9 =	sld [smem:$0x3FB0]  }
0x2f: {  	lr =	sadd.s32 s0, s3;
	s0 =	sld [smem:$0x3FA7]  }
0x30: {  	s3 =	sld [smem:$0x3FAA]  }
0x31: {  	[smem:$0x3FB3] =	sst s10  }
0x32: {  	s10 =	sld [smem:$0x3FB1];
	_ =	sdelay $0x3  }
0x33: {  	p0 =	seq.s32 s10, $0x1;
	s10 =	sld [smem:$0x3FB3];
	_ =	sdelay $0x3  }
0x34: {  	[smem:$0x3FB3] =	sst s10  }
0x35: {  	s10 =	sld [smem:$0x3FB2];
	_ =	sdelay $0x3  }
0x36: {  	p1 =	seq.s32 s10, $0x1;
	s10 =	sld [smem:$0x3FB3];
	_ =	sdelay $0x3  }
0x37: {  	[smem:$0x3FB3] =	sst s10  }
0x38: {  	s10 =	sld [smem:$0x3FB4]  }
0x39: {  	_ = 	snop;
	(pc) =	sbr.ind lr, $3  }
0x3a: {  	_ = 	snop  }
0x3b: {  	_ = 	snop  }
0x3c: {  	p2 =	seq.s32 s10, $0x1;
	s10 =	sld [smem:$0x3FB3]  }
0x3d: {  	_ =	shalt  }
0x3e: {  	_ =	shalt  }
0x3f: {  	_ =	shalt  }
0x40: {  	_ =	shalt  }
0x41: {  	_ =	shalt  }
0x42: {  	_ =	shalt  }
0x43: {  	_ =	shalt  }
0x44: {  	_ =	shalt  }
0x45: {  	_ =	shalt  }
0x46: {  	_ =	shalt  }
0x47: {  	_ =	shalt  }
0x48: {  	_ =	shalt  }
0x49: {  	_ =	shalt  }
0x4a: {  	_ =	shalt  }
0x4b: {  	_ =	shalt  }
0x4c: {  	_ =	shalt  }
0x4d: {  	_ =	shalt  }
0x4e: {  	_ =	shalt  }
0x4f: {  	_ =	shalt  }
0x50: {  	_ =	shalt  }
0x51: {  	_ =	shalt  }
0x52: {  	_ =	shalt  }
0x53: {  	_ =	shalt  }
0x54: {  	_ =	shalt  }
0x55: {  	_ =	shalt  }
0x56: {  	_ =	shalt  }
0x57: {  	_ =	shalt  }
0x58: {  	_ =	shalt  }
0x59: {  	_ =	shalt  }
0x5a: {  	_ =	shalt  }
0x5b: {  	_ =	shalt  }
0x5c: {  	_ =	shalt  }
0x5d: {  	_ =	shalt  }
0x5e: {  	_ =	shalt  }
0x5f: {  	_ =	shalt  }
0x60: {  	_ =	shalt  }
0x61: {  	_ =	shalt  }
0x62: {  	_ =	shalt  }
0x63: {  	_ =	shalt  }
0x64: {  	_ =	shalt  }
0x65: {  	_ =	shalt  }
0x66: {  	_ =	shalt  }
0x67: {  	_ =	shalt  }
0x68: {  	_ =	shalt  }
0x69: {  	_ =	shalt  }
0x6a: {  	_ =	shalt  }
0x6b: {  	_ =	shalt  }
0x6c: {  	_ =	shalt  }
0x6d: {  	_ =	shalt  }
0x6e: {  	_ =	shalt  }
0x6f: {  	_ =	shalt  }
0x70: {  	_ =	shalt  }
0x71: {  	_ =	shalt  }
0x72: {  	_ =	shalt  }
0x73: {  	_ =	shalt  }
0x74: {  	_ =	shalt  }
0x75: {  	_ =	shalt  }
0x76: {  	_ =	shalt  }
0x77: {  	_ =	shalt  }
0x78: {  	_ =	shalt  }
0x79: {  	_ =	shalt  }
0x7a: {  	_ =	shalt  }
0x7b: {  	_ =	shalt  }
0x7c: {  	_ =	shalt  }
0x7d: {  	_ =	shalt  }
0x7e: {  	_ =	shalt  }
0x7f: {  	_ =	shalt  }
0x80: {  	_ =	shalt  }
0x81: {  	_ =	shalt  }
0x82: {  	_ =	shalt  }
0x83: {  	_ =	shalt  }
0x84: {  	_ =	shalt  }
0x85: {  	_ =	shalt  }
0x86: {  	_ =	shalt  }
0x87: {  	_ =	shalt  }
.Lfunc_end0:
.L_simem_size_0:
called_computation_lowered:
.L_overlay_start_0:
0x88: {  	s2 =	sld [smem:$0x3FD9]  }
0x89: {  	s3 =	sld [smem:$0x3FFE];
	_ =	sdelay $0x1  }
0x8a: {  	s1 =	srdreg.scid  }
0x8b: {  	s0 =	sand.u32 $0x1, s1  }
0x8c: {  	s17 =	sshll.u32 s0, $0xA;
	s2 =	sadd.s32 s3, s2  }
0x8d: {  	s2 =	sadd.s32 s2, s17  }
0x8e: {  	[smem:$0x3FBF] =	sst s2  }
0x8f: {  	_ = 	snop  }
0x90: {  	s2 =	sld [smem:$0x3FD0];
	(tm) =	ssettm $0x1  }
0x91: {  	s18 =	sld [smem:$0x3FFB];
	_ =	sdelay $0x3  }
0x92: {  	_ =	strace s18  }
0x93: {  	s3 =	sld [smem:$0x3FFC];
	_ =	sdelay $0x3  }
0x94: {  	_ =	strace s3  }
0x95: {  	s3 =	sld [smem:$0x3FFD];
	_ =	sdelay $0x3  }
0x96: {  	_ =	strace s3  }
0x97: {  	_ =	strace $0x8FFFFFFF  }
0x98: {  	s19 =	sld [smem:$0x3FDB];
	_ =	sdelay $0x1  }
0x99: {  	s4 =	simm.s32 $_scs_section_size  }
0x9a: {  	s5 =	simm.s32 $_size__tile_overlayer_lowered;
	s6 =	simm.s32 $_tile_overlayer_lowered  }
0x9b: {  	s22 =	simm.s32 $0x1BFF;
	s21 =	sshll.u32 s6, $0x1;
	s3 =	sadd.s32 s4, s19  }
0x9c: {  	s7 =	simm.s32 $0x0;
	s20 =	sshll.u32 s5, $0x1;
	s5 =	sadd.s32 s21, s3  }
0x9d: {  	[timem:s7], [sflag:s22] =	dma.local [hbm:s5], s20  }
0x9e: {  	_ =	swait.ge [sflag:s22], s20  }
0x9f: {  	s4 =	ssub.s32 $0x0, s20;
	[sflag:s22] =	ssyncset.done $0x0  }
0xa0: {  	[sflag:s22] =	ssyncadd.s32 s4;
	_ =	sdelay $0x1  }
0xa1: {  	s23 =	simm.s32 $0x1B8B  }
0xa2: {  	_ =	swait.ge [sflag:s23], $0x1  }
0xa3: {  	[sflag:s23] =	ssyncset.done $0x0  }
0xa4: {  	s25 =	simm.s32 $0x1B8E;
	s24 =	sld [smem:$0x3FFE];
	[sflag:s23] =	ssyncadd.s32 $0xFFFFFFFF  }
0xa5: {  	s26 =	simm.s32 $execute0_lowered;
	[smem:$0x3FD2] =	sst s25  }
0xa6: {  	s5 =	sshll.u32 s26, $0x1;
	_ =	strace $0x80000046;
	[dreg:$0x1] =	wrdreg $0xFFFFFFFF  }
0xa7: {  	s28 =	simm.s32 $_size_execute0_lowered;
	s3 =	sadd.s32 s3, s5;
	[dreg:$0x0] =	wrdreg $0x0  }
0xa8: {  	s5 =	sshll.u32 s28, $0x1;
	[dreg:$0x2] =	wrdreg s3  }
0xa9: {  	[dreg:$0x3] =	wrdreg s5  }
0xaa: {  	[dreg:$0x4] =	wrdreg $0xC0  }
0xab: {  	_ =	task [dreg:s7], $0x5FFFF  }
0xac: {  	[dreg:$0x1] =	wrdreg $0xFFFFFFFF  }
0xad: {  	[dreg:$0x0] =	wrdreg $0x60  }
0xae: {  	[dreg:$0x2] =	wrdreg s2  }
0xaf: {  	[dreg:$0x3] =	wrdreg s24  }
0xb0: {  	[dreg:$0x4] =	wrdreg $0x139F00  }
0xb1: {  	[dreg:$0x5] =	wrdreg $0x9  }
0xb2: {  	_ =	task.clear_ibuf [dreg:s7], $0x6FFFF;
	_ =	strace $0x90000046  }
0xb3: {  	s29 =	simm.s32 $0x9;
	_ =	strace $0x80000048  }
0xb4: {  	_ =	swait.ge [sflag:s29], $0x1  }
0xb5: {  	[sflag:s29] =	ssyncadd.s32 $0xFFFFFFFF  }
0xb6: {  	_ =	strace $0x90000048  }
0xb7: {  	_ =	sfence  }
0xb8: {  	s30 =	sld [smem:$0x0];
	_ =	sdelay $0x2  }
0xb9: {  	s31 =	sshll.u32 s1, $0xD;
	s1 =	sshrl.u32 s1, $0x2  }
0xba: {  	s3 =	sand.u32 $0x4000, s31;
	s1 =	sadd.s32 s1, s30  }
0xbb: {  	s0 =	sor.u32 s3, s0;
	s1 =	sshll.u32 s1, $0x11  }
0xbc: {  	s0 =	sor.u32 s1, s0  }
0xbd: {  	s0 =	sadd.s32 $0x8F2B, s0  }
0xbe: {  	[sflag:s0] =	ssyncadd.remote.s32 $0x1  }
0xbf: {  	_ =	sfence.sel $0xFFFF  }
0xc0: {  	[dreg:$0x0] =	wrdreg $0xFFFFFFFF;
	(pc) =	sbr.abs _section_cstart, $3  }
0xc1: {  	[dreg:$0x1] =	wrdreg $0xFFFFFFFF  }
0xc2: {  	_ =	task.clear_ibuf [dreg:s7], $0x2FFFF;
	_ =	strace $0x9FFFFFFF  }
0xc3: {  	(tm) =	ssettm $0x7FFFFFFF  }
tec
execute0_lowered:
.L_overlay_start_1:
0x0: {  	(tag) =	ssettag $0x1  }
0x1: {  	s0 =	srdreg.scid;
	s9 =	rddreg [dreg:$0x1]  }
0x2: {  	s19 =	stileid.u32;
	s4 =	rddreg [dreg:$0x2]  }
0x3: {  	s28 =	simm.s32 $0x80;
	s29 =	simm.s32 $0xC350;
	s31 =	simm.s32 $0x130B0  }
0x4: {  	s0 =	sand.u32 $0x1, s0;
	s1 =	sshll.u32 s19, $0x1;
	s15 =	smul.u32 $0xC400, s19  }
0x5: {  	s8 =	sadd.s32 $0x186D000, s9;
	s18 =	sshrl.u32 s19, $0x3;
	s12 =	smul.u32 $0xC4000, s0  }
0x6: {  	s1 =	sor.u32 s0, s1;
	s0 =	ssub.s32 $0x2, s0;
	s23 =	smul.u32 $0x640, s18  }
0x7: {  	s2 =	smul.u32 $0x320, s1;
	s3 =	sor.u32 $0x20, s1;
	s22 =	sshrl.u32 s0, $0x1  }
0x8: {  	s11 =	smul.u32 $0x320, s3;
	s12 =	sadd.s32 s15, s12;
	s0 =	ssub.s32 s0, s22  }
0x9: {  	s3 =	sshrl.u32 s3, $0x4;
	s10 =	sadd.s32 $0xCE00, s2;
	p0 =	slt.u32 s2, $0x3200  }
0xa: {  	s12 =	sshrl.u32 s12, $0x3;
	s3 =	smul.u32 $0x640, s3;
	s0 =	smax.u32 s0, $0x1  }
0xb: {  	s5 =	sand.u32 $0xFE00, s11;
	s10 =	smov.u32 @p0 s2;
	s12 =	sadd.s32 s12, s9  }
0xc: {  	s2 =	sshrl.u32 s2, $0x3;
	s5 =	sshrl.u32 s5, $0x9;
	s6 =	sand.u32 $0xFFC0, s10  }
0xd: {  	s26 =	sadd.s32 s8, s2;
	s7 =	smul.u32 $0xA3E, s5;
	s5 =	simm.s32 $0x0  }
0xe: {  	s22 =	sadd.s32 $0x32E00, s12;
	s6 =	sshrl.u32 s6, $0x6;
	[smem:$0x7FF] =	sst s5  }
0xf: {  	s13 =	smul.u32 $0xA3E, s6;
	s6 =	sadd.s32 $0x18CEC00, s9;
	s21 =	sshrl.u32 s7, $0x10  }
0x10: {  	_ =	strace $0x80000047;
	s7 =	sadd.s32 $0x1BDC000, s9;
	[dreg:$0x4] =	wrdreg s26  }
0x11: {  	s9 =	sadd.s32 $0x30D40, s26;
	[dreg:$0x9] =	wrdreg s22;
	s14 =	smul.u32 $0x3200, s21  }
0x12: {  	s26 =	sadd.s32 $0x1E00, s12;
	[dreg:$0xe] =	wrdreg s0;
	s13 =	sshrl.u32 s13, $0x10  }
0x13: {  	s22 =	simm.s32 $0x3;
	s16 =	smul.u32 $0x640, s13;
	s14 =	ssub.s32 s11, s14  }
0x14: {  	s0 =	simm.s32 $0x320;
	s12 =	simm.s32 $0x2;
	s17 =	sand.u32 $0xFFE0, s14  }
0x15: {  	[dreg:$0x5] =	wrdreg s9;
	s10 =	ssub.s32 s10, s16;
	s17 =	smul.u32 $0x147B, s17  }
0x16: {  	[dreg:$0xd] =	wrdreg s26;
	s13 =	sshll.u32 s13, $0x4;
	s24 =	sand.u32 $0xFFE0, s10  }
0x17: {  	s16 =	sadd.s32 s24, s23;
	s23 =	smul.u32 $0x31000, s19;
	s17 =	sshrl.u32 s17, $0x17  }
0x18: {  	s24 =	sadd.s32 s15, s4;
	s10 =	sshll.u32 s16, $0x7;
	s25 =	smul.u32 $0x640, s17  }
0x19: {  	[dreg:$0xa] =	wrdreg s24;
	s24 =	simm.s32 $0x0;
	s13 =	sor.u32 s13, s10  }
0x1a: {  	s16 =	sshll.u32 s17, $0x4;
	s17 =	sshrl.u32 s13, $0x3;
	s30 =	ssub.s32 s14, s25  }
0x1b: {  	s14 =	sshrl.u32 s11, $0x3;
	s18 =	sadd.s32 s6, s17;
	s2 =	sand.u32 $0xFFE0, s30  }
0x1c: {  	s25 =	sadd.s32 s7, s17;
	[dreg:$0x6] =	wrdreg s18;
	s2 =	sadd.s32 s2, s3  }
0x1d: {  	v0 =	vimm.f32 $0.0e+00;
	v1 =	vimm.s32 $0x0;
	v2 =	vimm.s32 $0x1;
	s11 =	sadd.s32 s8, s14;
	[dreg:$0xb] =	wrdreg s25;
	s2 =	sshll.u32 s2, $0x7  }
.Ltmp0:
0x1e: {  	v3 =	vimm.s32 $0x2;
	v4 =	vimm.s32 $0x3;
	v5 =	vimm.s32 $0x4;
	s30 =	sshra.s32 s23, $0x2;
	s2 =	sor.u32 s16, s2;
	(pc) =	sbr.rel .LBB2_1-.Ltmp0, $4  }
0x1f: {  	v6 =	vimm.s32 $0x5;
	v7 =	vimm.s32 $0x6;
	v8 =	vimm.s32 $0x7;
	s23 =	simm.s32 $0x133D0;
	s20 =	sadd.s32 $0x30D40, s11;
	s2 =	sshrl.u32 s2, $0x3  }
0x20: {  	v9 =	vimm.s32 $0x8;
	v10 =	vimm.s32 $0x9;
	v11 =	vimm.s32 $0xA;
	s25 =	simm.s32 $0x12D90;
	[dreg:$0x7] =	wrdreg s20;
	s21 =	sadd.s32 s6, s2  }
0x21: {  	v12 =	vimm.s32 $0xB;
	v13 =	vimm.s32 $0xC;
	v14 =	vimm.s32 $0xD;
	s3 =	simm.s32 $0xF550;
	s2 =	sadd.s32 s7, s2;
	[dreg:$0x8] =	wrdreg s21  }
0x22: {  	v15 =	vimm.s32 $0xE;
	v16 =	vimm.s32 $0xF;
	v17 =	vlaneseq.u32;
	[dreg:$0xc] =	wrdreg s2;
	s21 =	sadd.s32 s30, s4;
	s2 =	simm.s32 $0x1  }
.LBB2_27:
0x23: {  	[bflag:$0x0] =	sbarrier.arrive $0xFFFF  }
0x24: {  	s9 =	rddreg [dreg:$0xd]  }
0x25: {  	[hbm:s9], [sflag:s14] =	dma.local [spmem:s15], $0x1880  }
0x26: {  	_ =	swait.ge [sflag:s22], $0x1880  }
0x27: {  	s24 =	sadd.s32 $0x1, s24;
	s30 =	rddreg [dreg:$0xe]  }
0x28: {  	p0 =	sne.s32 s24, s30  }
.Ltmp1:
0x29: {  	_ = 	snop;
	(pc) =	sbr.rel @!p0 .LBB2_28-.Ltmp1, $3  }
0x2a: {  	_ =	sdelay $0x1  }
0x2b: {  	[sflag:s22] =	ssyncset.done $0x0  }
0x2c: {  	[sflag:s22] =	ssyncadd.s32 $0xFFFFE780  }
.LBB2_1:
0x2d: {  	s9 =	rddreg [dreg:$0x0]  }
0x2e: {  	[tilespmem:s5], [sflag:$0x3] =	stream.linear.gather [hbm4b:s9+s5], $0xC350, $0x38;
	[tilespmem:$0x1FDF0] =	vst v63  }
0x2f: {  	_ =	swait.ge [sflag:s22], $0xC350  }
0x30: {  	[sflag:s22] =	ssyncset.done $0x0  }
0x31: {  	s14 =	simm.s32 $0x0;
	[sflag:s22] =	ssyncadd.s32 $0xFFFF3CB0  }
.LBB2_2:
0x32: {  	p0 =	sne.s32 s14, $0x1840  }
.Ltmp2:
0x33: {  	_ = 	snop;
	(pc) =	sbr.rel @p0 .LBB2_2-.Ltmp2, $3  }
0x34: {  	_ =	sdelay $0x1  }
0x35: {  	s15 =	sshra.s32 s14, $0x2  }
0x36: {  	s14 =	sadd.s32 $0x40, s14;
	[tilespmem:s15+$0x133D0] =	vst v0  }
0x37: {  	s14 =	sadd.s32 $0x0, s21  }
0x38: {  	[spmem:s14] =	stream.linear.scatter [tilespmem:s23], [sflag:$0x3], $0x620, $0x38;
	[tilespmem:$0x1FDF0] =	vst v63  }
0x39: {  	s14 =	simm.s32 $0x1880;
	_ =	swait.ge [sflag:s22], $0x620  }
.LBB2_4:
0x3a: {  	s15 =	sshra.s32 s14, $0x2;
	[sflag:s22] =	ssyncset.done $0x0;
	p0 =	sne.s32 s14, $0x2F780  }
.Ltmp3:
0x3b: {  	s15 =	sadd.s32 s15, s21;
	[sflag:s22] =	ssyncadd.s32 $0xFFFFF9E0;
	(pc) =	sbr.rel @p0 .LBB2_4-.Ltmp3, $3  }
0x3c: {  	[spmem:s15] =	stream.linear.scatter [tilespmem:s23], [sflag:$0x3], $0x620, $0x38;
	[tilespmem:$0x1FDF0] =	vst v63  }
0x3d: {  	s14 =	sadd.s32 $0x1880, s14;
	_ =	sdelay $0x1  }
0x3e: {  	_ =	swait.ge [sflag:s22], $0x620  }
0x3f: {  	[sflag:s22] =	ssyncset.done $0x0  }
0x40: {  	[sflag:s22] =	ssyncadd.s32 $0xFFFFF9E0  }
0x41: {  	[bflag:$0x0] =	sbarrier.arrive $0xFFFF  }
0x42: {  	s14 =	simm.s32 $0x0;
	s10 =	simm.s32 $0x12750;
	s9 =	rddreg [dreg:$0x4]  }
0x43: {  	[tilespmem:s10], [sflag:$0x1] =	stream.linear.gather [hbm4b:s9+s14], $0x320, $0x38;
	[tilespmem:$0x1FDF0] =	vst v63  }
0x44: {  	s17 =	rddreg [dreg:$0x5]  }
0x45: {  	[tilespmem:s25], [sflag:$0x1] =	stream.linear.gather [hbm4b:s17+s14], $0x320, $0x38;
	[tilespmem:$0x1FDF0] =	vst v63  }
0x46: {  	s19 =	simm.s32 $0x10;
	s18 =	rddreg [dreg:$0x6]  }
0x47: {  	[tilespmem:s29], [sflag:$0x1] =	stream.strided.gather [hbm4b:s18+s19], $0x3200, s28, s19, $0x38;
	[tilespmem:$0x1FDF0] =	vst v63  }
0x48: {  	s20 =	simm.s32 $0x12A70  }
0x49: {  	[tilespmem:s20], [sflag:$0x2] =	stream.linear.gather [hbm4b:s11+s14], $0x320, $0x38;
	[tilespmem:$0x1FDF0] =	vst v63  }
.Ltmp4:
0x4a: {  	_ = 	snop;
	(pc) =	sbr.rel .LBB2_6-.Ltmp4, $4  }
0x4b: {  	s26 =	rddreg [dreg:$0x7]  }
0x4c: {  	[tilespmem:s31], [sflag:$0x2] =	stream.linear.gather [hbm4b:s26+s14], $0x320, $0x38;
	[tilespmem:$0x1FDF0] =	vst v63  }
0x4d: {  	s30 =	rddreg [dreg:$0x8]  }
0x4e: {  	[tilespmem:s3], [sflag:$0x2] =	stream.strided.gather [hbm4b:s30+s19], $0x3200, s28, s19, $0x38;
	[tilespmem:$0x1FDF0] =	vst v63  }
.LBB2_14:
0x4f: {  	s14 =	sadd.s32 $0x1, s14  }
0x50: {  	p0 =	sne.s32 s14, $0x20  }
.Ltmp5:
0x51: {  	_ = 	snop;
	(pc) =	sbr.rel @!p0 .LBB2_15-.Ltmp5, $1  }
0x52: {  	_ =	sdelay $0x3  }
.LBB2_6:
0x53: {  	s15 =	sshll.u32 s14, $0x6  }
0x54: {  	s15 =	sor.u32 s1, s15  }
0x55: {  	p0 =	sgt.u32 s15, $0x7CF  }
.Ltmp6:
0x56: {  	_ = 	snop;
	(pc) =	sbr.rel @p0 .LBB2_10-.Ltmp6, $1  }
0x57: {  	_ =	sdelay $0x3  }
0x58: {  	_ =	swait.ge [sflag:s2], $0x320  }
0x59: {  	[sflag:s2] =	ssyncset.done $0x0  }
0x5a: {  	[sflag:s2] =	ssyncadd.s32 $0xFFFFFCE0  }
0x5b: {  	_ =	swait.ge [sflag:s2], $0x320  }
0x5c: {  	[sflag:s2] =	ssyncset.done $0x0  }
0x5d: {  	[sflag:s2] =	ssyncadd.s32 $0xFFFFFCE0  }
0x5e: {  	_ =	swait.ge [sflag:s2], $0x3200  }
0x5f: {  	[sflag:s2] =	ssyncset.done $0x0  }
0x60: {  	s16 =	simm.s32 $0x0;
	[sflag:s2] =	ssyncadd.s32 $0xFFFFCE00  }
0x61: {  	v18 =	vld [tilespmem:s16+$0x12750];
	_ =	sdelay $0x7  }
0x62: {  	v18 =	vld.idx.msk [tilespmem:v18+s5+$0x0], $0xffff  }
0x63: {  	s16 =	simm.s32 $0xC3D0  }
0x64: {  	v19 =	vld [tilespmem:s16+$0xFFFFFF80]  }
0x65: {  	v20 =	vld [tilespmem:s16+$0xFFFFFF90]  }
0x66: {  	v21 =	vld [tilespmem:s16+$0xFFFFFFA0]  }
0x67: {  	v22 =	vld [tilespmem:s16+$0xFFFFFFB0];
	v23 =	vperm.xlane v18, v1  }
0x68: {  	v26 =	vld [tilespmem:s16+$0xFFFFFFD0];
	v24 =	vperm.xlane v18, v2  }
0x69: {  	v46 =	vld [tilespmem:s16+$0xFFFFFFE0];
	v27 =	vperm.xlane v18, v3;
	v19 =	vmul.f32 v19, v23  }
0x6a: {  	v25 =	vld [tilespmem:s16+$0xFFFFFFC0];
	v45 =	vperm.xlane v18, v4;
	v20 =	vmul.f32 v20, v24  }
0x6b: {  	v49 =	vld [tilespmem:s16+$0x10];
	v47 =	vperm.xlane v18, v6;
	v21 =	vmul.f32 v21, v27;
	[tilespmem:s16+$0xFFFFFF80] =	vst v19  }
0x6c: {  	v59 =	vld [tilespmem:s16+$0x60];
	v29 =	vperm.xlane v18, v7;
	v22 =	vmul.f32 v22, v45;
	[tilespmem:s16+$0xFFFFFF90] =	vst v20  }
0x6d: {  	v28 =	vld [tilespmem:s16+$0xFFFFFFF0];
	v23 =	vmul.f32 v26, v47;
	v19 =	vperm.xlane v18, v5;
	[tilespmem:s16+$0xFFFFFFA0] =	vst v21  }
0x6e: {  	v48 =	vld [tilespmem:s16+$0x0];
	v53 =	vperm.xlane v18, v10;
	v24 =	vmul.f32 v46, v29;
	[tilespmem:s16+$0xFFFFFFB0] =	vst v22  }
0x6f: {  	v52 =	vld [tilespmem:s16+$0x30];
	v62 =	vperm.xlane v18, v15;
	[tilespmem:s16+$0xFFFFFFD0] =	vst v23;
	v19 =	vmul.f32 v25, v19  }
0x70: {  	v55 =	vld [tilespmem:s16+$0x50];
	v50 =	vperm.xlane v18, v8;
	v58 =	vmul.f32 v49, v53;
	[tilespmem:s16+$0xFFFFFFE0] =	vst v24  }
0x71: {  	v51 =	vld [tilespmem:s16+$0x20];
	v63 =	vmul.f32 v59, v62;
	[tilespmem:s16+$0xFFFFFFC0] =	vst v19;
	v19 =	vperm.xlane v18, v9  }
0x72: {  	v54 =	vld [tilespmem:s16+$0x40];
	v57 =	vperm.xlane v18, v12;
	v21 =	vmul.f32 v28, v50;
	[tilespmem:s16+$0x10] =	vst v58  }
0x73: {  	v60 =	vld [tilespmem:s16+$0x70];
	v61 =	vperm.xlane v18, v14;
	[tilespmem:s16+$0x60] =	vst v63;
	v19 =	vmul.f32 v48, v19  }
0x74: {  	v56 =	vperm.xlane v18, v11;
	v20 =	vmul.f32 v52, v57;
	[tilespmem:s16+$0xFFFFFFF0] =	vst v21  }
0x75: {  	v22 =	vmul.f32 v55, v61;
	[tilespmem:s16+$0x0] =	vst v19;
	v19 =	vperm.xlane v18, v13  }
0x76: {  	v25 =	vmul.f32 v51, v56;
	[tilespmem:s16+$0x30] =	vst v20;
	v18 =	vperm.xlane v18, v16  }
0x77: {  	[tilespmem:s16+$0x50] =	vst v22;
	v19 =	vmul.f32 v54, v19  }
0x78: {  	[tilespmem:s16+$0x20] =	vst v25;
	v18 =	vmul.f32 v60, v18  }
0x79: {  	[tilespmem:s16+$0x40] =	vst v19  }
0x7a: {  	s18 =	simm.s32 $0x10;
	s17 =	simm.s32 $0x80;
	[tilespmem:s16+$0x70] =	vst v18  }
.LBB2_8:
0x7b: {  	p0 =	sne.s32 s17, $0xC40;
	v18 =	vld [tilespmem:s18+$0x12750];
	_ =	sdelay $0x7  }
0x7c: {  	s16 =	sadd.s32 $0x100, s16;
	v18 =	vld.idx.msk [tilespmem:v18+s5+$0x0], $0xffff  }
0x7d: {  	v19 =	vld [tilespmem:s16+$0xFFFFFFB0]  }
0x7e: {  	v20 =	vld [tilespmem:s16+$0xFFFFFF90]  }
0x7f: {  	v21 =	vld [tilespmem:s16+$0xFFFFFF80]  }
0x80: {  	v22 =	vld [tilespmem:s16+$0xFFFFFFA0]  }
0x81: {  	v23 =	vld [tilespmem:s16+$0xFFFFFFF0]  }
0x82: {  	v24 =	vperm.xlane v18, v1;
	v25 =	vperm.xlane v18, v2;
	v26 =	vld [tilespmem:s16+$0xFFFFFFD0]  }
0x83: {  	v27 =	vperm.xlane v18, v3;
	v28 =	vperm.xlane v18, v4;
	v29 =	vld [tilespmem:s16+$0xFFFFFFC0]  }
0x84: {  	v20 =	vmul.f32 v20, v25;
	v21 =	vmul.f32 v21, v24;
	v24 =	vld [tilespmem:s16+$0xFFFFFFE0]  }
0x85: {  	v19 =	vmul.f32 v19, v28;
	v22 =	vmul.f32 v22, v27;
	v25 =	vld [tilespmem:s16+$0x30]  }
0x86: {  	v27 =	vperm.xlane v18, v6;
	[tilespmem:s16+$0xFFFFFF80] =	vst v21;
	v21 =	vperm.xlane v18, v5;
	v28 =	vld [tilespmem:s16+$0x10]  }
0x87: {  	v30 =	vperm.xlane v18, v8;
	[tilespmem:s16+$0xFFFFFF90] =	vst v20;
	v20 =	vperm.xlane v18, v7;
	v31 =	vld [tilespmem:s16+$0x0]  }
0x88: {  	[tilespmem:s16+$0xFFFFFFA0] =	vst v22;
	v21 =	vmul.f32 v29, v21;
	v22 =	vmul.f32 v26, v27;
	v26 =	vld [tilespmem:s16+$0x20]  }
0x89: {  	[tilespmem:s16+$0xFFFFFFB0] =	vst v19;
	v19 =	vmul.f32 v24, v20;
	v20 =	vmul.f32 v23, v30;
	v23 =	vld [tilespmem:s16+$0x70]  }
0x8a: {  	v24 =	vperm.xlane v18, v10;
	[tilespmem:s16+$0xFFFFFFC0] =	vst v21;
	v21 =	vperm.xlane v18, v9;
	v27 =	vld [tilespmem:s16+$0x50]  }
0x8b: {  	v29 =	vperm.xlane v18, v12;
	[tilespmem:s16+$0xFFFFFFD0] =	vst v22;
	v22 =	vperm.xlane v18, v11;
	v30 =	vld [tilespmem:s16+$0x40]  }
0x8c: {  	[tilespmem:s16+$0xFFFFFFE0] =	vst v19;
	v19 =	vmul.f32 v31, v21;
	v21 =	vmul.f32 v28, v24;
	v24 =	vld [tilespmem:s16+$0x60]  }
0x8d: {  	[tilespmem:s16+$0xFFFFFFF0] =	vst v20;
	v20 =	vmul.f32 v26, v22;
	v22 =	vmul.f32 v25, v29  }
0x8e: {  	v25 =	vperm.xlane v18, v14;
	[tilespmem:s16+$0x0] =	vst v19;
	v19 =	vperm.xlane v18, v13  }
0x8f: {  	[tilespmem:s16+$0x10] =	vst v21;
	v21 =	vperm.xlane v18, v15;
	v18 =	vperm.xlane v18, v16  }
0x90: {  	[tilespmem:s16+$0x20] =	vst v20;
	v19 =	vmul.f32 v30, v19;
	v20 =	vmul.f32 v27, v25  }
.Ltmp7:
0x91: {  	[tilespmem:s16+$0x30] =	vst v22;
	v21 =	vmul.f32 v24, v21;
	v18 =	vmul.f32 v23, v18;
	(pc) =	sbr.rel @p0 .LBB2_8-.Ltmp7, $4  }
0x92: {  	[tilespmem:s16+$0x40] =	vst v19  }
0x93: {  	[tilespmem:s16+$0x50] =	vst v20  }
0x94: {  	[tilespmem:s16+$0x60] =	vst v21  }
0x95: {  	s18 =	sshra.s32 s17, $0x2;
	s17 =	sadd.s32 $0x40, s17;
	[tilespmem:s16+$0x70] =	vst v18  }
0x96: {  	v18 =	vld [tilespmem:s18+$0x12750];
	_ =	sdelay $0x7  }
0x97: {  	v18 =	vld.idx.msk [tilespmem:v18+s5+$0x0], $0xffff  }
0x98: {  	s16 =	sadd.s32 $0x100, s16  }
0x99: {  	v19 =	vld [tilespmem:s16+$0xFFFFFF80]  }
0x9a: {  	v20 =	vld [tilespmem:s16+$0xFFFFFF90]  }
0x9b: {  	v21 =	vld [tilespmem:s16+$0xFFFFFFA0]  }
0x9c: {  	v22 =	vld [tilespmem:s16+$0xFFFFFFB0];
	v23 =	vperm.xlane v18, v1  }
0x9d: {  	v26 =	vld [tilespmem:s16+$0xFFFFFFD0];
	v24 =	vperm.xlane v18, v2  }
0x9e: {  	v46 =	vld [tilespmem:s16+$0xFFFFFFE0];
	v27 =	vperm.xlane v18, v3;
	v19 =	vmul.f32 v19, v23  }
0x9f: {  	v25 =	vld [tilespmem:s16+$0xFFFFFFC0];
	v45 =	vperm.xlane v18, v4;
	v20 =	vmul.f32 v20, v24  }
0xa0: {  	v49 =	vld [tilespmem:s16+$0x10];
	v47 =	vperm.xlane v18, v6;
	v21 =	vmul.f32 v21, v27;
	[tilespmem:s16+$0xFFFFFF80] =	vst v19  }
0xa1: {  	v59 =	vld [tilespmem:s16+$0x60];
	v29 =	vperm.xlane v18, v7;
	v22 =	vmul.f32 v22, v45;
	[tilespmem:s16+$0xFFFFFF90] =	vst v20  }
0xa2: {  	v28 =	vld [tilespmem:s16+$0xFFFFFFF0];
	v23 =	vmul.f32 v26, v47;
	v19 =	vperm.xlane v18, v5;
	[tilespmem:s16+$0xFFFFFFA0] =	vst v21  }
0xa3: {  	v48 =	vld [tilespmem:s16+$0x0];
	v53 =	vperm.xlane v18, v10;
	v24 =	vmul.f32 v46, v29;
	[tilespmem:s16+$0xFFFFFFB0] =	vst v22  }
0xa4: {  	v52 =	vld [tilespmem:s16+$0x30];
	v62 =	vperm.xlane v18, v15;
	[tilespmem:s16+$0xFFFFFFD0] =	vst v23;
	v19 =	vmul.f32 v25, v19  }
0xa5: {  	v55 =	vld [tilespmem:s16+$0x50];
	v50 =	vperm.xlane v18, v8;
	v58 =	vmul.f32 v49, v53;
	[tilespmem:s16+$0xFFFFFFE0] =	vst v24  }
0xa6: {  	v51 =	vld [tilespmem:s16+$0x20];
	v63 =	vmul.f32 v59, v62;
	[tilespmem:s16+$0xFFFFFFC0] =	vst v19;
	v19 =	vperm.xlane v18, v9  }
0xa7: {  	v54 =	vld [tilespmem:s16+$0x40];
	v57 =	vperm.xlane v18, v12;
	v21 =	vmul.f32 v28, v50;
	[tilespmem:s16+$0x10] =	vst v58  }
0xa8: {  	p0 =	sgt.u32 s15, $0x78F;
	v60 =	vld [tilespmem:s16+$0x70];
	v61 =	vperm.xlane v18, v14;
	[tilespmem:s16+$0x60] =	vst v63;
	v19 =	vmul.f32 v48, v19  }
0xa9: {  	s17 =	smul.u32 @!p0 $0x320, s15;
	v56 =	vperm.xlane v18, v11;
	v20 =	vmul.f32 v52, v57;
	[tilespmem:s16+$0xFFFFFFF0] =	vst v21  }
0xaa: {  	v22 =	vmul.f32 v55, v61;
	[tilespmem:s16+$0x0] =	vst v19;
	v19 =	vperm.xlane v18, v13  }
0xab: {  	s18 =	sadd.s32 @!p0 $0xC800, s17;
	v25 =	vmul.f32 v51, v56;
	[tilespmem:s16+$0x30] =	vst v20;
	v18 =	vperm.xlane v18, v16  }
0xac: {  	s19 =	smulhi.u32 @!p0 $0x51EB851F, s18;
	[tilespmem:s16+$0x50] =	vst v22;
	v19 =	vmul.f32 v54, v19  }
0xad: {  	[tilespmem:s16+$0x20] =	vst v25;
	v18 =	vmul.f32 v60, v18  }
0xae: {  	s19 =	sshrl.u32 @!p0 s19, $0xC;
	[tilespmem:s16+$0x40] =	vst v19  }
0xaf: {  	[tilespmem:s16+$0x70] =	vst v18;
	s16 =	smul.u32 @!p0 $0x3200, s19  }
0xb0: {  	[spmem:s4] =	stream.indirect.scatter.add.f32 [tilespmem:s29], [sflag:$0x3], $0x10, s25, s0, $0xb8;
	[tilespmem:$0x1FDF0] =	vst v63  }
0xb1: {  	s16 =	ssub.s32 @!p0 s18, s16  }
0xb2: {  	s20 =	smul.u32 @!p0 $0x147B, s16  }
0xb3: {  	s10 =	simm.s32 @!p0 $0x0;
	s13 =	simm.s32 @!p0 $0x12750;
	_ =	swait.ge [sflag:s22], $0x3200  }
0xb4: {  	s18 =	sshrl.u32 @!p0 s18, $0x3;
	[sflag:s22] =	ssyncset.done $0x0;
	s20 =	sshrl.u32 @!p0 s20, $0x17  }
0xb5: {  	s18 =	sadd.s32 @!p0 s8, s18;
	[sflag:s22] =	ssyncadd.s32 $0xFFFFCE00;
	s30 =	smul.u32 @!p0 $0x640, s20  }
0xb6: {  	[tilespmem:s13], [sflag:$0x1] =	stream.linear.gather @!p0 [hbm4b:s18+s10], $0x320, $0x38;
	[tilespmem:$0x1FDF0] =	vst v63  }
0xb7: {  	s13 =	ssub.s32 @!p0 s16, s30;
	s16 =	sshrl.u32 @!p0 s17, $0x3  }
0xb8: {  	s18 =	simm.s32 @!p0 $0x12D90;
	s16 =	sadd.s32 @!p0 s8, s16  }
0xb9: {  	s17 =	smul.u32 @!p0 $0x640, s19;
	s13 =	sand.u32 @!p0 $0xFFE0, s13;
	s16 =	sadd.s32 @!p0 $0x32640, s16  }
0xba: {  	[tilespmem:s18], [sflag:$0x1] =	stream.linear.gather @!p0 [hbm4b:s16+s10], $0x320, $0x38;
	[tilespmem:$0x1FDF0] =	vst v63  }
0xbb: {  	s10 =	sadd.s32 @!p0 s13, s17;
	s13 =	sshll.u32 @!p0 s20, $0x1  }
0xbc: {  	s16 =	simm.s32 @!p0 $0x80;
	s10 =	sshll.u32 @!p0 s10, $0x4;
	s13 =	sadd.s32 @!p0 s13, s6  }
0xbd: {  	s17 =	simm.s32 @!p0 $0xC350;
	s10 =	sadd.s32 @!p0 s10, s13;
	s13 =	simm.s32 @!p0 $0x10  }
0xbe: {  	[tilespmem:s17], [sflag:$0x1] =	stream.strided.gather @!p0 [hbm4b:s10+s13], $0x3200, s16, s13, $0x38;
	[tilespmem:$0x1FDF0] =	vst v63  }
.LBB2_10:
0xbf: {  	s15 =	sor.u32 $0x20, s15  }
0xc0: {  	p0 =	sgt.u32 s15, $0x7CF  }
.Ltmp8:
0xc1: {  	_ = 	snop;
	(pc) =	sbr.rel @p0 .LBB2_14-.Ltmp8, $1  }
0xc2: {  	_ =	sdelay $0x3  }
0xc3: {  	_ =	swait.ge [sflag:s12], $0x320  }
0xc4: {  	[sflag:s12] =	ssyncset.done $0x0  }
0xc5: {  	[sflag:s12] =	ssyncadd.s32 $0xFFFFFCE0  }
0xc6: {  	_ =	swait.ge [sflag:s12], $0x320  }
0xc7: {  	[sflag:s12] =	ssyncset.done $0x0  }
0xc8: {  	[sflag:s12] =	ssyncadd.s32 $0xFFFFFCE0  }
0xc9: {  	_ =	swait.ge [sflag:s12], $0x3200  }
0xca: {  	[sflag:s12] =	ssyncset.done $0x0  }
0xcb: {  	s10 =	simm.s32 $0x0;
	[sflag:s12] =	ssyncadd.s32 $0xFFFFCE00  }
0xcc: {  	v18 =	vld [tilespmem:s10+$0x12A70];
	_ =	sdelay $0x7  }
0xcd: {  	v18 =	vld.idx.msk [tilespmem:v18+s5+$0x0], $0xffff  }
0xce: {  	s16 =	simm.s32 $0xF5D0  }
0xcf: {  	v19 =	vld [tilespmem:s16+$0xFFFFFF80]  }
0xd0: {  	v20 =	vld [tilespmem:s16+$0xFFFFFF90]  }
0xd1: {  	v21 =	vld [tilespmem:s16+$0xFFFFFFA0]  }
0xd2: {  	v22 =	vld [tilespmem:s16+$0xFFFFFFB0];
	v23 =	vperm.xlane v18, v1  }
0xd3: {  	v26 =	vld [tilespmem:s16+$0xFFFFFFD0];
	v24 =	vperm.xlane v18, v2  }
0xd4: {  	v46 =	vld [tilespmem:s16+$0xFFFFFFE0];
	v27 =	vperm.xlane v18, v3;
	v19 =	vmul.f32 v19, v23  }
0xd5: {  	v25 =	vld [tilespmem:s16+$0xFFFFFFC0];
	v45 =	vperm.xlane v18, v4;
	v20 =	vmul.f32 v20, v24  }
0xd6: {  	v49 =	vld [tilespmem:s16+$0x10];
	v47 =	vperm.xlane v18, v6;
	v21 =	vmul.f32 v21, v27;
	[tilespmem:s16+$0xFFFFFF80] =	vst v19  }
0xd7: {  	v59 =	vld [tilespmem:s16+$0x60];
	v29 =	vperm.xlane v18, v7;
	v22 =	vmul.f32 v22, v45;
	[tilespmem:s16+$0xFFFFFF90] =	vst v20  }
0xd8: {  	v28 =	vld [tilespmem:s16+$0xFFFFFFF0];
	v23 =	vmul.f32 v26, v47;
	v19 =	vperm.xlane v18, v5;
	[tilespmem:s16+$0xFFFFFFA0] =	vst v21  }
0xd9: {  	v48 =	vld [tilespmem:s16+$0x0];
	v53 =	vperm.xlane v18, v10;
	v24 =	vmul.f32 v46, v29;
	[tilespmem:s16+$0xFFFFFFB0] =	vst v22  }
0xda: {  	v52 =	vld [tilespmem:s16+$0x30];
	v62 =	vperm.xlane v18, v15;
	[tilespmem:s16+$0xFFFFFFD0] =	vst v23;
	v19 =	vmul.f32 v25, v19  }
0xdb: {  	v55 =	vld [tilespmem:s16+$0x50];
	v50 =	vperm.xlane v18, v8;
	v58 =	vmul.f32 v49, v53;
	[tilespmem:s16+$0xFFFFFFE0] =	vst v24  }
0xdc: {  	v51 =	vld [tilespmem:s16+$0x20];
	v63 =	vmul.f32 v59, v62;
	[tilespmem:s16+$0xFFFFFFC0] =	vst v19;
	v19 =	vperm.xlane v18, v9  }
0xdd: {  	v54 =	vld [tilespmem:s16+$0x40];
	v57 =	vperm.xlane v18, v12;
	v21 =	vmul.f32 v28, v50;
	[tilespmem:s16+$0x10] =	vst v58  }
0xde: {  	v60 =	vld [tilespmem:s16+$0x70];
	v61 =	vperm.xlane v18, v14;
	[tilespmem:s16+$0x60] =	vst v63;
	v19 =	vmul.f32 v48, v19  }
0xdf: {  	v56 =	vperm.xlane v18, v11;
	v20 =	vmul.f32 v52, v57;
	[tilespmem:s16+$0xFFFFFFF0] =	vst v21  }
0xe0: {  	v22 =	vmul.f32 v55, v61;
	[tilespmem:s16+$0x0] =	vst v19;
	v19 =	vperm.xlane v18, v13  }
0xe1: {  	v25 =	vmul.f32 v51, v56;
	[tilespmem:s16+$0x30] =	vst v20;
	v18 =	vperm.xlane v18, v16  }
0xe2: {  	[tilespmem:s16+$0x50] =	vst v22;
	v19 =	vmul.f32 v54, v19  }
0xe3: {  	[tilespmem:s16+$0x20] =	vst v25;
	v18 =	vmul.f32 v60, v18  }
0xe4: {  	[tilespmem:s16+$0x40] =	vst v19  }
0xe5: {  	s18 =	simm.s32 $0x10;
	s17 =	simm.s32 $0x80;
	[tilespmem:s16+$0x70] =	vst v18  }
.LBB2_12:
0xe6: {  	p0 =	sne.s32 s17, $0xC40;
	v18 =	vld [tilespmem:s18+$0x12A70];
	_ =	sdelay $0x7  }
0xe7: {  	s16 =	sadd.s32 $0x100, s16;
	v18 =	vld.idx.msk [tilespmem:v18+s5+$0x0], $0xffff  }
0xe8: {  	v19 =	vld [tilespmem:s16+$0xFFFFFFB0]  }
0xe9: {  	v20 =	vld [tilespmem:s16+$0xFFFFFF90]  }
0xea: {  	v21 =	vld [tilespmem:s16+$0xFFFFFF80]  }
0xeb: {  	v22 =	vld [tilespmem:s16+$0xFFFFFFA0]  }
0xec: {  	v23 =	vld [tilespmem:s16+$0xFFFFFFF0]  }
0xed: {  	v24 =	vperm.xlane v18, v1;
	v25 =	vperm.xlane v18, v2;
	v26 =	vld [tilespmem:s16+$0xFFFFFFD0]  }
0xee: {  	v27 =	vperm.xlane v18, v3;
	v28 =	vperm.xlane v18, v4;
	v29 =	vld [tilespmem:s16+$0xFFFFFFC0]  }
0xef: {  	v20 =	vmul.f32 v20, v25;
	v21 =	vmul.f32 v21, v24;
	v24 =	vld [tilespmem:s16+$0xFFFFFFE0]  }
0xf0: {  	v19 =	vmul.f32 v19, v28;
	v22 =	vmul.f32 v22, v27;
	v25 =	vld [tilespmem:s16+$0x30]  }
0xf1: {  	v27 =	vperm.xlane v18, v6;
	[tilespmem:s16+$0xFFFFFF80] =	vst v21;
	v21 =	vperm.xlane v18, v5;
	v28 =	vld [tilespmem:s16+$0x10]  }
0xf2: {  	v30 =	vperm.xlane v18, v8;
	[tilespmem:s16+$0xFFFFFF90] =	vst v20;
	v20 =	vperm.xlane v18, v7;
	v31 =	vld [tilespmem:s16+$0x0]  }
0xf3: {  	[tilespmem:s16+$0xFFFFFFA0] =	vst v22;
	v21 =	vmul.f32 v29, v21;
	v22 =	vmul.f32 v26, v27;
	v26 =	vld [tilespmem:s16+$0x20]  }
0xf4: {  	[tilespmem:s16+$0xFFFFFFB0] =	vst v19;
	v19 =	vmul.f32 v24, v20;
	v20 =	vmul.f32 v23, v30;
	v23 =	vld [tilespmem:s16+$0x70]  }
0xf5: {  	v24 =	vperm.xlane v18, v10;
	[tilespmem:s16+$0xFFFFFFC0] =	vst v21;
	v21 =	vperm.xlane v18, v9;
	v27 =	vld [tilespmem:s16+$0x50]  }
0xf6: {  	v29 =	vperm.xlane v18, v12;
	[tilespmem:s16+$0xFFFFFFD0] =	vst v22;
	v22 =	vperm.xlane v18, v11;
	v30 =	vld [tilespmem:s16+$0x40]  }
0xf7: {  	[tilespmem:s16+$0xFFFFFFE0] =	vst v19;
	v19 =	vmul.f32 v31, v21;
	v21 =	vmul.f32 v28, v24;
	v24 =	vld [tilespmem:s16+$0x60]  }
0xf8: {  	[tilespmem:s16+$0xFFFFFFF0] =	vst v20;
	v20 =	vmul.f32 v26, v22;
	v22 =	vmul.f32 v25, v29  }
0xf9: {  	v25 =	vperm.xlane v18, v14;
	[tilespmem:s16+$0x0] =	vst v19;
	v19 =	vperm.xlane v18, v13  }
0xfa: {  	[tilespmem:s16+$0x10] =	vst v21;
	v21 =	vperm.xlane v18, v15;
	v18 =	vperm.xlane v18, v16  }
0xfb: {  	[tilespmem:s16+$0x20] =	vst v20;
	v19 =	vmul.f32 v30, v19;
	v20 =	vmul.f32 v27, v25  }
.Ltmp9:
0xfc: {  	[tilespmem:s16+$0x30] =	vst v22;
	v21 =	vmul.f32 v24, v21;
	v18 =	vmul.f32 v23, v18;
	(pc) =	sbr.rel @p0 .LBB2_12-.Ltmp9, $4  }
0xfd: {  	[tilespmem:s16+$0x40] =	vst v19  }
0xfe: {  	[tilespmem:s16+$0x50] =	vst v20  }
0xff: {  	[tilespmem:s16+$0x60] =	vst v21  }
0x100: {  	s18 =	sshra.s32 s17, $0x2;
	s17 =	sadd.s32 $0x40, s17;
	[tilespmem:s16+$0x70] =	vst v18  }
0x101: {  	v18 =	vld [tilespmem:s18+$0x12A70];
	_ =	sdelay $0x7  }
0x102: {  	v18 =	vld.idx.msk [tilespmem:v18+s5+$0x0], $0xffff  }
0x103: {  	s16 =	sadd.s32 $0x100, s16  }
0x104: {  	v19 =	vld [tilespmem:s16+$0xFFFFFF80]  }
0x105: {  	v20 =	vld [tilespmem:s16+$0xFFFFFF90]  }
0x106: {  	v21 =	vld [tilespmem:s16+$0xFFFFFFA0]  }
0x107: {  	v22 =	vld [tilespmem:s16+$0xFFFFFFB0];
	v23 =	vperm.xlane v18, v1  }
0x108: {  	v26 =	vld [tilespmem:s16+$0xFFFFFFD0];
	v24 =	vperm.xlane v18, v2  }
0x109: {  	v46 =	vld [tilespmem:s16+$0xFFFFFFE0];
	v27 =	vperm.xlane v18, v3;
	v19 =	vmul.f32 v19, v23  }
0x10a: {  	v25 =	vld [tilespmem:s16+$0xFFFFFFC0];
	v45 =	vperm.xlane v18, v4;
	v20 =	vmul.f32 v20, v24  }
0x10b: {  	v49 =	vld [tilespmem:s16+$0x10];
	v47 =	vperm.xlane v18, v6;
	v21 =	vmul.f32 v21, v27;
	[tilespmem:s16+$0xFFFFFF80] =	vst v19  }
0x10c: {  	v59 =	vld [tilespmem:s16+$0x60];
	v29 =	vperm.xlane v18, v7;
	v22 =	vmul.f32 v22, v45;
	[tilespmem:s16+$0xFFFFFF90] =	vst v20  }
0x10d: {  	v28 =	vld [tilespmem:s16+$0xFFFFFFF0];
	v23 =	vmul.f32 v26, v47;
	v19 =	vperm.xlane v18, v5;
	[tilespmem:s16+$0xFFFFFFA0] =	vst v21  }
0x10e: {  	v48 =	vld [tilespmem:s16+$0x0];
	v53 =	vperm.xlane v18, v10;
	v24 =	vmul.f32 v46, v29;
	[tilespmem:s16+$0xFFFFFFB0] =	vst v22  }
0x10f: {  	v52 =	vld [tilespmem:s16+$0x30];
	v62 =	vperm.xlane v18, v15;
	[tilespmem:s16+$0xFFFFFFD0] =	vst v23;
	v19 =	vmul.f32 v25, v19  }
0x110: {  	v55 =	vld [tilespmem:s16+$0x50];
	v50 =	vperm.xlane v18, v8;
	v58 =	vmul.f32 v49, v53;
	[tilespmem:s16+$0xFFFFFFE0] =	vst v24  }
0x111: {  	v51 =	vld [tilespmem:s16+$0x20];
	v63 =	vmul.f32 v59, v62;
	[tilespmem:s16+$0xFFFFFFC0] =	vst v19;
	v19 =	vperm.xlane v18, v9  }
0x112: {  	v54 =	vld [tilespmem:s16+$0x40];
	v57 =	vperm.xlane v18, v12;
	v21 =	vmul.f32 v28, v50;
	[tilespmem:s16+$0x10] =	vst v58  }
0x113: {  	p0 =	sgt.u32 s15, $0x78F;
	v60 =	vld [tilespmem:s16+$0x70];
	v61 =	vperm.xlane v18, v14;
	[tilespmem:s16+$0x60] =	vst v63;
	v19 =	vmul.f32 v48, v19  }
0x114: {  	s10 =	smul.u32 @!p0 $0x320, s15;
	v56 =	vperm.xlane v18, v11;
	v20 =	vmul.f32 v52, v57;
	[tilespmem:s16+$0xFFFFFFF0] =	vst v21  }
0x115: {  	v22 =	vmul.f32 v55, v61;
	[tilespmem:s16+$0x0] =	vst v19;
	v19 =	vperm.xlane v18, v13  }
0x116: {  	s13 =	sadd.s32 @!p0 $0xC800, s10;
	v25 =	vmul.f32 v51, v56;
	[tilespmem:s16+$0x30] =	vst v20;
	v18 =	vperm.xlane v18, v16  }
0x117: {  	s15 =	smulhi.u32 @!p0 $0x51EB851F, s13;
	[tilespmem:s16+$0x50] =	vst v22;
	v19 =	vmul.f32 v54, v19  }
0x118: {  	[tilespmem:s16+$0x20] =	vst v25;
	v18 =	vmul.f32 v60, v18  }
0x119: {  	s15 =	sshrl.u32 @!p0 s15, $0xC;
	[tilespmem:s16+$0x40] =	vst v19  }
0x11a: {  	[tilespmem:s16+$0x70] =	vst v18;
	s16 =	smul.u32 @!p0 $0x3200, s15  }
0x11b: {  	[spmem:s4] =	stream.indirect.scatter.add.f32 [tilespmem:s3], [sflag:$0x3], $0x10, s31, s0, $0xb8;
	[tilespmem:$0x1FDF0] =	vst v63  }
0x11c: {  	s10 =	sshrl.u32 @!p0 s10, $0x3;
	s16 =	ssub.s32 @!p0 s13, s16  }
0x11d: {  	s19 =	simm.s32 @!p0 $0x0;
	s10 =	sadd.s32 @!p0 s8, s10;
	s17 =	smul.u32 @!p0 $0x147B, s16  }
0x11e: {  	s20 =	simm.s32 @!p0 $0x12A70;
	s10 =	sadd.s32 @!p0 $0x32640, s10;
	_ =	swait.ge [sflag:s22], $0x3200  }
0x11f: {  	s13 =	sshrl.u32 @!p0 s13, $0x3;
	[sflag:s22] =	ssyncset.done $0x0;
	s17 =	sshrl.u32 @!p0 s17, $0x17  }
0x120: {  	s13 =	sadd.s32 @!p0 s8, s13;
	[sflag:s22] =	ssyncadd.s32 $0xFFFFCE00;
	s18 =	smul.u32 @!p0 $0x640, s17  }
0x121: {  	[tilespmem:s20], [sflag:$0x2] =	stream.linear.gather @!p0 [hbm4b:s13+s19], $0x320, $0x38;
	[tilespmem:$0x1FDF0] =	vst v63  }
0x122: {  	s15 =	smul.u32 @!p0 $0x640, s15;
	s13 =	ssub.s32 @!p0 s16, s18;
	s16 =	simm.s32 @!p0 $0x130B0  }
0x123: {  	[tilespmem:s16], [sflag:$0x2] =	stream.linear.gather @!p0 [hbm4b:s10+s19], $0x320, $0x38;
	[tilespmem:$0x1FDF0] =	vst v63  }
.Ltmp10:
0x124: {  	s13 =	sand.u32 @!p0 $0xFFE0, s13;
	(pc) =	sbr.rel .LBB2_14-.Ltmp10, $4  }
0x125: {  	s10 =	sadd.s32 @!p0 s13, s15;
	s13 =	sshll.u32 @!p0 s17, $0x1  }
0x126: {  	s16 =	simm.s32 @!p0 $0xF550;
	s10 =	sshll.u32 @!p0 s10, $0x4;
	s13 =	sadd.s32 @!p0 s13, s6  }
0x127: {  	s15 =	simm.s32 @!p0 $0x80;
	s10 =	sadd.s32 @!p0 s10, s13;
	s13 =	simm.s32 @!p0 $0x10  }
0x128: {  	[tilespmem:s16], [sflag:$0x2] =	stream.strided.gather @!p0 [hbm4b:s10+s13], $0x3200, s15, s13, $0x38;
	[tilespmem:$0x1FDF0] =	vst v63  }
.LBB2_15:
0x129: {  	s9 =	stileid.u32;
	[bflag:$0x0] =	sbarrier.arrive $0xFFFF  }
0x12a: {  	s10 =	sshll.u32 s9, $0x6;
	s20 =	rddreg [dreg:$0xa]  }
0x12b: {  	s26 =	rddreg [dreg:$0x9];
	s14 =	sadd.s32 $0x1C03, s10;
	s15 =	sshrl.u32 s20, $0x3  }
0x12c: {  	[hbm:s26], [sflag:s14] =	dma.local [spmem:s15], $0x1880  }
0x12d: {  	_ =	swait.ge [sflag:s22], $0x1880  }
0x12e: {  	[sflag:s22] =	ssyncset.done $0x0  }
0x12f: {  	s30 =	sadd.s32 $0x0, s21;
	[sflag:s22] =	ssyncadd.s32 $0xFFFFE780  }
0x130: {  	[spmem:s30] =	stream.linear.scatter [tilespmem:s23], [sflag:$0x3], $0x620, $0x38;
	[tilespmem:$0x1FDF0] =	vst v63  }
0x131: {  	s16 =	simm.s32 $0x1880;
	_ =	swait.ge [sflag:s22], $0x620  }
.LBB2_16:
0x132: {  	s10 =	sshra.s32 s16, $0x2;
	[sflag:s22] =	ssyncset.done $0x0;
	p0 =	sne.s32 s16, $0x2F780  }
.Ltmp11:
0x133: {  	s10 =	sadd.s32 s10, s21;
	[sflag:s22] =	ssyncadd.s32 $0xFFFFF9E0;
	(pc) =	sbr.rel @p0 .LBB2_16-.Ltmp11, $3  }
0x134: {  	[spmem:s10] =	stream.linear.scatter [tilespmem:s23], [sflag:$0x3], $0x620, $0x38;
	[tilespmem:$0x1FDF0] =	vst v63  }
0x135: {  	s16 =	sadd.s32 $0x1880, s16;
	_ =	sdelay $0x1  }
0x136: {  	_ =	swait.ge [sflag:s22], $0x620  }
0x137: {  	[sflag:s22] =	ssyncset.done $0x0  }
0x138: {  	[sflag:s22] =	ssyncadd.s32 $0xFFFFF9E0  }
0x139: {  	[bflag:$0x0] =	sbarrier.arrive $0xFFFF  }
0x13a: {  	s16 =	simm.s32 $0x0;
	s10 =	simm.s32 $0x12750;
	s9 =	rddreg [dreg:$0x4]  }
0x13b: {  	[tilespmem:s10], [sflag:$0x1] =	stream.linear.gather [hbm4b:s9+s16], $0x320, $0x38;
	[tilespmem:$0x1FDF0] =	vst v63  }
0x13c: {  	s17 =	rddreg [dreg:$0x5]  }
0x13d: {  	[tilespmem:s25], [sflag:$0x1] =	stream.linear.gather [hbm4b:s17+s16], $0x320, $0x38;
	[tilespmem:$0x1FDF0] =	vst v63  }
0x13e: {  	s19 =	simm.s32 $0x10;
	s18 =	rddreg [dreg:$0xb]  }
0x13f: {  	[tilespmem:s29], [sflag:$0x1] =	stream.strided.gather [hbm4b:s18+s19], $0x3200, s28, s19, $0x38;
	[tilespmem:$0x1FDF0] =	vst v63  }
0x140: {  	s20 =	simm.s32 $0x12A70  }
0x141: {  	[tilespmem:s20], [sflag:$0x2] =	stream.linear.gather [hbm4b:s11+s16], $0x320, $0x38;
	[tilespmem:$0x1FDF0] =	vst v63  }
.Ltmp12:
0x142: {  	_ = 	snop;
	(pc) =	sbr.rel .LBB2_18-.Ltmp12, $4  }
0x143: {  	s26 =	rddreg [dreg:$0x7]  }
0x144: {  	[tilespmem:s31], [sflag:$0x2] =	stream.linear.gather [hbm4b:s26+s16], $0x320, $0x38;
	[tilespmem:$0x1FDF0] =	vst v63  }
0x145: {  	s30 =	rddreg [dreg:$0xc]  }
0x146: {  	[tilespmem:s3], [sflag:$0x2] =	stream.strided.gather [hbm4b:s30+s19], $0x3200, s28, s19, $0x38;
	[tilespmem:$0x1FDF0] =	vst v63  }
.LBB2_26:
0x147: {  	s16 =	sadd.s32 $0x1, s16  }
0x148: {  	p0 =	sne.s32 s16, $0x20  }
.Ltmp13:
0x149: {  	_ = 	snop;
	(pc) =	sbr.rel @!p0 .LBB2_27-.Ltmp13, $1  }
0x14a: {  	_ =	sdelay $0x3  }
.LBB2_18:
0x14b: {  	s10 =	sshll.u32 s16, $0x6  }
0x14c: {  	s17 =	sor.u32 s1, s10  }
0x14d: {  	p0 =	sgt.u32 s17, $0x7CF  }
.Ltmp14:
0x14e: {  	_ = 	snop;
	(pc) =	sbr.rel @p0 .LBB2_22-.Ltmp14, $1  }
0x14f: {  	_ =	sdelay $0x3  }
0x150: {  	_ =	swait.ge [sflag:s2], $0x320  }
0x151: {  	[sflag:s2] =	ssyncset.done $0x0  }
0x152: {  	[sflag:s2] =	ssyncadd.s32 $0xFFFFFCE0  }
0x153: {  	_ =	swait.ge [sflag:s2], $0x320  }
0x154: {  	[sflag:s2] =	ssyncset.done $0x0  }
0x155: {  	[sflag:s2] =	ssyncadd.s32 $0xFFFFFCE0  }
0x156: {  	_ =	swait.ge [sflag:s2], $0x3200  }
0x157: {  	s19 =	simm.s32 $0xC3D0;
	s20 =	simm.s32 $0x40;
	[sflag:s2] =	ssyncset.done $0x0  }
0x158: {  	s30 =	simm.s32 $0x0;
	s18 =	simm.s32 $0xC3D0;
	[sflag:s2] =	ssyncadd.s32 $0xFFFFCE00  }
.LBB2_20:
0x159: {  	p0 =	sne.s32 s20, $0xC40  }
0x15a: {  	v18 =	vld [tilespmem:s30+$0x12750];
	s19 =	sadd.s32 $0x100, s19;
	s10 =	smov.u32 s20;
	s20 =	sadd.s32 $0x40, s20  }
0x15b: {  	_ =	sdelay $0x6  }
0x15c: {  	v18 =	vld.idx.msk [tilespmem:v18+s5+$0x0], $0xffff;
	_ =	sdelay $0x2  }
0x15d: {  	v19 =	vld [tilespmem:s18+$0xFFFFFFF0]  }
0x15e: {  	v20 =	vld [tilespmem:s18+$0x50]  }
0x15f: {  	v21 =	vld [tilespmem:s18+$0xFFFFFFE0]  }
0x160: {  	v22 =	vperm.xlane v18, v2;
	v24 =	vperm.xlane v18, v14;
	v23 =	vld [tilespmem:s18+$0x20]  }
0x161: {  	vm0 =	veq.s32 v17, $0x8;
	v25 =	vperm.xlane v18, v4;
	v27 =	vperm.xlane v18, v11;
	v26 =	vld [tilespmem:s18+$0xFFFFFFB0]  }
0x162: {  	s30 =	sshra.s32 s10, $0x2;
	v28 =	vperm.xlane v18, v7;
	v29 =	vperm.xlane v18, v8;
	v24 =	vsel vm0, $0x3F800000, v24;
	v30 =	vld [tilespmem:s18+$0x30]  }
0x163: {  	v31 =	vperm.xlane v18, v1;
	v25 =	vsel vm0, $0x3F800000, v25;
	v32 =	vld [tilespmem:s18+$0xFFFFFF90];
	v20 =	vmul.f32 v24, v20  }
0x164: {  	v27 =	vsel vm0, $0x3F800000, v27;
	v24 =	vsel vm0, $0x3F800000, v28;
	v28 =	vperm.xlane v18, v12;
	v33 =	vld [tilespmem:s18+$0x70]  }
0x165: {  	v21 =	vmul.f32 v24, v21;
	v24 =	vsel vm0, $0x3F800000, v29;
	v34 =	vld [tilespmem:s18+$0xFFFFFF80];
	v23 =	vmul.f32 v27, v23  }
0x166: {  	v19 =	vmul.f32 v24, v19;
	v25 =	vmul.f32 v25, v26;
	v24 =	vld [tilespmem:s18+$0x0];
	v26 =	vsel vm0, $0x3F800000, v28;
	[tilespmem:s18+$0x50] =	vst v20  }
0x167: {  	v20 =	vsel vm0, $0x3F800000, v22;
	v22 =	vperm.xlane v18, v6;
	[tilespmem:s18+$0xFFFFFFE0] =	vst v21;
	v21 =	vmul.f32 v26, v30;
	v26 =	vld [tilespmem:s18+$0x40]  }
0x168: {  	v20 =	vmul.f32 v20, v32;
	[tilespmem:s18+$0xFFFFFFF0] =	vst v19;
	v19 =	vperm.xlane v18, v9;
	v27 =	vld [tilespmem:s18+$0x60]  }
0x169: {  	v28 =	vsel vm0, $0x3F800000, v31;
	v30 =	vperm.xlane v18, v16;
	v29 =	vld [tilespmem:s18+$0xFFFFFFC0];
	[tilespmem:s18+$0x20] =	vst v23;
	v23 =	vperm.xlane v18, v13  }
0x16a: {  	v31 =	vperm.xlane v18, v15;
	v28 =	vmul.f32 v28, v34;
	[tilespmem:s18+$0xFFFFFFB0] =	vst v25;
	v25 =	vld [tilespmem:s18+$0xFFFFFFD0];
	v19 =	vsel vm0, $0x3F800000, v19  }
0x16b: {  	v19 =	vmul.f32 v19, v24;
	v24 =	vld [tilespmem:s18+$0x10];
	[tilespmem:s18+$0x30] =	vst v21;
	v21 =	vsel vm0, $0x3F800000, v23;
	v23 =	vsel vm0, $0x3F800000, v30  }
0x16c: {  	[tilespmem:s18+$0xFFFFFF80] =	vst v28;
	v28 =	vld [tilespmem:s18+$0xFFFFFFA0];
	v21 =	vmul.f32 v21, v26;
	v26 =	vsel vm0, $0x3F800000, v31;
	v23 =	vmul.f32 v23, v33  }
0x16d: {  	v22 =	vsel vm0, $0x3F800000, v22;
	[tilespmem:s18+$0xFFFFFF90] =	vst v20;
	v20 =	vperm.xlane v18, v5;
	v26 =	vmul.f32 v26, v27  }
0x16e: {  	v27 =	vperm.xlane v18, v3;
	v18 =	vperm.xlane v18, v10;
	[tilespmem:s18+$0x70] =	vst v23  }
0x16f: {  	v20 =	vsel vm0, $0x3F800000, v20;
	v22 =	vmul.f32 v22, v25;
	[tilespmem:s18+$0x60] =	vst v26  }
0x170: {  	v23 =	vsel vm0, $0x3F800000, v27;
	v18 =	vsel vm0, $0x3F800000, v18;
	v20 =	vmul.f32 v20, v29;
	[tilespmem:s18+$0x0] =	vst v19  }
.Ltmp15:
0x171: {  	v18 =	vmul.f32 v18, v24;
	v19 =	vmul.f32 v23, v28;
	[tilespmem:s18+$0xFFFFFFD0] =	vst v22;
	(pc) =	sbr.rel @p0 .LBB2_20-.Ltmp15, $4  }
0x172: {  	[tilespmem:s18+$0xFFFFFFC0] =	vst v20  }
0x173: {  	[tilespmem:s18+$0x40] =	vst v21  }
0x174: {  	[tilespmem:s18+$0x10] =	vst v18  }
0x175: {  	[tilespmem:s18+$0xFFFFFFA0] =	vst v19;
	s18 =	smov.u32 s19  }
0x176: {  	v18 =	vld [tilespmem:s30+$0x12750];
	_ =	sdelay $0x7  }
0x177: {  	v18 =	vld.idx.msk [tilespmem:v18+s5+$0x0], $0xffff;
	_ =	sdelay $0x4  }
0x178: {  	v23 =	vperm.xlane v18, v14  }
0x179: {  	v20 =	vld [tilespmem:s18+$0x50];
	v25 =	vperm.xlane v18, v7;
	v26 =	vperm.xlane v18, v8  }
0x17a: {  	v21 =	vld [tilespmem:s18+$0xFFFFFFE0];
	v28 =	vperm.xlane v18, v4;
	v43 =	vperm.xlane v18, v11  }
0x17b: {  	v19 =	vld [tilespmem:s18+$0xFFFFFFF0];
	v45 =	vperm.xlane v18, v1;
	v47 =	vperm.xlane v18, v12  }
0x17c: {  	v24 =	vld [tilespmem:s18+$0xFFFFFFB0];
	v48 =	vperm.xlane v18, v2;
	v32 =	vperm.xlane v18, v16  }
0x17d: {  	v27 =	vld [tilespmem:s18+$0x30];
	v52 =	vperm.xlane v18, v15;
	v53 =	vperm.xlane v18, v9;
	v23 =	vsel vm0, $0x3F800000, v23  }
0x17e: {  	v41 =	vld [tilespmem:s18+$0x70];
	v56 =	vperm.xlane v18, v6;
	v40 =	vsel vm0, $0x3F800000, v25;
	v20 =	vmul.f32 v23, v20  }
0x17f: {  	v54 =	vld [tilespmem:s18+$0x10];
	v58 =	vperm.xlane v18, v5;
	v42 =	vsel vm0, $0x3F800000, v26;
	v21 =	vmul.f32 v40, v21  }
0x180: {  	v57 =	vld [tilespmem:s18+$0xFFFFFFA0];
	v59 =	vperm.xlane v18, v13;
	v28 =	vsel vm0, $0x3F800000, v28;
	v19 =	vmul.f32 v42, v19;
	[tilespmem:s18+$0x50] =	vst v20  }
0x181: {  	v44 =	vld [tilespmem:s18+$0x0];
	v60 =	vperm.xlane v18, v10;
	v26 =	vsel vm0, $0x3F800000, v47;
	v24 =	vmul.f32 v28, v24;
	[tilespmem:s18+$0xFFFFFFE0] =	vst v21  }
0x182: {  	v22 =	vld [tilespmem:s18+$0x20];
	v18 =	vperm.xlane v18, v3;
	v55 =	vsel vm0, $0x3F800000, v32;
	v26 =	vmul.f32 v26, v27;
	[tilespmem:s18+$0xFFFFFFF0] =	vst v19  }
0x183: {  	v30 =	vld [tilespmem:s18+$0xFFFFFF90];
	v62 =	vsel vm0, $0x3F800000, v60;
	v25 =	vmul.f32 v55, v41;
	[tilespmem:s18+$0xFFFFFFB0] =	vst v24  }
0x184: {  	v29 =	vld [tilespmem:s18+$0xFFFFFF80];
	v18 =	vsel vm0, $0x3F800000, v18;
	v63 =	vmul.f32 v62, v54;
	[tilespmem:s18+$0x30] =	vst v26  }
0x185: {  	v28 =	vsel vm0, $0x3F800000, v53;
	v18 =	vmul.f32 v18, v57;
	v19 =	vld [tilespmem:s18+$0x60];
	[tilespmem:s18+$0x70] =	vst v25  }
0x186: {  	v49 =	vld [tilespmem:s18+$0xFFFFFFC0];
	v46 =	vsel vm0, $0x3F800000, v43;
	v23 =	vmul.f32 v28, v44;
	[tilespmem:s18+$0x10] =	vst v63  }
0x187: {  	v51 =	vld [tilespmem:s18+$0xFFFFFFD0];
	v50 =	vsel vm0, $0x3F800000, v48;
	v21 =	vmul.f32 v46, v22;
	[tilespmem:s18+$0xFFFFFFA0] =	vst v18  }
0x188: {  	v31 =	vld [tilespmem:s18+$0x40];
	p0 =	sgt.u32 s17, $0x78F;
	v20 =	vsel vm0, $0x3F800000, v45;
	v24 =	vmul.f32 v50, v30;
	[tilespmem:s18+$0x0] =	vst v23  }
0x189: {  	s10 =	smul.u32 @!p0 $0x320, s17;
	v27 =	vsel vm0, $0x3F800000, v52;
	v20 =	vmul.f32 v20, v29;
	[tilespmem:s18+$0x20] =	vst v21  }
0x18a: {  	[tilespmem:s18+$0xFFFFFF90] =	vst v24;
	v24 =	vsel vm0, $0x3F800000, v58;
	v19 =	vmul.f32 v27, v19  }
0x18b: {  	s13 =	sadd.s32 @!p0 $0xC800, s10;
	[tilespmem:s18+$0xFFFFFF80] =	vst v20;
	v20 =	vsel vm0, $0x3F800000, v56;
	v61 =	vmul.f32 v24, v49  }
0x18c: {  	s19 =	smulhi.u32 @!p0 $0x51EB851F, s13;
	v20 =	vmul.f32 v20, v51;
	[tilespmem:s18+$0x60] =	vst v19;
	v19 =	vsel vm0, $0x3F800000, v59  }
0x18d: {  	[tilespmem:s18+$0xFFFFFFC0] =	vst v61;
	v19 =	vmul.f32 v19, v31  }
0x18e: {  	s19 =	sshrl.u32 @!p0 s19, $0xC;
	[tilespmem:s18+$0xFFFFFFD0] =	vst v20  }
0x18f: {  	[tilespmem:s18+$0x40] =	vst v19;
	s18 =	smul.u32 @!p0 $0x3200, s19  }
0x190: {  	[spmem:s4] =	stream.indirect.scatter.add.f32 [tilespmem:s29], [sflag:$0x3], $0x10, s25, s0, $0xb8;
	[tilespmem:$0x1FDF0] =	vst v63  }
0x191: {  	s18 =	ssub.s32 @!p0 s13, s18  }
0x192: {  	s9 =	simm.s32 @!p0 $0x0;
	s10 =	sshrl.u32 @!p0 s10, $0x3;
	s20 =	smul.u32 @!p0 $0x147B, s18  }
0x193: {  	s26 =	simm.s32 @!p0 $0x12750;
	s10 =	sadd.s32 @!p0 s8, s10;
	_ =	swait.ge [sflag:s22], $0x3200  }
0x194: {  	s13 =	sshrl.u32 @!p0 s13, $0x3;
	[sflag:s22] =	ssyncset.done $0x0;
	s20 =	sshrl.u32 @!p0 s20, $0x17  }
0x195: {  	s13 =	sadd.s32 @!p0 s8, s13;
	[sflag:s22] =	ssyncadd.s32 $0xFFFFCE00;
	s30 =	smul.u32 @!p0 $0x640, s20  }
0x196: {  	[tilespmem:s26], [sflag:$0x1] =	stream.linear.gather @!p0 [hbm4b:s13+s9], $0x320, $0x38;
	[tilespmem:$0x1FDF0] =	vst v63  }
0x197: {  	s10 =	sadd.s32 @!p0 $0x32640, s10;
	s13 =	ssub.s32 @!p0 s18, s30  }
0x198: {  	s18 =	smul.u32 @!p0 $0x640, s19;
	s19 =	simm.s32 @!p0 $0x12D90;
	s13 =	sand.u32 @!p0 $0xFFE0, s13  }
0x199: {  	[tilespmem:s19], [sflag:$0x1] =	stream.linear.gather @!p0 [hbm4b:s10+s9], $0x320, $0x38;
	[tilespmem:$0x1FDF0] =	vst v63  }
0x19a: {  	s10 =	sshll.u32 @!p0 s20, $0x1;
	s9 =	sadd.s32 @!p0 s13, s18  }
0x19b: {  	s10 =	sadd.s32 @!p0 s10, s7;
	s13 =	simm.s32 @!p0 $0x80;
	s9 =	sshll.u32 @!p0 s9, $0x4  }
0x19c: {  	s18 =	simm.s32 @!p0 $0xC350;
	s9 =	sadd.s32 @!p0 s9, s10;
	s10 =	simm.s32 @!p0 $0x10  }
0x19d: {  	[tilespmem:s18], [sflag:$0x1] =	stream.strided.gather @!p0 [hbm4b:s9+s10], $0x3200, s13, s10, $0x38;
	[tilespmem:$0x1FDF0] =	vst v63  }
.LBB2_22:
0x19e: {  	s17 =	sor.u32 $0x20, s17  }
0x19f: {  	p0 =	sgt.u32 s17, $0x7CF  }
.Ltmp16:
0x1a0: {  	_ = 	snop;
	(pc) =	sbr.rel @p0 .LBB2_26-.Ltmp16, $1  }
0x1a1: {  	_ =	sdelay $0x3  }
0x1a2: {  	_ =	swait.ge [sflag:s12], $0x320  }
0x1a3: {  	[sflag:s12] =	ssyncset.done $0x0  }
0x1a4: {  	[sflag:s12] =	ssyncadd.s32 $0xFFFFFCE0  }
0x1a5: {  	_ =	swait.ge [sflag:s12], $0x320  }
0x1a6: {  	[sflag:s12] =	ssyncset.done $0x0  }
0x1a7: {  	[sflag:s12] =	ssyncadd.s32 $0xFFFFFCE0  }
0x1a8: {  	_ =	swait.ge [sflag:s12], $0x3200  }
0x1a9: {  	s19 =	simm.s32 $0xF5D0;
	s20 =	simm.s32 $0x40;
	[sflag:s12] =	ssyncset.done $0x0  }
0x1aa: {  	s30 =	simm.s32 $0x0;
	s18 =	simm.s32 $0xF5D0;
	[sflag:s12] =	ssyncadd.s32 $0xFFFFCE00  }
.LBB2_24:
0x1ab: {  	p0 =	sne.s32 s20, $0xC40  }
0x1ac: {  	v18 =	vld [tilespmem:s30+$0x12A70];
	s19 =	sadd.s32 $0x100, s19;
	s9 =	smov.u32 s20;
	s20 =	sadd.s32 $0x40, s20  }
0x1ad: {  	_ =	sdelay $0x6  }
0x1ae: {  	v18 =	vld.idx.msk [tilespmem:v18+s5+$0x0], $0xffff;
	_ =	sdelay $0x2  }
0x1af: {  	v19 =	vld [tilespmem:s18+$0xFFFFFFF0]  }
0x1b0: {  	v20 =	vld [tilespmem:s18+$0x50]  }
0x1b1: {  	v21 =	vld [tilespmem:s18+$0xFFFFFFE0]  }
0x1b2: {  	v22 =	vperm.xlane v18, v2;
	v24 =	vperm.xlane v18, v14;
	v23 =	vld [tilespmem:s18+$0x20]  }
0x1b3: {  	vm0 =	veq.s32 v17, $0x8;
	v25 =	vperm.xlane v18, v4;
	v27 =	vperm.xlane v18, v11;
	v26 =	vld [tilespmem:s18+$0xFFFFFFB0]  }
0x1b4: {  	s30 =	sshra.s32 s9, $0x2;
	v28 =	vperm.xlane v18, v7;
	v29 =	vperm.xlane v18, v8;
	v24 =	vsel vm0, $0x3F800000, v24;
	v30 =	vld [tilespmem:s18+$0x30]  }
0x1b5: {  	v31 =	vperm.xlane v18, v1;
	v25 =	vsel vm0, $0x3F800000, v25;
	v32 =	vld [tilespmem:s18+$0xFFFFFF90];
	v20 =	vmul.f32 v24, v20  }
0x1b6: {  	v27 =	vsel vm0, $0x3F800000, v27;
	v24 =	vsel vm0, $0x3F800000, v28;
	v28 =	vperm.xlane v18, v12;
	v33 =	vld [tilespmem:s18+$0x70]  }
0x1b7: {  	v21 =	vmul.f32 v24, v21;
	v24 =	vsel vm0, $0x3F800000, v29;
	v34 =	vld [tilespmem:s18+$0xFFFFFF80];
	v23 =	vmul.f32 v27, v23  }
0x1b8: {  	v19 =	vmul.f32 v24, v19;
	v25 =	vmul.f32 v25, v26;
	v24 =	vld [tilespmem:s18+$0x0];
	v26 =	vsel vm0, $0x3F800000, v28;
	[tilespmem:s18+$0x50] =	vst v20  }
0x1b9: {  	v20 =	vsel vm0, $0x3F800000, v22;
	v22 =	vperm.xlane v18, v6;
	[tilespmem:s18+$0xFFFFFFE0] =	vst v21;
	v21 =	vmul.f32 v26, v30;
	v26 =	vld [tilespmem:s18+$0x40]  }
0x1ba: {  	v20 =	vmul.f32 v20, v32;
	[tilespmem:s18+$0xFFFFFFF0] =	vst v19;
	v19 =	vperm.xlane v18, v9;
	v27 =	vld [tilespmem:s18+$0x60]  }
0x1bb: {  	v28 =	vsel vm0, $0x3F800000, v31;
	v30 =	vperm.xlane v18, v16;
	v29 =	vld [tilespmem:s18+$0xFFFFFFC0];
	[tilespmem:s18+$0x20] =	vst v23;
	v23 =	vperm.xlane v18, v13  }
0x1bc: {  	v31 =	vperm.xlane v18, v15;
	v28 =	vmul.f32 v28, v34;
	[tilespmem:s18+$0xFFFFFFB0] =	vst v25;
	v25 =	vld [tilespmem:s18+$0xFFFFFFD0];
	v19 =	vsel vm0, $0x3F800000, v19  }
0x1bd: {  	v19 =	vmul.f32 v19, v24;
	v24 =	vld [tilespmem:s18+$0x10];
	[tilespmem:s18+$0x30] =	vst v21;
	v21 =	vsel vm0, $0x3F800000, v23;
	v23 =	vsel vm0, $0x3F800000, v30  }
0x1be: {  	[tilespmem:s18+$0xFFFFFF80] =	vst v28;
	v28 =	vld [tilespmem:s18+$0xFFFFFFA0];
	v21 =	vmul.f32 v21, v26;
	v26 =	vsel vm0, $0x3F800000, v31;
	v23 =	vmul.f32 v23, v33  }
0x1bf: {  	v22 =	vsel vm0, $0x3F800000, v22;
	[tilespmem:s18+$0xFFFFFF90] =	vst v20;
	v20 =	vperm.xlane v18, v5;
	v26 =	vmul.f32 v26, v27  }
0x1c0: {  	v27 =	vperm.xlane v18, v3;
	v18 =	vperm.xlane v18, v10;
	[tilespmem:s18+$0x70] =	vst v23  }
0x1c1: {  	v20 =	vsel vm0, $0x3F800000, v20;
	v22 =	vmul.f32 v22, v25;
	[tilespmem:s18+$0x60] =	vst v26  }
0x1c2: {  	v23 =	vsel vm0, $0x3F800000, v27;
	v18 =	vsel vm0, $0x3F800000, v18;
	v20 =	vmul.f32 v20, v29;
	[tilespmem:s18+$0x0] =	vst v19  }
.Ltmp17:
0x1c3: {  	v18 =	vmul.f32 v18, v24;
	v19 =	vmul.f32 v23, v28;
	[tilespmem:s18+$0xFFFFFFD0] =	vst v22;
	(pc) =	sbr.rel @p0 .LBB2_24-.Ltmp17, $4  }
0x1c4: {  	[tilespmem:s18+$0xFFFFFFC0] =	vst v20  }
0x1c5: {  	[tilespmem:s18+$0x40] =	vst v21  }
0x1c6: {  	[tilespmem:s18+$0x10] =	vst v18  }
0x1c7: {  	[tilespmem:s18+$0xFFFFFFA0] =	vst v19;
	s18 =	smov.u32 s19  }
0x1c8: {  	v18 =	vld [tilespmem:s30+$0x12A70];
	_ =	sdelay $0x7  }
0x1c9: {  	v18 =	vld.idx.msk [tilespmem:v18+s5+$0x0], $0xffff;
	_ =	sdelay $0x4  }
0x1ca: {  	v23 =	vperm.xlane v18, v14  }
0x1cb: {  	v20 =	vld [tilespmem:s18+$0x50];
	v25 =	vperm.xlane v18, v7;
	v26 =	vperm.xlane v18, v8  }
0x1cc: {  	v21 =	vld [tilespmem:s18+$0xFFFFFFE0];
	v28 =	vperm.xlane v18, v4;
	v43 =	vperm.xlane v18, v11  }
0x1cd: {  	v19 =	vld [tilespmem:s18+$0xFFFFFFF0];
	v45 =	vperm.xlane v18, v1;
	v47 =	vperm.xlane v18, v12  }
0x1ce: {  	v24 =	vld [tilespmem:s18+$0xFFFFFFB0];
	v48 =	vperm.xlane v18, v2;
	v32 =	vperm.xlane v18, v16  }
0x1cf: {  	v27 =	vld [tilespmem:s18+$0x30];
	v52 =	vperm.xlane v18, v15;
	v53 =	vperm.xlane v18, v9;
	v23 =	vsel vm0, $0x3F800000, v23  }
0x1d0: {  	v41 =	vld [tilespmem:s18+$0x70];
	v56 =	vperm.xlane v18, v6;
	v40 =	vsel vm0, $0x3F800000, v25;
	v20 =	vmul.f32 v23, v20  }
0x1d1: {  	v54 =	vld [tilespmem:s18+$0x10];
	v58 =	vperm.xlane v18, v5;
	v42 =	vsel vm0, $0x3F800000, v26;
	v21 =	vmul.f32 v40, v21  }
0x1d2: {  	v57 =	vld [tilespmem:s18+$0xFFFFFFA0];
	v59 =	vperm.xlane v18, v13;
	v28 =	vsel vm0, $0x3F800000, v28;
	v19 =	vmul.f32 v42, v19;
	[tilespmem:s18+$0x50] =	vst v20  }
0x1d3: {  	v44 =	vld [tilespmem:s18+$0x0];
	v60 =	vperm.xlane v18, v10;
	v26 =	vsel vm0, $0x3F800000, v47;
	v24 =	vmul.f32 v28, v24;
	[tilespmem:s18+$0xFFFFFFE0] =	vst v21  }
0x1d4: {  	v22 =	vld [tilespmem:s18+$0x20];
	v18 =	vperm.xlane v18, v3;
	v55 =	vsel vm0, $0x3F800000, v32;
	v26 =	vmul.f32 v26, v27;
	[tilespmem:s18+$0xFFFFFFF0] =	vst v19  }
0x1d5: {  	v30 =	vld [tilespmem:s18+$0xFFFFFF90];
	v62 =	vsel vm0, $0x3F800000, v60;
	v25 =	vmul.f32 v55, v41;
	[tilespmem:s18+$0xFFFFFFB0] =	vst v24  }
0x1d6: {  	v29 =	vld [tilespmem:s18+$0xFFFFFF80];
	v18 =	vsel vm0, $0x3F800000, v18;
	v63 =	vmul.f32 v62, v54;
	[tilespmem:s18+$0x30] =	vst v26  }
0x1d7: {  	p0 =	sgt.u32 s17, $0x78F;
	v28 =	vsel vm0, $0x3F800000, v53;
	v18 =	vmul.f32 v18, v57;
	v19 =	vld [tilespmem:s18+$0x60];
	[tilespmem:s18+$0x70] =	vst v25  }
0x1d8: {  	v49 =	vld [tilespmem:s18+$0xFFFFFFC0];
	s9 =	smul.u32 @!p0 $0x320, s17;
	v46 =	vsel vm0, $0x3F800000, v43;
	v23 =	vmul.f32 v28, v44;
	[tilespmem:s18+$0x10] =	vst v63  }
0x1d9: {  	v51 =	vld [tilespmem:s18+$0xFFFFFFD0];
	v50 =	vsel vm0, $0x3F800000, v48;
	v21 =	vmul.f32 v46, v22;
	[tilespmem:s18+$0xFFFFFFA0] =	vst v18  }
0x1da: {  	v31 =	vld [tilespmem:s18+$0x40];
	s10 =	sadd.s32 @!p0 $0xC800, s9;
	v20 =	vsel vm0, $0x3F800000, v45;
	v24 =	vmul.f32 v50, v30;
	[tilespmem:s18+$0x0] =	vst v23  }
0x1db: {  	s13 =	smulhi.u32 @!p0 $0x51EB851F, s10;
	v27 =	vsel vm0, $0x3F800000, v52;
	v20 =	vmul.f32 v20, v29;
	[tilespmem:s18+$0x20] =	vst v21  }
0x1dc: {  	[tilespmem:s18+$0xFFFFFF90] =	vst v24;
	v24 =	vsel vm0, $0x3F800000, v58;
	v19 =	vmul.f32 v27, v19  }
0x1dd: {  	s13 =	sshrl.u32 @!p0 s13, $0xC;
	[tilespmem:s18+$0xFFFFFF80] =	vst v20;
	v20 =	vsel vm0, $0x3F800000, v56;
	v61 =	vmul.f32 v24, v49  }
0x1de: {  	s17 =	smul.u32 @!p0 $0x3200, s13;
	v20 =	vmul.f32 v20, v51;
	[tilespmem:s18+$0x60] =	vst v19;
	v19 =	vsel vm0, $0x3F800000, v59  }
0x1df: {  	[tilespmem:s18+$0xFFFFFFC0] =	vst v61;
	v19 =	vmul.f32 v19, v31  }
0x1e0: {  	s9 =	sshrl.u32 @!p0 s9, $0x3;
	s17 =	ssub.s32 @!p0 s10, s17;
	[tilespmem:s18+$0xFFFFFFD0] =	vst v20  }
0x1e1: {  	s20 =	simm.s32 @!p0 $0x0;
	s9 =	sadd.s32 @!p0 s8, s9;
	[tilespmem:s18+$0x40] =	vst v19;
	s18 =	smul.u32 @!p0 $0x147B, s17  }
0x1e2: {  	[spmem:s4] =	stream.indirect.scatter.add.f32 [tilespmem:s3], [sflag:$0x3], $0x10, s31, s0, $0xb8;
	[tilespmem:$0x1FDF0] =	vst v63  }
0x1e3: {  	s26 =	simm.s32 @!p0 $0x12A70;
	s9 =	sadd.s32 @!p0 $0x32640, s9;
	_ =	swait.ge [sflag:s22], $0x3200  }
0x1e4: {  	s10 =	sshrl.u32 @!p0 s10, $0x3;
	s18 =	sshrl.u32 @!p0 s18, $0x17;
	[sflag:s22] =	ssyncset.done $0x0  }
0x1e5: {  	s10 =	sadd.s32 @!p0 s8, s10;
	s19 =	smul.u32 @!p0 $0x640, s18;
	[sflag:s22] =	ssyncadd.s32 $0xFFFFCE00  }
0x1e6: {  	[tilespmem:s26], [sflag:$0x2] =	stream.linear.gather @!p0 [hbm4b:s10+s20], $0x320, $0x38;
	[tilespmem:$0x1FDF0] =	vst v63  }
0x1e7: {  	s13 =	smul.u32 @!p0 $0x640, s13;
	s10 =	ssub.s32 @!p0 s17, s19;
	s17 =	simm.s32 @!p0 $0x130B0  }
0x1e8: {  	[tilespmem:s17], [sflag:$0x2] =	stream.linear.gather @!p0 [hbm4b:s9+s20], $0x320, $0x38;
	[tilespmem:$0x1FDF0] =	vst v63  }
.Ltmp18:
0x1e9: {  	s10 =	sand.u32 @!p0 $0xFFE0, s10;
	(pc) =	sbr.rel .LBB2_26-.Ltmp18, $4  }
0x1ea: {  	s9 =	sadd.s32 @!p0 s10, s13;
	s10 =	sshll.u32 @!p0 s18, $0x1  }
0x1eb: {  	s13 =	simm.s32 @!p0 $0x80;
	s9 =	sshll.u32 @!p0 s9, $0x4;
	s10 =	sadd.s32 @!p0 s10, s7  }
0x1ec: {  	s17 =	simm.s32 @!p0 $0xF550;
	s9 =	sadd.s32 @!p0 s9, s10;
	s10 =	simm.s32 @!p0 $0x10  }
0x1ed: {  	[tilespmem:s17], [sflag:$0x2] =	stream.strided.gather @!p0 [hbm4b:s9+s10], $0x3200, s13, s10, $0x38;
	[tilespmem:$0x1FDF0] =	vst v63  }
.LBB2_28:
0x1ee: {  	_ =	sfence.sel $0x180000  }
0x1ef: {  	[bflag:$0x0] =	sbarrier.arrive $0xFFFF  }
0x1f0: {  	_ =	strace $0x90000047  }
0x1f1: {  	s0 =	stileid.u32;
	[bflag:$0x2] =	sbarrier.arrive $0xFFFF  }
0x1f2: {  	p0 =	sne.s32 s0, $0x0;
	s0 =	rddreg [dreg:$0x3]  }
0x1f3: {  	s0 =	sadd.s32 @!p0 $0x100000, s0  }
0x1f4: {  	[sflag:s0] =	ssyncadd.tile.s32 @!p0 $0x1;
	_ =	shalt  }
.Lfunc_end2:
_tile_overlayer_lowered:
.L_overlay_start_2:
0x1f5: {  	(tag) =	ssettag $0x2  }
0x1f6: {  	s0 =	rddreg [dreg:$0x0];
	s2 =	stileid.u32  }
0x1f7: {  	s1 =	rddreg [dreg:$0x1];
	p0 =	sne.s32 s2, $0x0  }
0x1f8: {  	s3 =	rddreg [dreg:$0x2];
	[bflag:$0x3] =	sbarrier.arrive $0xFFFF;
	s2 =	simm.s32 @!p0 $0x1C03  }
0x1f9: {  	[timem:s3], [sflag:s2] =	dma.local @!p0 [hbm:s0], s1  }
0x1fa: {  	s0 =	simm.s32 @!p0 $0x3  }
0x1fb: {  	_ =	swait.ge @!p0 [sflag:s0], s1  }
0x1fc: {  	s1 =	ssub.s32 @!p0 $0x0, s1;
	[sflag:s0] =	ssyncset.done @!p0 $0x0  }
0x1fd: {  	[sflag:s0] =	ssyncadd.s32 @!p0 s1  }
0x1fe: {  	[bflag:$0x3] =	sbarrier.arrive $0xFFFF  }
0x1ff: {  	_ =	shalt  }

</sc_bundles>
